<compile_context>
chip_gen: v7x
topology: tpu7x:2x2x1
jax: 0.10.2.dev20260603
libtpu: 0.0.44.dev20260713+nightly
codegen_flags: <defaults>
</compile_context>

<pallas_src>
import functools

import jax
import jax.numpy as jnp
from jax import lax
from jax.experimental import pallas as pl
from jax.experimental.pallas import tpu as pltpu
from jax.experimental.pallas import tpu_sc as plsc

_CH = 32
_WPB = 8


def _make_sc_kernel(B, S, F, NW):
    mesh = plsc.VectorSubcoreMesh(core_axis_name="c", subcore_axis_name="s")
    n_local = S // _CH // _WPB
    stride = _CH * _WPB

    @functools.partial(
        pl.kernel,
        out_type=jax.ShapeDtypeStruct((B, S, F), jnp.float32),
        mesh=mesh,
        scratch_types=[
            pltpu.VMEM((_CH, F), jnp.float32),
            pltpu.VMEM((_CH, F), jnp.float32),
            pltpu.VMEM((_CH, F), jnp.float32),
            pltpu.VMEM((1, 16), jnp.int32),
            pltpu.SemaphoreType.DMA,
            pltpu.SemaphoreType.DMA,
            pltpu.SemaphoreType.DMA,
            pltpu.SemaphoreType.DMA,
            pltpu.SemaphoreType.DMA,
        ],
    )
    def sc_kernel(x_hbm, params_hbm, fill_hbm, out_hbm,
                  fillbuf, stage0, stage1, pbuf,
                  sf, si0, si1, so0, so1):
        wid = lax.axis_index("c") * 16 + lax.axis_index("s")
        b = wid // _WPB
        seg = wid % _WPB

        pltpu.make_async_copy(fill_hbm, fillbuf, si0).start()
        pltpu.make_async_copy(params_hbm.at[wid], pbuf, si1).start()
        pltpu.make_async_copy(params_hbm.at[wid], pbuf, si1).wait()
        pltpu.make_async_copy(fill_hbm, fillbuf, si0).wait()
        v = pbuf[0, :]
        n_copy = v[0]
        frac = v[1]
        owner = (frac > 0).astype(jnp.int32)

        def rowof(i):
            return seg * _CH + i * stride

        def cin(i, stg, sem):
            return pltpu.make_async_copy(
                x_hbm.at[b, pl.ds(rowof(i), _CH)], stg, sem)

        def cout(i, stg, sem):
            return pltpu.make_async_copy(
                stg, out_hbm.at[b, pl.ds(rowof(i), _CH)], sem)

        def fdma(i):
            return pltpu.make_async_copy(
                fillbuf, out_hbm.at[b, pl.ds(rowof(i), _CH)], sf)

        n_fill0 = n_copy + owner

        def fire_fill(i, c):
            fdma(i).start()
            return c

        lax.fori_loop(n_fill0, n_local, fire_fill, 0)

        @pl.when(n_copy > 0)
        def _():
            cin(0, stage0, si0).start()

        @pl.when(n_copy > 1)
        def _():
            cin(1, stage1, si1).start()

        def copy_body(i, c):
            even = i % 2 == 0

            @pl.when(even)
            def _():
                cin(i, stage0, si0).wait()
                cout(i, stage0, so0).start()

                @pl.when(i + 2 < n_copy)
                def _():
                    cout(i, stage0, so0).wait()
                    cin(i + 2, stage0, si0).start()

            @pl.when(jnp.logical_not(even))
            def _():
                cin(i, stage1, si1).wait()
                cout(i, stage1, so1).start()

                @pl.when(i + 2 < n_copy)
                def _():
                    cout(i, stage1, so1).wait()
                    cin(i + 2, stage1, si1).start()

            return c

        lax.fori_loop(0, n_copy, copy_body, 0)

        def drain(i):
            @pl.when(i % 2 == 0)
            def _():
                cout(i, stage0, so0).wait()

            @pl.when(i % 2 == 1)
            def _():
                cout(i, stage1, so1).wait()

        @pl.when(n_copy > 1)
        def _():
            drain(n_copy - 2)

        @pl.when(n_copy > 0)
        def _():
            drain(n_copy - 1)

        @pl.when(frac > 0)
        def _():
            row = rowof(n_copy)
            pltpu.sync_copy(x_hbm.at[b, pl.ds(row, _CH)], stage0)

            def patch(r, c):
                for j in range(F // 16):
                    stage0[r, pl.ds(j * 16, 16)] = fillbuf[0, pl.ds(j * 16, 16)]
                return c

            lax.fori_loop(frac, _CH, patch, 0)
            pltpu.sync_copy(stage0, out_hbm.at[b, pl.ds(row, _CH)])

        def drain_fill(i, c):
            fdma(i).wait()
            return c

        lax.fori_loop(n_fill0, n_local, drain_fill, 0)

    return sc_kernel


def kernel(x, lens, output_mask):
    B, S, F = x.shape
    NW = B * _WPB
    n_local = S // _CH // _WPB
    lens_i = lens.astype(jnp.int32)
    wids = jnp.arange(NW, dtype=jnp.int32)
    cut = jnp.clip(lens_i[wids // _WPB], 0, S)
    gc = cut // _CH
    frac_b = cut - gc * _CH
    seg = wids % _WPB
    n_copy = jnp.clip((gc - seg + (_WPB - 1)) // _WPB, 0, n_local)
    owner = (frac_b > 0) & (gc % _WPB == seg)
    frac = jnp.where(owner, frac_b, 0)
    params = jnp.stack([n_copy, frac], axis=1)
    params = jnp.pad(params, ((0, 0), (0, 14)))[:, None, :]
    fill = jnp.broadcast_to(output_mask[None, :], (_CH, F))
    return _make_sc_kernel(B, S, F, NW)(x, params, fill)

# --- scband reference (transcript-rebuilt; emitter-appended) ---
"""Pipeline reference for scband-masking-82403242541714 (READ-ONLY COPY).

The authoritative reference and input builder live on the scoring server;
editing this copy changes nothing except your own understanding.
"""

import jax, jax.numpy as jnp
import numpy as np

BATCH = 4
SEQ = 8192
INPUT_SIZE = 1024
MASK_VALUE = -1000000000.0
INDICES_TO_MASK = [-1]


def _build_output_mask():
    om = jnp.full((INPUT_SIZE,), MASK_VALUE, dtype=jnp.float32)
    for idx in INDICES_TO_MASK:
        om = om.at[idx].set(1.0)
    return om


def setup_inputs(seed: int = 0) -> dict:
    key = jax.random.key(seed)
    k1, k2 = jax.random.split(key)
    x = jax.random.normal(k1, (BATCH, SEQ, INPUT_SIZE), dtype=jnp.float32)
    lens = jax.random.randint(k2, (BATCH,), 0, SEQ)
    output_mask = _build_output_mask()
    return {"x": x, "lens": lens, "output_mask": output_mask}


def reference(x, lens, output_mask):
    # batch_first=True: x is (batch, seq, feature)
    seq_len = x.shape[1]
    padding_mask = jnp.arange(seq_len)[None, :] >= lens[:, None]  # (B, S)
    # torch: x[padding_mask] = output_mask  -> overwrite masked rows with the buffer
    out = jnp.where(padding_mask[:, :, None], output_mask[None, None, :], x)
    return out

if __name__ == "__main__":
    import jax
    _d = setup_inputs()
    print(jax.jit(kernel)(*tuple(_d.values())))

</pallas_src>

<mosaic_0001>
#map = affine_map<(d0, d1) -> (0, 0, 0)>
#map1 = affine_map<(d0, d1) -> (0, 0)>
module attributes {stable_mosaic.version = 14 : i64} {
  func.func @sc_kernel(%arg0: i32, %arg1: i32, %arg2: memref<4x8192x1024xf32, #tpu.memory_space<hbm>>, %arg3: memref<32x1x16xi32, #tpu.memory_space<hbm>>, %arg4: memref<32x1024xf32, #tpu.memory_space<hbm>>, %arg5: memref<4x8192x1024xf32, #tpu.memory_space<hbm>>, %arg6: memref<32x1024xf32, #tpu.memory_space<vmem>>, %arg7: memref<32x1024xf32, #tpu.memory_space<vmem>>, %arg8: memref<32x1024xf32, #tpu.memory_space<vmem>>, %arg9: memref<1x16xi32, #tpu.memory_space<vmem>>, %arg10: memref<!tpu.dma_semaphore, #tpu.memory_space<semaphore_mem>>, %arg11: memref<!tpu.dma_semaphore, #tpu.memory_space<semaphore_mem>>, %arg12: memref<!tpu.dma_semaphore, #tpu.memory_space<semaphore_mem>>, %arg13: memref<!tpu.dma_semaphore, #tpu.memory_space<semaphore_mem>>, %arg14: memref<!tpu.dma_semaphore, #tpu.memory_space<semaphore_mem>>) attributes {dimension_semantics = [#tpu.dimension_semantics<core_parallel>, #tpu.dimension_semantics<subcore_parallel>], iteration_bounds = array<i64: 2, 16>, scalar_prefetch = 0 : i64, scratch_operands = 9 : i64, tpu.core_type = #tpu.core_type<sc_vector_subcore>, window_params = [{transform_indices = #map}, {transform_indices = #map}, {transform_indices = #map1}, {transform_indices = #map}]} {
    %mul3A = arith.constant 16 : i32
    %mul3A_0 = arith.muli %arg0, %mul3A : i32
    %add3A = arith.addi %mul3A_0, %arg1 : i32
    %jit3A = arith.constant 8 : i32
    %div3A = arith.divsi %add3A, %jit3A : i32
    %sign3A = arith.constant 0 : i32
    %sign3A_1 = arith.cmpi sgt, %add3A, %sign3A : i32
    %sign3A_2 = arith.extui %sign3A_1 : i1 to i32
    %sign3A_3 = arith.constant 0 : i32
    %sign3A_4 = arith.cmpi slt, %add3A, %sign3A_3 : i32
    %sign3A_5 = arith.extui %sign3A_4 : i1 to i32
    %sign3A_6 = arith.subi %sign3A_2, %sign3A_5 : i32
    %sign3A_7 = arith.constant 0 : i32
    %sign3A_8 = arith.cmpi sgt, %jit3A, %sign3A_7 : i32
    %sign3A_9 = arith.extui %sign3A_8 : i1 to i32
    %sign3A_10 = arith.constant 0 : i32
    %sign3A_11 = arith.cmpi slt, %jit3A, %sign3A_10 : i32
    %sign3A_12 = arith.extui %sign3A_11 : i1 to i32
    %sign3A_13 = arith.subi %sign3A_9, %sign3A_12 : i32
    %ne3A = arith.cmpi ne, %sign3A_6, %sign3A_13 : i32
    %rem3A = arith.remsi %add3A, %jit3A : i32
    %ne3A_14 = arith.constant 0 : i32
    %ne3A_15 = arith.cmpi ne, %rem3A, %ne3A_14 : i32
    %and3A = arith.andi %ne3A, %ne3A_15 : i1
    %sub3A = arith.constant 1 : i32
    %sub3A_16 = arith.subi %div3A, %sub3A : i32
    %select_n3A = arith.select %and3A, %sub3A_16, %div3A : i32
    %jit3A_17 = arith.constant 8 : i32
    %eq3A = arith.constant 0 : i32
    %eq3A_18 = arith.cmpi eq, %jit3A_17, %eq3A : i32
    %jit3A_19 = arith.constant 1 : i32
    %select_n3A_20 = arith.select %eq3A_18, %jit3A_19, %jit3A_17 : i32
    %rem3A_21 = arith.remsi %add3A, %select_n3A_20 : i32
    %ne3A_22 = arith.constant 0 : i32
    %ne3A_23 = arith.cmpi ne, %rem3A_21, %ne3A_22 : i32
    %lt3A = arith.constant 0 : i32
    %lt3A_24 = arith.cmpi slt, %rem3A_21, %lt3A : i32
    %lt3A_25 = arith.constant 0 : i32
    %lt3A_26 = arith.cmpi slt, %select_n3A_20, %lt3A_25 : i32
    %ne3A_27 = arith.xori %lt3A_24, %lt3A_26 : i1
    %and3A_28 = arith.andi %ne3A_27, %ne3A_23 : i1
    %add3A_29 = arith.addi %rem3A_21, %select_n3A_20 : i32
    %select_n3A_30 = arith.select %and3A_28, %add3A_29, %rem3A_21 : i32
    tpu.enqueue_dma source(%arg4 : memref<32x1024xf32, #tpu.memory_space<hbm>>) target(%arg6 : memref<32x1024xf32, #tpu.memory_space<vmem>>) target_semaphore(%arg11 : memref<!tpu.dma_semaphore, #tpu.memory_space<semaphore_mem>>)
    %dma_start3A = arith.constant 0 : i32
    %dma_start3A_31 = arith.constant 0 : i32
    %dma_start3A_32 = tpu.memref_slice %arg3[%add3A, %dma_start3A, %dma_start3A_31] : memref<32x1x16xi32, #tpu.memory_space<hbm>> -> memref<1x1x16xi32, #tpu.memory_space<hbm>>
    %dma_start3A_33 = tpu.memref_squeeze %dma_start3A_32 : memref<1x1x16xi32, #tpu.memory_space<hbm>> -> memref<1x16xi32, #tpu.memory_space<hbm>>
    %dma_start3A_34 = arith.constant 0 : i32
    %dma_start3A_35 = arith.constant 0 : i32
    %dma_start3A_36 = tpu.memref_slice %arg3[%add3A, %dma_start3A_34, %dma_start3A_35] : memref<32x1x16xi32, #tpu.memory_space<hbm>> -> memref<1x1x16xi32, #tpu.memory_space<hbm>>
    %dma_start3A_37 = tpu.memref_squeeze %dma_start3A_36 : memref<1x1x16xi32, #tpu.memory_space<hbm>> -> memref<1x16xi32, #tpu.memory_space<hbm>>
    tpu.enqueue_dma source(%dma_start3A_37 : memref<1x16xi32, #tpu.memory_space<hbm>>) target(%arg9 : memref<1x16xi32, #tpu.memory_space<vmem>>) target_semaphore(%arg12 : memref<!tpu.dma_semaphore, #tpu.memory_space<semaphore_mem>>)
    %dma_wait3A = arith.constant 0 : i32
    %dma_wait3A_38 = arith.constant 0 : i32
    %dma_wait3A_39 = tpu.memref_slice %arg3[%add3A, %dma_wait3A, %dma_wait3A_38] : memref<32x1x16xi32, #tpu.memory_space<hbm>> -> memref<1x1x16xi32, #tpu.memory_space<hbm>>
    %dma_wait3A_40 = tpu.memref_squeeze %dma_wait3A_39 : memref<1x1x16xi32, #tpu.memory_space<hbm>> -> memref<1x16xi32, #tpu.memory_space<hbm>>
    %dma_wait3A_41 = arith.constant 0 : i32
    %dma_wait3A_42 = arith.constant 0 : i32
    %dma_wait3A_43 = tpu.memref_slice %arg3[%add3A, %dma_wait3A_41, %dma_wait3A_42] : memref<32x1x16xi32, #tpu.memory_space<hbm>> -> memref<1x1x16xi32, #tpu.memory_space<hbm>>
    %dma_wait3A_44 = tpu.memref_squeeze %dma_wait3A_43 : memref<1x1x16xi32, #tpu.memory_space<hbm>> -> memref<1x16xi32, #tpu.memory_space<hbm>>
    tpu.wait_dma2 semaphore(%arg12 : memref<!tpu.dma_semaphore, #tpu.memory_space<semaphore_mem>>) src(%dma_wait3A_44 : memref<1x16xi32, #tpu.memory_space<hbm>>) dst(%arg9 : memref<1x16xi32, #tpu.memory_space<vmem>>)
    tpu.wait_dma2 semaphore(%arg11 : memref<!tpu.dma_semaphore, #tpu.memory_space<semaphore_mem>>) src(%arg4 : memref<32x1024xf32, #tpu.memory_space<hbm>>) dst(%arg6 : memref<32x1024xf32, #tpu.memory_space<vmem>>)
    %get3A = arith.constant 0 : i32
    %get3A_45 = arith.index_cast %get3A : i32 to index
    %get3A_46 = arith.constant 0 : index
    %get3A_47 = tpu.vector_load %arg9[%get3A_45, %get3A_46] {strides = array<i32>} : memref<1x16xi32, #tpu.memory_space<vmem>>, vector<1x16xi32>,
    %get3A_48 = vector.shape_cast %get3A_47 : vector<1x16xi32> to vector<16xi32>
    %slice3A = vector.extract_strided_slice %get3A_48 {offsets = [0], sizes = [1], strides = [1]} : vector<16xi32> to vector<1xi32>
    %squeeze3A = vector.extract %slice3A[0] : i32 from vector<1xi32>
    %slice3A_49 = vector.extract_strided_slice %get3A_48 {offsets = [1], sizes = [1], strides = [1]} : vector<16xi32> to vector<1xi32>
    %squeeze3A_50 = vector.extract %slice3A_49[0] : i32 from vector<1xi32>
    %gt3A = arith.constant 0 : i32
    %gt3A_51 = arith.cmpi sgt, %squeeze3A_50, %gt3A : i32
    %convert_element_type3A = arith.extui %gt3A_51 : i1 to i32
    %add3A_52 = arith.addi %squeeze3A, %convert_element_type3A : i32
    %while3A = arith.constant 0 : i32
    %while3A_53 = arith.constant 32 : i32
    %while3A_54 = arith.subi %while3A_53, %add3A_52 : i32
    %while3A_55 = arith.addi %add3A_52, %while3A_54 : i32
    %while3A_56 = arith.constant 1 : i32
    %while3A_57 = arith.divsi %while3A_54, %while3A_56 : i32
    %while3A_58 = arith.muli %while3A_57, %while3A_56 : i32
    %while3A_59 = arith.addi %add3A_52, %while3A_58 : i32
    %while3A_60 = arith.constant 1 : i32
    scf.for %while3A_106 = %add3A_52 to %while3A_59 step %while3A_60  : i32 {
      %mul3A_107 = arith.constant 32 : i32
      %mul3A_108 = arith.muli %select_n3A_30, %mul3A_107 : i32
      %mul3A_109 = arith.constant 256 : i32
      %mul3A_110 = arith.muli %while3A_106, %mul3A_109 : i32
      %add3A_111 = arith.addi %mul3A_108, %mul3A_110 : i32
      %dma_start3A_112 = arith.constant 0 : i32
      %dma_start3A_113 = tpu.memref_slice %arg5[%select_n3A, %add3A_111, %dma_start3A_112] : memref<4x8192x1024xf32, #tpu.memory_space<hbm>> -> memref<1x32x1024xf32, #tpu.memory_space<hbm>>
      %dma_start3A_114 = tpu.memref_squeeze %dma_start3A_113 : memref<1x32x1024xf32, #tpu.memory_space<hbm>> -> memref<32x1024xf32, #tpu.memory_space<hbm>>
      %dma_start3A_115 = arith.constant 0 : i32
      %dma_start3A_116 = tpu.memref_slice %arg5[%select_n3A, %add3A_111, %dma_start3A_115] : memref<4x8192x1024xf32, #tpu.memory_space<hbm>> -> memref<1x32x1024xf32, #tpu.memory_space<hbm>>
      %dma_start3A_117 = tpu.memref_squeeze %dma_start3A_116 : memref<1x32x1024xf32, #tpu.memory_space<hbm>> -> memref<32x1024xf32, #tpu.memory_space<hbm>>
      tpu.enqueue_dma source(%arg6 : memref<32x1024xf32, #tpu.memory_space<vmem>>) target(%dma_start3A_117 : memref<32x1024xf32, #tpu.memory_space<hbm>>) target_semaphore(%arg10 : memref<!tpu.dma_semaphore, #tpu.memory_space<semaphore_mem>>)
    }
    %while3A_61 = arith.constant 1 : i32
    scf.for %while3A_106 = %while3A_59 to %while3A_55 step %while3A_61  : i32 {
      %mul3A_107 = arith.constant 32 : i32
      %mul3A_108 = arith.muli %select_n3A_30, %mul3A_107 : i32
      %mul3A_109 = arith.constant 256 : i32
      %mul3A_110 = arith.muli %while3A_106, %mul3A_109 : i32
      %add3A_111 = arith.addi %mul3A_108, %mul3A_110 : i32
      %dma_start3A_112 = arith.constant 0 : i32
      %dma_start3A_113 = tpu.memref_slice %arg5[%select_n3A, %add3A_111, %dma_start3A_112] : memref<4x8192x1024xf32, #tpu.memory_space<hbm>> -> memref<1x32x1024xf32, #tpu.memory_space<hbm>>
      %dma_start3A_114 = tpu.memref_squeeze %dma_start3A_113 : memref<1x32x1024xf32, #tpu.memory_space<hbm>> -> memref<32x1024xf32, #tpu.memory_space<hbm>>
      %dma_start3A_115 = arith.constant 0 : i32
      %dma_start3A_116 = tpu.memref_slice %arg5[%select_n3A, %add3A_111, %dma_start3A_115] : memref<4x8192x1024xf32, #tpu.memory_space<hbm>> -> memref<1x32x1024xf32, #tpu.memory_space<hbm>>
      %dma_start3A_117 = tpu.memref_squeeze %dma_start3A_116 : memref<1x32x1024xf32, #tpu.memory_space<hbm>> -> memref<32x1024xf32, #tpu.memory_space<hbm>>
      tpu.enqueue_dma source(%arg6 : memref<32x1024xf32, #tpu.memory_space<vmem>>) target(%dma_start3A_117 : memref<32x1024xf32, #tpu.memory_space<hbm>>) target_semaphore(%arg10 : memref<!tpu.dma_semaphore, #tpu.memory_space<semaphore_mem>>)
    }
    %gt3A_62 = arith.constant 0 : i32
    %gt3A_63 = arith.cmpi sgt, %squeeze3A, %gt3A_62 : i32
    %convert_element_type3A_64 = arith.extui %gt3A_63 : i1 to i32
    %cond3A = arith.constant 0 : i32
    %cond3A_65 = arith.cmpi ne, %convert_element_type3A_64, %cond3A : i32
    scf.if %cond3A_65 {
      %mul3A_106 = arith.constant 32 : i32
      %mul3A_107 = arith.muli %select_n3A_30, %mul3A_106 : i32
      %add3A_108 = arith.constant 0 : i32
      %add3A_109 = arith.addi %mul3A_107, %add3A_108 : i32
      %dma_start3A_110 = arith.constant 0 : i32
      %dma_start3A_111 = tpu.memref_slice %arg2[%select_n3A, %add3A_109, %dma_start3A_110] : memref<4x8192x1024xf32, #tpu.memory_space<hbm>> -> memref<1x32x1024xf32, #tpu.memory_space<hbm>>
      %dma_start3A_112 = tpu.memref_squeeze %dma_start3A_111 : memref<1x32x1024xf32, #tpu.memory_space<hbm>> -> memref<32x1024xf32, #tpu.memory_space<hbm>>
      %dma_start3A_113 = arith.constant 0 : i32
      %dma_start3A_114 = tpu.memref_slice %arg2[%select_n3A, %add3A_109, %dma_start3A_113] : memref<4x8192x1024xf32, #tpu.memory_space<hbm>> -> memref<1x32x1024xf32, #tpu.memory_space<hbm>>
      %dma_start3A_115 = tpu.memref_squeeze %dma_start3A_114 : memref<1x32x1024xf32, #tpu.memory_space<hbm>> -> memref<32x1024xf32, #tpu.memory_space<hbm>>
      tpu.enqueue_dma source(%dma_start3A_115 : memref<32x1024xf32, #tpu.memory_space<hbm>>) target(%arg7 : memref<32x1024xf32, #tpu.memory_space<vmem>>) target_semaphore(%arg11 : memref<!tpu.dma_semaphore, #tpu.memory_space<semaphore_mem>>)
    } else {
    }
    %gt3A_66 = arith.constant 1 : i32
    %gt3A_67 = arith.cmpi sgt, %squeeze3A, %gt3A_66 : i32
    %convert_element_type3A_68 = arith.extui %gt3A_67 : i1 to i32
    %cond3A_69 = arith.constant 0 : i32
    %cond3A_70 = arith.cmpi ne, %convert_element_type3A_68, %cond3A_69 : i32
    scf.if %cond3A_70 {
      %mul3A_106 = arith.constant 32 : i32
      %mul3A_107 = arith.muli %select_n3A_30, %mul3A_106 : i32
      %add3A_108 = arith.constant 256 : i32
      %add3A_109 = arith.addi %mul3A_107, %add3A_108 : i32
      %dma_start3A_110 = arith.constant 0 : i32
      %dma_start3A_111 = tpu.memref_slice %arg2[%select_n3A, %add3A_109, %dma_start3A_110] : memref<4x8192x1024xf32, #tpu.memory_space<hbm>> -> memref<1x32x1024xf32, #tpu.memory_space<hbm>>
      %dma_start3A_112 = tpu.memref_squeeze %dma_start3A_111 : memref<1x32x1024xf32, #tpu.memory_space<hbm>> -> memref<32x1024xf32, #tpu.memory_space<hbm>>
      %dma_start3A_113 = arith.constant 0 : i32
      %dma_start3A_114 = tpu.memref_slice %arg2[%select_n3A, %add3A_109, %dma_start3A_113] : memref<4x8192x1024xf32, #tpu.memory_space<hbm>> -> memref<1x32x1024xf32, #tpu.memory_space<hbm>>
      %dma_start3A_115 = tpu.memref_squeeze %dma_start3A_114 : memref<1x32x1024xf32, #tpu.memory_space<hbm>> -> memref<32x1024xf32, #tpu.memory_space<hbm>>
      tpu.enqueue_dma source(%dma_start3A_115 : memref<32x1024xf32, #tpu.memory_space<hbm>>) target(%arg8 : memref<32x1024xf32, #tpu.memory_space<vmem>>) target_semaphore(%arg12 : memref<!tpu.dma_semaphore, #tpu.memory_space<semaphore_mem>>)
    } else {
    }
    %while3A_71 = arith.constant 0 : i32
    %while3A_72 = arith.constant 0 : i32
    %while3A_73 = arith.subi %squeeze3A, %while3A_72 : i32
    %while3A_74 = arith.addi %while3A_72, %while3A_73 : i32
    %while3A_75 = arith.constant 1 : i32
    %while3A_76 = arith.divsi %while3A_73, %while3A_75 : i32
    %while3A_77 = arith.muli %while3A_76, %while3A_75 : i32
    %while3A_78 = arith.addi %while3A_72, %while3A_77 : i32
    %while3A_79 = arith.constant 1 : i32
    scf.for %while3A_106 = %while3A_72 to %while3A_78 step %while3A_79  : i32 {
      %jit3A_107 = arith.constant 2 : i32
      %eq3A_108 = arith.constant 0 : i32
      %eq3A_109 = arith.cmpi eq, %jit3A_107, %eq3A_108 : i32
      %jit3A_110 = arith.constant 1 : i32
      %select_n3A_111 = arith.select %eq3A_109, %jit3A_110, %jit3A_107 : i32
      %rem3A_112 = arith.remsi %while3A_106, %select_n3A_111 : i32
      %ne3A_113 = arith.constant 0 : i32
      %ne3A_114 = arith.cmpi ne, %rem3A_112, %ne3A_113 : i32
      %lt3A_115 = arith.constant 0 : i32
      %lt3A_116 = arith.cmpi slt, %rem3A_112, %lt3A_115 : i32
      %lt3A_117 = arith.constant 0 : i32
      %lt3A_118 = arith.cmpi slt, %select_n3A_111, %lt3A_117 : i32
      %ne3A_119 = arith.xori %lt3A_116, %lt3A_118 : i1
      %and3A_120 = arith.andi %ne3A_119, %ne3A_114 : i1
      %add3A_121 = arith.addi %rem3A_112, %select_n3A_111 : i32
      %select_n3A_122 = arith.select %and3A_120, %add3A_121, %rem3A_112 : i32
      %eq3A_123 = arith.constant 0 : i32
      %eq3A_124 = arith.cmpi eq, %select_n3A_122, %eq3A_123 : i32
      %convert_element_type3A_125 = arith.extui %eq3A_124 : i1 to i32
      %cond3A_126 = arith.constant 0 : i32
      %cond3A_127 = arith.cmpi ne, %convert_element_type3A_125, %cond3A_126 : i32
      scf.if %cond3A_127 {
        %mul3A_132 = arith.constant 32 : i32
        %mul3A_133 = arith.muli %select_n3A_30, %mul3A_132 : i32
        %mul3A_134 = arith.constant 256 : i32
        %mul3A_135 = arith.muli %while3A_106, %mul3A_134 : i32
        %add3A_136 = arith.addi %mul3A_133, %mul3A_135 : i32
        %dma_wait3A_137 = arith.constant 0 : i32
        %dma_wait3A_138 = tpu.memref_slice %arg2[%select_n3A, %add3A_136, %dma_wait3A_137] : memref<4x8192x1024xf32, #tpu.memory_space<hbm>> -> memref<1x32x1024xf32, #tpu.memory_space<hbm>>
        %dma_wait3A_139 = tpu.memref_squeeze %dma_wait3A_138 : memref<1x32x1024xf32, #tpu.memory_space<hbm>> -> memref<32x1024xf32, #tpu.memory_space<hbm>>
        %dma_wait3A_140 = arith.constant 0 : i32
        %dma_wait3A_141 = tpu.memref_slice %arg2[%select_n3A, %add3A_136, %dma_wait3A_140] : memref<4x8192x1024xf32, #tpu.memory_space<hbm>> -> memref<1x32x1024xf32, #tpu.memory_space<hbm>>
        %dma_wait3A_142 = tpu.memref_squeeze %dma_wait3A_141 : memref<1x32x1024xf32, #tpu.memory_space<hbm>> -> memref<32x1024xf32, #tpu.memory_space<hbm>>
        tpu.wait_dma2 semaphore(%arg11 : memref<!tpu.dma_semaphore, #tpu.memory_space<semaphore_mem>>) src(%dma_wait3A_142 : memref<32x1024xf32, #tpu.memory_space<hbm>>) dst(%arg7 : memref<32x1024xf32, #tpu.memory_space<vmem>>)
        %mul3A_143 = arith.constant 32 : i32
        %mul3A_144 = arith.muli %select_n3A_30, %mul3A_143 : i32
        %mul3A_145 = arith.constant 256 : i32
        %mul3A_146 = arith.muli %while3A_106, %mul3A_145 : i32
        %add3A_147 = arith.addi %mul3A_144, %mul3A_146 : i32
        %dma_start3A_148 = arith.constant 0 : i32
        %dma_start3A_149 = tpu.memref_slice %arg5[%select_n3A, %add3A_147, %dma_start3A_148] : memref<4x8192x1024xf32, #tpu.memory_space<hbm>> -> memref<1x32x1024xf32, #tpu.memory_space<hbm>>
        %dma_start3A_150 = tpu.memref_squeeze %dma_start3A_149 : memref<1x32x1024xf32, #tpu.memory_space<hbm>> -> memref<32x1024xf32, #tpu.memory_space<hbm>>
        %dma_start3A_151 = arith.constant 0 : i32
        %dma_start3A_152 = tpu.memref_slice %arg5[%select_n3A, %add3A_147, %dma_start3A_151] : memref<4x8192x1024xf32, #tpu.memory_space<hbm>> -> memref<1x32x1024xf32, #tpu.memory_space<hbm>>
        %dma_start3A_153 = tpu.memref_squeeze %dma_start3A_152 : memref<1x32x1024xf32, #tpu.memory_space<hbm>> -> memref<32x1024xf32, #tpu.memory_space<hbm>>
        tpu.enqueue_dma source(%arg7 : memref<32x1024xf32, #tpu.memory_space<vmem>>) target(%dma_start3A_153 : memref<32x1024xf32, #tpu.memory_space<hbm>>) target_semaphore(%arg13 : memref<!tpu.dma_semaphore, #tpu.memory_space<semaphore_mem>>)
        %add3A_154 = arith.constant 2 : i32
        %add3A_155 = arith.addi %while3A_106, %add3A_154 : i32
        %lt3A_156 = arith.cmpi slt, %add3A_155, %squeeze3A : i32
        %convert_element_type3A_157 = arith.extui %lt3A_156 : i1 to i32
        %cond3A_158 = arith.constant 0 : i32
        %cond3A_159 = arith.cmpi ne, %convert_element_type3A_157, %cond3A_158 : i32
        scf.if %cond3A_159 {
          %mul3A_160 = arith.constant 32 : i32
          %mul3A_161 = arith.muli %select_n3A_30, %mul3A_160 : i32
          %mul3A_162 = arith.constant 256 : i32
          %mul3A_163 = arith.muli %while3A_106, %mul3A_162 : i32
          %add3A_164 = arith.addi %mul3A_161, %mul3A_163 : i32
          %dma_wait3A_165 = arith.constant 0 : i32
          %dma_wait3A_166 = tpu.memref_slice %arg5[%select_n3A, %add3A_164, %dma_wait3A_165] : memref<4x8192x1024xf32, #tpu.memory_space<hbm>> -> memref<1x32x1024xf32, #tpu.memory_space<hbm>>
          %dma_wait3A_167 = tpu.memref_squeeze %dma_wait3A_166 : memref<1x32x1024xf32, #tpu.memory_space<hbm>> -> memref<32x1024xf32, #tpu.memory_space<hbm>>
          %dma_wait3A_168 = arith.constant 0 : i32
          %dma_wait3A_169 = tpu.memref_slice %arg5[%select_n3A, %add3A_164, %dma_wait3A_168] : memref<4x8192x1024xf32, #tpu.memory_space<hbm>> -> memref<1x32x1024xf32, #tpu.memory_space<hbm>>
          %dma_wait3A_170 = tpu.memref_squeeze %dma_wait3A_169 : memref<1x32x1024xf32, #tpu.memory_space<hbm>> -> memref<32x1024xf32, #tpu.memory_space<hbm>>
          tpu.wait_dma2 semaphore(%arg13 : memref<!tpu.dma_semaphore, #tpu.memory_space<semaphore_mem>>) src(%arg7 : memref<32x1024xf32, #tpu.memory_space<vmem>>) dst(%dma_wait3A_170 : memref<32x1024xf32, #tpu.memory_space<hbm>>)
          %add3A_171 = arith.constant 2 : i32
          %add3A_172 = arith.addi %while3A_106, %add3A_171 : i32
          %mul3A_173 = arith.constant 32 : i32
          %mul3A_174 = arith.muli %select_n3A_30, %mul3A_173 : i32
          %mul3A_175 = arith.constant 256 : i32
          %mul3A_176 = arith.muli %add3A_172, %mul3A_175 : i32
          %add3A_177 = arith.addi %mul3A_174, %mul3A_176 : i32
          %dma_start3A_178 = arith.constant 0 : i32
          %dma_start3A_179 = tpu.memref_slice %arg2[%select_n3A, %add3A_177, %dma_start3A_178] : memref<4x8192x1024xf32, #tpu.memory_space<hbm>> -> memref<1x32x1024xf32, #tpu.memory_space<hbm>>
          %dma_start3A_180 = tpu.memref_squeeze %dma_start3A_179 : memref<1x32x1024xf32, #tpu.memory_space<hbm>> -> memref<32x1024xf32, #tpu.memory_space<hbm>>
          %dma_start3A_181 = arith.constant 0 : i32
          %dma_start3A_182 = tpu.memref_slice %arg2[%select_n3A, %add3A_177, %dma_start3A_181] : memref<4x8192x1024xf32, #tpu.memory_space<hbm>> -> memref<1x32x1024xf32, #tpu.memory_space<hbm>>
          %dma_start3A_183 = tpu.memref_squeeze %dma_start3A_182 : memref<1x32x1024xf32, #tpu.memory_space<hbm>> -> memref<32x1024xf32, #tpu.memory_space<hbm>>
          tpu.enqueue_dma source(%dma_start3A_183 : memref<32x1024xf32, #tpu.memory_space<hbm>>) target(%arg7 : memref<32x1024xf32, #tpu.memory_space<vmem>>) target_semaphore(%arg11 : memref<!tpu.dma_semaphore, #tpu.memory_space<semaphore_mem>>)
        } else {
        }
      } else {
      }
      %not3A = arith.constant true
      %not3A_128 = arith.xori %eq3A_124, %not3A : i1
      %convert_element_type3A_129 = arith.extui %not3A_128 : i1 to i32
      %cond3A_130 = arith.constant 0 : i32
      %cond3A_131 = arith.cmpi ne, %convert_element_type3A_129, %cond3A_130 : i32
      scf.if %cond3A_131 {
        %mul3A_132 = arith.constant 32 : i32
        %mul3A_133 = arith.muli %select_n3A_30, %mul3A_132 : i32
        %mul3A_134 = arith.constant 256 : i32
        %mul3A_135 = arith.muli %while3A_106, %mul3A_134 : i32
        %add3A_136 = arith.addi %mul3A_133, %mul3A_135 : i32
        %dma_wait3A_137 = arith.constant 0 : i32
        %dma_wait3A_138 = tpu.memref_slice %arg2[%select_n3A, %add3A_136, %dma_wait3A_137] : memref<4x8192x1024xf32, #tpu.memory_space<hbm>> -> memref<1x32x1024xf32, #tpu.memory_space<hbm>>
        %dma_wait3A_139 = tpu.memref_squeeze %dma_wait3A_138 : memref<1x32x1024xf32, #tpu.memory_space<hbm>> -> memref<32x1024xf32, #tpu.memory_space<hbm>>
        %dma_wait3A_140 = arith.constant 0 : i32
        %dma_wait3A_141 = tpu.memref_slice %arg2[%select_n3A, %add3A_136, %dma_wait3A_140] : memref<4x8192x1024xf32, #tpu.memory_space<hbm>> -> memref<1x32x1024xf32, #tpu.memory_space<hbm>>
        %dma_wait3A_142 = tpu.memref_squeeze %dma_wait3A_141 : memref<1x32x1024xf32, #tpu.memory_space<hbm>> -> memref<32x1024xf32, #tpu.memory_space<hbm>>
        tpu.wait_dma2 semaphore(%arg12 : memref<!tpu.dma_semaphore, #tpu.memory_space<semaphore_mem>>) src(%dma_wait3A_142 : memref<32x1024xf32, #tpu.memory_space<hbm>>) dst(%arg8 : memref<32x1024xf32, #tpu.memory_space<vmem>>)
        %mul3A_143 = arith.constant 32 : i32
        %mul3A_144 = arith.muli %select_n3A_30, %mul3A_143 : i32
        %mul3A_145 = arith.constant 256 : i32
        %mul3A_146 = arith.muli %while3A_106, %mul3A_145 : i32
        %add3A_147 = arith.addi %mul3A_144, %mul3A_146 : i32
        %dma_start3A_148 = arith.constant 0 : i32
        %dma_start3A_149 = tpu.memref_slice %arg5[%select_n3A, %add3A_147, %dma_start3A_148] : memref<4x8192x1024xf32, #tpu.memory_space<hbm>> -> memref<1x32x1024xf32, #tpu.memory_space<hbm>>
        %dma_start3A_150 = tpu.memref_squeeze %dma_start3A_149 : memref<1x32x1024xf32, #tpu.memory_space<hbm>> -> memref<32x1024xf32, #tpu.memory_space<hbm>>
        %dma_start3A_151 = arith.constant 0 : i32
        %dma_start3A_152 = tpu.memref_slice %arg5[%select_n3A, %add3A_147, %dma_start3A_151] : memref<4x8192x1024xf32, #tpu.memory_space<hbm>> -> memref<1x32x1024xf32, #tpu.memory_space<hbm>>
        %dma_start3A_153 = tpu.memref_squeeze %dma_start3A_152 : memref<1x32x1024xf32, #tpu.memory_space<hbm>> -> memref<32x1024xf32, #tpu.memory_space<hbm>>
        tpu.enqueue_dma source(%arg8 : memref<32x1024xf32, #tpu.memory_space<vmem>>) target(%dma_start3A_153 : memref<32x1024xf32, #tpu.memory_space<hbm>>) target_semaphore(%arg14 : memref<!tpu.dma_semaphore, #tpu.memory_space<semaphore_mem>>)
        %add3A_154 = arith.constant 2 : i32
        %add3A_155 = arith.addi %while3A_106, %add3A_154 : i32
        %lt3A_156 = arith.cmpi slt, %add3A_155, %squeeze3A : i32
        %convert_element_type3A_157 = arith.extui %lt3A_156 : i1 to i32
        %cond3A_158 = arith.constant 0 : i32
        %cond3A_159 = arith.cmpi ne, %convert_element_type3A_157, %cond3A_158 : i32
        scf.if %cond3A_159 {
          %mul3A_160 = arith.constant 32 : i32
          %mul3A_161 = arith.muli %select_n3A_30, %mul3A_160 : i32
          %mul3A_162 = arith.constant 256 : i32
          %mul3A_163 = arith.muli %while3A_106, %mul3A_162 : i32
          %add3A_164 = arith.addi %mul3A_161, %mul3A_163 : i32
          %dma_wait3A_165 = arith.constant 0 : i32
          %dma_wait3A_166 = tpu.memref_slice %arg5[%select_n3A, %add3A_164, %dma_wait3A_165] : memref<4x8192x1024xf32, #tpu.memory_space<hbm>> -> memref<1x32x1024xf32, #tpu.memory_space<hbm>>
          %dma_wait3A_167 = tpu.memref_squeeze %dma_wait3A_166 : memref<1x32x1024xf32, #tpu.memory_space<hbm>> -> memref<32x1024xf32, #tpu.memory_space<hbm>>
          %dma_wait3A_168 = arith.constant 0 : i32
          %dma_wait3A_169 = tpu.memref_slice %arg5[%select_n3A, %add3A_164, %dma_wait3A_168] : memref<4x8192x1024xf32, #tpu.memory_space<hbm>> -> memref<1x32x1024xf32, #tpu.memory_space<hbm>>
          %dma_wait3A_170 = tpu.memref_squeeze %dma_wait3A_169 : memref<1x32x1024xf32, #tpu.memory_space<hbm>> -> memref<32x1024xf32, #tpu.memory_space<hbm>>
          tpu.wait_dma2 semaphore(%arg14 : memref<!tpu.dma_semaphore, #tpu.memory_space<semaphore_mem>>) src(%arg8 : memref<32x1024xf32, #tpu.memory_space<vmem>>) dst(%dma_wait3A_170 : memref<32x1024xf32, #tpu.memory_space<hbm>>)
          %add3A_171 = arith.constant 2 : i32
          %add3A_172 = arith.addi %while3A_106, %add3A_171 : i32
          %mul3A_173 = arith.constant 32 : i32
          %mul3A_174 = arith.muli %select_n3A_30, %mul3A_173 : i32
          %mul3A_175 = arith.constant 256 : i32
          %mul3A_176 = arith.muli %add3A_172, %mul3A_175 : i32
          %add3A_177 = arith.addi %mul3A_174, %mul3A_176 : i32
          %dma_start3A_178 = arith.constant 0 : i32
          %dma_start3A_179 = tpu.memref_slice %arg2[%select_n3A, %add3A_177, %dma_start3A_178] : memref<4x8192x1024xf32, #tpu.memory_space<hbm>> -> memref<1x32x1024xf32, #tpu.memory_space<hbm>>
          %dma_start3A_180 = tpu.memref_squeeze %dma_start3A_179 : memref<1x32x1024xf32, #tpu.memory_space<hbm>> -> memref<32x1024xf32, #tpu.memory_space<hbm>>
          %dma_start3A_181 = arith.constant 0 : i32
          %dma_start3A_182 = tpu.memref_slice %arg2[%select_n3A, %add3A_177, %dma_start3A_181] : memref<4x8192x1024xf32, #tpu.memory_space<hbm>> -> memref<1x32x1024xf32, #tpu.memory_space<hbm>>
          %dma_start3A_183 = tpu.memref_squeeze %dma_start3A_182 : memref<1x32x1024xf32, #tpu.memory_space<hbm>> -> memref<32x1024xf32, #tpu.memory_space<hbm>>
          tpu.enqueue_dma source(%dma_start3A_183 : memref<32x1024xf32, #tpu.memory_space<hbm>>) target(%arg8 : memref<32x1024xf32, #tpu.memory_space<vmem>>) target_semaphore(%arg12 : memref<!tpu.dma_semaphore, #tpu.memory_space<semaphore_mem>>)
        } else {
        }
      } else {
      }
    }
    %while3A_80 = arith.constant 1 : i32
    scf.for %while3A_106 = %while3A_78 to %while3A_74 step %while3A_80  : i32 {
      %jit3A_107 = arith.constant 2 : i32
      %eq3A_108 = arith.constant 0 : i32
      %eq3A_109 = arith.cmpi eq, %jit3A_107, %eq3A_108 : i32
      %jit3A_110 = arith.constant 1 : i32
      %select_n3A_111 = arith.select %eq3A_109, %jit3A_110, %jit3A_107 : i32
      %rem3A_112 = arith.remsi %while3A_106, %select_n3A_111 : i32
      %ne3A_113 = arith.constant 0 : i32
      %ne3A_114 = arith.cmpi ne, %rem3A_112, %ne3A_113 : i32
      %lt3A_115 = arith.constant 0 : i32
      %lt3A_116 = arith.cmpi slt, %rem3A_112, %lt3A_115 : i32
      %lt3A_117 = arith.constant 0 : i32
      %lt3A_118 = arith.cmpi slt, %select_n3A_111, %lt3A_117 : i32
      %ne3A_119 = arith.xori %lt3A_116, %lt3A_118 : i1
      %and3A_120 = arith.andi %ne3A_119, %ne3A_114 : i1
      %add3A_121 = arith.addi %rem3A_112, %select_n3A_111 : i32
      %select_n3A_122 = arith.select %and3A_120, %add3A_121, %rem3A_112 : i32
      %eq3A_123 = arith.constant 0 : i32
      %eq3A_124 = arith.cmpi eq, %select_n3A_122, %eq3A_123 : i32
      %convert_element_type3A_125 = arith.extui %eq3A_124 : i1 to i32
      %cond3A_126 = arith.constant 0 : i32
      %cond3A_127 = arith.cmpi ne, %convert_element_type3A_125, %cond3A_126 : i32
      scf.if %cond3A_127 {
        %mul3A_132 = arith.constant 32 : i32
        %mul3A_133 = arith.muli %select_n3A_30, %mul3A_132 : i32
        %mul3A_134 = arith.constant 256 : i32
        %mul3A_135 = arith.muli %while3A_106, %mul3A_134 : i32
        %add3A_136 = arith.addi %mul3A_133, %mul3A_135 : i32
        %dma_wait3A_137 = arith.constant 0 : i32
        %dma_wait3A_138 = tpu.memref_slice %arg2[%select_n3A, %add3A_136, %dma_wait3A_137] : memref<4x8192x1024xf32, #tpu.memory_space<hbm>> -> memref<1x32x1024xf32, #tpu.memory_space<hbm>>
        %dma_wait3A_139 = tpu.memref_squeeze %dma_wait3A_138 : memref<1x32x1024xf32, #tpu.memory_space<hbm>> -> memref<32x1024xf32, #tpu.memory_space<hbm>>
        %dma_wait3A_140 = arith.constant 0 : i32
        %dma_wait3A_141 = tpu.memref_slice %arg2[%select_n3A, %add3A_136, %dma_wait3A_140] : memref<4x8192x1024xf32, #tpu.memory_space<hbm>> -> memref<1x32x1024xf32, #tpu.memory_space<hbm>>
        %dma_wait3A_142 = tpu.memref_squeeze %dma_wait3A_141 : memref<1x32x1024xf32, #tpu.memory_space<hbm>> -> memref<32x1024xf32, #tpu.memory_space<hbm>>
        tpu.wait_dma2 semaphore(%arg11 : memref<!tpu.dma_semaphore, #tpu.memory_space<semaphore_mem>>) src(%dma_wait3A_142 : memref<32x1024xf32, #tpu.memory_space<hbm>>) dst(%arg7 : memref<32x1024xf32, #tpu.memory_space<vmem>>)
        %mul3A_143 = arith.constant 32 : i32
        %mul3A_144 = arith.muli %select_n3A_30, %mul3A_143 : i32
        %mul3A_145 = arith.constant 256 : i32
        %mul3A_146 = arith.muli %while3A_106, %mul3A_145 : i32
        %add3A_147 = arith.addi %mul3A_144, %mul3A_146 : i32
        %dma_start3A_148 = arith.constant 0 : i32
        %dma_start3A_149 = tpu.memref_slice %arg5[%select_n3A, %add3A_147, %dma_start3A_148] : memref<4x8192x1024xf32, #tpu.memory_space<hbm>> -> memref<1x32x1024xf32, #tpu.memory_space<hbm>>
        %dma_start3A_150 = tpu.memref_squeeze %dma_start3A_149 : memref<1x32x1024xf32, #tpu.memory_space<hbm>> -> memref<32x1024xf32, #tpu.memory_space<hbm>>
        %dma_start3A_151 = arith.constant 0 : i32
        %dma_start3A_152 = tpu.memref_slice %arg5[%select_n3A, %add3A_147, %dma_start3A_151] : memref<4x8192x1024xf32, #tpu.memory_space<hbm>> -> memref<1x32x1024xf32, #tpu.memory_space<hbm>>
        %dma_start3A_153 = tpu.memref_squeeze %dma_start3A_152 : memref<1x32x1024xf32, #tpu.memory_space<hbm>> -> memref<32x1024xf32, #tpu.memory_space<hbm>>
        tpu.enqueue_dma source(%arg7 : memref<32x1024xf32, #tpu.memory_space<vmem>>) target(%dma_start3A_153 : memref<32x1024xf32, #tpu.memory_space<hbm>>) target_semaphore(%arg13 : memref<!tpu.dma_semaphore, #tpu.memory_space<semaphore_mem>>)
        %add3A_154 = arith.constant 2 : i32
        %add3A_155 = arith.addi %while3A_106, %add3A_154 : i32
        %lt3A_156 = arith.cmpi slt, %add3A_155, %squeeze3A : i32
        %convert_element_type3A_157 = arith.extui %lt3A_156 : i1 to i32
        %cond3A_158 = arith.constant 0 : i32
        %cond3A_159 = arith.cmpi ne, %convert_element_type3A_157, %cond3A_158 : i32
        scf.if %cond3A_159 {
          %mul3A_160 = arith.constant 32 : i32
          %mul3A_161 = arith.muli %select_n3A_30, %mul3A_160 : i32
          %mul3A_162 = arith.constant 256 : i32
          %mul3A_163 = arith.muli %while3A_106, %mul3A_162 : i32
          %add3A_164 = arith.addi %mul3A_161, %mul3A_163 : i32
          %dma_wait3A_165 = arith.constant 0 : i32
          %dma_wait3A_166 = tpu.memref_slice %arg5[%select_n3A, %add3A_164, %dma_wait3A_165] : memref<4x8192x1024xf32, #tpu.memory_space<hbm>> -> memref<1x32x1024xf32, #tpu.memory_space<hbm>>
          %dma_wait3A_167 = tpu.memref_squeeze %dma_wait3A_166 : memref<1x32x1024xf32, #tpu.memory_space<hbm>> -> memref<32x1024xf32, #tpu.memory_space<hbm>>
          %dma_wait3A_168 = arith.constant 0 : i32
          %dma_wait3A_169 = tpu.memref_slice %arg5[%select_n3A, %add3A_164, %dma_wait3A_168] : memref<4x8192x1024xf32, #tpu.memory_space<hbm>> -> memref<1x32x1024xf32, #tpu.memory_space<hbm>>
          %dma_wait3A_170 = tpu.memref_squeeze %dma_wait3A_169 : memref<1x32x1024xf32, #tpu.memory_space<hbm>> -> memref<32x1024xf32, #tpu.memory_space<hbm>>
          tpu.wait_dma2 semaphore(%arg13 : memref<!tpu.dma_semaphore, #tpu.memory_space<semaphore_mem>>) src(%arg7 : memref<32x1024xf32, #tpu.memory_space<vmem>>) dst(%dma_wait3A_170 : memref<32x1024xf32, #tpu.memory_space<hbm>>)
          %add3A_171 = arith.constant 2 : i32
          %add3A_172 = arith.addi %while3A_106, %add3A_171 : i32
          %mul3A_173 = arith.constant 32 : i32
          %mul3A_174 = arith.muli %select_n3A_30, %mul3A_173 : i32
          %mul3A_175 = arith.constant 256 : i32
          %mul3A_176 = arith.muli %add3A_172, %mul3A_175 : i32
          %add3A_177 = arith.addi %mul3A_174, %mul3A_176 : i32
          %dma_start3A_178 = arith.constant 0 : i32
          %dma_start3A_179 = tpu.memref_slice %arg2[%select_n3A, %add3A_177, %dma_start3A_178] : memref<4x8192x1024xf32, #tpu.memory_space<hbm>> -> memref<1x32x1024xf32, #tpu.memory_space<hbm>>
          %dma_start3A_180 = tpu.memref_squeeze %dma_start3A_179 : memref<1x32x1024xf32, #tpu.memory_space<hbm>> -> memref<32x1024xf32, #tpu.memory_space<hbm>>
          %dma_start3A_181 = arith.constant 0 : i32
          %dma_start3A_182 = tpu.memref_slice %arg2[%select_n3A, %add3A_177, %dma_start3A_181] : memref<4x8192x1024xf32, #tpu.memory_space<hbm>> -> memref<1x32x1024xf32, #tpu.memory_space<hbm>>
          %dma_start3A_183 = tpu.memref_squeeze %dma_start3A_182 : memref<1x32x1024xf32, #tpu.memory_space<hbm>> -> memref<32x1024xf32, #tpu.memory_space<hbm>>
          tpu.enqueue_dma source(%dma_start3A_183 : memref<32x1024xf32, #tpu.memory_space<hbm>>) target(%arg7 : memref<32x1024xf32, #tpu.memory_space<vmem>>) target_semaphore(%arg11 : memref<!tpu.dma_semaphore, #tpu.memory_space<semaphore_mem>>)
        } else {
        }
      } else {
      }
      %not3A = arith.constant true
      %not3A_128 = arith.xori %eq3A_124, %not3A : i1
      %convert_element_type3A_129 = arith.extui %not3A_128 : i1 to i32
      %cond3A_130 = arith.constant 0 : i32
      %cond3A_131 = arith.cmpi ne, %convert_element_type3A_129, %cond3A_130 : i32
      scf.if %cond3A_131 {
        %mul3A_132 = arith.constant 32 : i32
        %mul3A_133 = arith.muli %select_n3A_30, %mul3A_132 : i32
        %mul3A_134 = arith.constant 256 : i32
        %mul3A_135 = arith.muli %while3A_106, %mul3A_134 : i32
        %add3A_136 = arith.addi %mul3A_133, %mul3A_135 : i32
        %dma_wait3A_137 = arith.constant 0 : i32
        %dma_wait3A_138 = tpu.memref_slice %arg2[%select_n3A, %add3A_136, %dma_wait3A_137] : memref<4x8192x1024xf32, #tpu.memory_space<hbm>> -> memref<1x32x1024xf32, #tpu.memory_space<hbm>>
        %dma_wait3A_139 = tpu.memref_squeeze %dma_wait3A_138 : memref<1x32x1024xf32, #tpu.memory_space<hbm>> -> memref<32x1024xf32, #tpu.memory_space<hbm>>
        %dma_wait3A_140 = arith.constant 0 : i32
        %dma_wait3A_141 = tpu.memref_slice %arg2[%select_n3A, %add3A_136, %dma_wait3A_140] : memref<4x8192x1024xf32, #tpu.memory_space<hbm>> -> memref<1x32x1024xf32, #tpu.memory_space<hbm>>
        %dma_wait3A_142 = tpu.memref_squeeze %dma_wait3A_141 : memref<1x32x1024xf32, #tpu.memory_space<hbm>> -> memref<32x1024xf32, #tpu.memory_space<hbm>>
        tpu.wait_dma2 semaphore(%arg12 : memref<!tpu.dma_semaphore, #tpu.memory_space<semaphore_mem>>) src(%dma_wait3A_142 : memref<32x1024xf32, #tpu.memory_space<hbm>>) dst(%arg8 : memref<32x1024xf32, #tpu.memory_space<vmem>>)
        %mul3A_143 = arith.constant 32 : i32
        %mul3A_144 = arith.muli %select_n3A_30, %mul3A_143 : i32
        %mul3A_145 = arith.constant 256 : i32
        %mul3A_146 = arith.muli %while3A_106, %mul3A_145 : i32
        %add3A_147 = arith.addi %mul3A_144, %mul3A_146 : i32
        %dma_start3A_148 = arith.constant 0 : i32
        %dma_start3A_149 = tpu.memref_slice %arg5[%select_n3A, %add3A_147, %dma_start3A_148] : memref<4x8192x1024xf32, #tpu.memory_space<hbm>> -> memref<1x32x1024xf32, #tpu.memory_space<hbm>>
        %dma_start3A_150 = tpu.memref_squeeze %dma_start3A_149 : memref<1x32x1024xf32, #tpu.memory_space<hbm>> -> memref<32x1024xf32, #tpu.memory_space<hbm>>
        %dma_start3A_151 = arith.constant 0 : i32
        %dma_start3A_152 = tpu.memref_slice %arg5[%select_n3A, %add3A_147, %dma_start3A_151] : memref<4x8192x1024xf32, #tpu.memory_space<hbm>> -> memref<1x32x1024xf32, #tpu.memory_space<hbm>>
        %dma_start3A_153 = tpu.memref_squeeze %dma_start3A_152 : memref<1x32x1024xf32, #tpu.memory_space<hbm>> -> memref<32x1024xf32, #tpu.memory_space<hbm>>
        tpu.enqueue_dma source(%arg8 : memref<32x1024xf32, #tpu.memory_space<vmem>>) target(%dma_start3A_153 : memref<32x1024xf32, #tpu.memory_space<hbm>>) target_semaphore(%arg14 : memref<!tpu.dma_semaphore, #tpu.memory_space<semaphore_mem>>)
        %add3A_154 = arith.constant 2 : i32
        %add3A_155 = arith.addi %while3A_106, %add3A_154 : i32
        %lt3A_156 = arith.cmpi slt, %add3A_155, %squeeze3A : i32
        %convert_element_type3A_157 = arith.extui %lt3A_156 : i1 to i32
        %cond3A_158 = arith.constant 0 : i32
        %cond3A_159 = arith.cmpi ne, %convert_element_type3A_157, %cond3A_158 : i32
        scf.if %cond3A_159 {
          %mul3A_160 = arith.constant 32 : i32
          %mul3A_161 = arith.muli %select_n3A_30, %mul3A_160 : i32
          %mul3A_162 = arith.constant 256 : i32
          %mul3A_163 = arith.muli %while3A_106, %mul3A_162 : i32
          %add3A_164 = arith.addi %mul3A_161, %mul3A_163 : i32
          %dma_wait3A_165 = arith.constant 0 : i32
          %dma_wait3A_166 = tpu.memref_slice %arg5[%select_n3A, %add3A_164, %dma_wait3A_165] : memref<4x8192x1024xf32, #tpu.memory_space<hbm>> -> memref<1x32x1024xf32, #tpu.memory_space<hbm>>
          %dma_wait3A_167 = tpu.memref_squeeze %dma_wait3A_166 : memref<1x32x1024xf32, #tpu.memory_space<hbm>> -> memref<32x1024xf32, #tpu.memory_space<hbm>>
          %dma_wait3A_168 = arith.constant 0 : i32
          %dma_wait3A_169 = tpu.memref_slice %arg5[%select_n3A, %add3A_164, %dma_wait3A_168] : memref<4x8192x1024xf32, #tpu.memory_space<hbm>> -> memref<1x32x1024xf32, #tpu.memory_space<hbm>>
          %dma_wait3A_170 = tpu.memref_squeeze %dma_wait3A_169 : memref<1x32x1024xf32, #tpu.memory_space<hbm>> -> memref<32x1024xf32, #tpu.memory_space<hbm>>
          tpu.wait_dma2 semaphore(%arg14 : memref<!tpu.dma_semaphore, #tpu.memory_space<semaphore_mem>>) src(%arg8 : memref<32x1024xf32, #tpu.memory_space<vmem>>) dst(%dma_wait3A_170 : memref<32x1024xf32, #tpu.memory_space<hbm>>)
          %add3A_171 = arith.constant 2 : i32
          %add3A_172 = arith.addi %while3A_106, %add3A_171 : i32
          %mul3A_173 = arith.constant 32 : i32
          %mul3A_174 = arith.muli %select_n3A_30, %mul3A_173 : i32
          %mul3A_175 = arith.constant 256 : i32
          %mul3A_176 = arith.muli %add3A_172, %mul3A_175 : i32
          %add3A_177 = arith.addi %mul3A_174, %mul3A_176 : i32
          %dma_start3A_178 = arith.constant 0 : i32
          %dma_start3A_179 = tpu.memref_slice %arg2[%select_n3A, %add3A_177, %dma_start3A_178] : memref<4x8192x1024xf32, #tpu.memory_space<hbm>> -> memref<1x32x1024xf32, #tpu.memory_space<hbm>>
          %dma_start3A_180 = tpu.memref_squeeze %dma_start3A_179 : memref<1x32x1024xf32, #tpu.memory_space<hbm>> -> memref<32x1024xf32, #tpu.memory_space<hbm>>
          %dma_start3A_181 = arith.constant 0 : i32
          %dma_start3A_182 = tpu.memref_slice %arg2[%select_n3A, %add3A_177, %dma_start3A_181] : memref<4x8192x1024xf32, #tpu.memory_space<hbm>> -> memref<1x32x1024xf32, #tpu.memory_space<hbm>>
          %dma_start3A_183 = tpu.memref_squeeze %dma_start3A_182 : memref<1x32x1024xf32, #tpu.memory_space<hbm>> -> memref<32x1024xf32, #tpu.memory_space<hbm>>
          tpu.enqueue_dma source(%dma_start3A_183 : memref<32x1024xf32, #tpu.memory_space<hbm>>) target(%arg8 : memref<32x1024xf32, #tpu.memory_space<vmem>>) target_semaphore(%arg12 : memref<!tpu.dma_semaphore, #tpu.memory_space<semaphore_mem>>)
        } else {
        }
      } else {
      }
    }
    %gt3A_81 = arith.constant 1 : i32
    %gt3A_82 = arith.cmpi sgt, %squeeze3A, %gt3A_81 : i32
    %convert_element_type3A_83 = arith.extui %gt3A_82 : i1 to i32
    %cond3A_84 = arith.constant 0 : i32
    %cond3A_85 = arith.cmpi ne, %convert_element_type3A_83, %cond3A_84 : i32
    scf.if %cond3A_85 {
      %sub3A_106 = arith.constant 2 : i32
      %sub3A_107 = arith.subi %squeeze3A, %sub3A_106 : i32
      %jit3A_108 = arith.constant 2 : i32
      %eq3A_109 = arith.constant 0 : i32
      %eq3A_110 = arith.cmpi eq, %jit3A_108, %eq3A_109 : i32
      %jit3A_111 = arith.constant 1 : i32
      %select_n3A_112 = arith.select %eq3A_110, %jit3A_111, %jit3A_108 : i32
      %rem3A_113 = arith.remsi %sub3A_107, %select_n3A_112 : i32
      %ne3A_114 = arith.constant 0 : i32
      %ne3A_115 = arith.cmpi ne, %rem3A_113, %ne3A_114 : i32
      %lt3A_116 = arith.constant 0 : i32
      %lt3A_117 = arith.cmpi slt, %rem3A_113, %lt3A_116 : i32
      %lt3A_118 = arith.constant 0 : i32
      %lt3A_119 = arith.cmpi slt, %select_n3A_112, %lt3A_118 : i32
      %ne3A_120 = arith.xori %lt3A_117, %lt3A_119 : i1
      %and3A_121 = arith.andi %ne3A_120, %ne3A_115 : i1
      %add3A_122 = arith.addi %rem3A_113, %select_n3A_112 : i32
      %select_n3A_123 = arith.select %and3A_121, %add3A_122, %rem3A_113 : i32
      %eq3A_124 = arith.constant 0 : i32
      %eq3A_125 = arith.cmpi eq, %select_n3A_123, %eq3A_124 : i32
      %convert_element_type3A_126 = arith.extui %eq3A_125 : i1 to i32
      %cond3A_127 = arith.constant 0 : i32
      %cond3A_128 = arith.cmpi ne, %convert_element_type3A_126, %cond3A_127 : i32
      scf.if %cond3A_128 {
        %mul3A_150 = arith.constant 32 : i32
        %mul3A_151 = arith.muli %select_n3A_30, %mul3A_150 : i32
        %mul3A_152 = arith.constant 256 : i32
        %mul3A_153 = arith.muli %sub3A_107, %mul3A_152 : i32
        %add3A_154 = arith.addi %mul3A_151, %mul3A_153 : i32
        %dma_wait3A_155 = arith.constant 0 : i32
        %dma_wait3A_156 = tpu.memref_slice %arg5[%select_n3A, %add3A_154, %dma_wait3A_155] : memref<4x8192x1024xf32, #tpu.memory_space<hbm>> -> memref<1x32x1024xf32, #tpu.memory_space<hbm>>
        %dma_wait3A_157 = tpu.memref_squeeze %dma_wait3A_156 : memref<1x32x1024xf32, #tpu.memory_space<hbm>> -> memref<32x1024xf32, #tpu.memory_space<hbm>>
        %dma_wait3A_158 = arith.constant 0 : i32
        %dma_wait3A_159 = tpu.memref_slice %arg5[%select_n3A, %add3A_154, %dma_wait3A_158] : memref<4x8192x1024xf32, #tpu.memory_space<hbm>> -> memref<1x32x1024xf32, #tpu.memory_space<hbm>>
        %dma_wait3A_160 = tpu.memref_squeeze %dma_wait3A_159 : memref<1x32x1024xf32, #tpu.memory_space<hbm>> -> memref<32x1024xf32, #tpu.memory_space<hbm>>
        tpu.wait_dma2 semaphore(%arg13 : memref<!tpu.dma_semaphore, #tpu.memory_space<semaphore_mem>>) src(%arg7 : memref<32x1024xf32, #tpu.memory_space<vmem>>) dst(%dma_wait3A_160 : memref<32x1024xf32, #tpu.memory_space<hbm>>)
      } else {
      }
      %jit3A_129 = arith.constant 2 : i32
      %eq3A_130 = arith.constant 0 : i32
      %eq3A_131 = arith.cmpi eq, %jit3A_129, %eq3A_130 : i32
      %jit3A_132 = arith.constant 1 : i32
      %select_n3A_133 = arith.select %eq3A_131, %jit3A_132, %jit3A_129 : i32
      %rem3A_134 = arith.remsi %sub3A_107, %select_n3A_133 : i32
      %ne3A_135 = arith.constant 0 : i32
      %ne3A_136 = arith.cmpi ne, %rem3A_134, %ne3A_135 : i32
      %lt3A_137 = arith.constant 0 : i32
      %lt3A_138 = arith.cmpi slt, %rem3A_134, %lt3A_137 : i32
      %lt3A_139 = arith.constant 0 : i32
      %lt3A_140 = arith.cmpi slt, %select_n3A_133, %lt3A_139 : i32
      %ne3A_141 = arith.xori %lt3A_138, %lt3A_140 : i1
      %and3A_142 = arith.andi %ne3A_141, %ne3A_136 : i1
      %add3A_143 = arith.addi %rem3A_134, %select_n3A_133 : i32
      %select_n3A_144 = arith.select %and3A_142, %add3A_143, %rem3A_134 : i32
      %eq3A_145 = arith.constant 1 : i32
      %eq3A_146 = arith.cmpi eq, %select_n3A_144, %eq3A_145 : i32
      %convert_element_type3A_147 = arith.extui %eq3A_146 : i1 to i32
      %cond3A_148 = arith.constant 0 : i32
      %cond3A_149 = arith.cmpi ne, %convert_element_type3A_147, %cond3A_148 : i32
      scf.if %cond3A_149 {
        %mul3A_150 = arith.constant 32 : i32
        %mul3A_151 = arith.muli %select_n3A_30, %mul3A_150 : i32
        %mul3A_152 = arith.constant 256 : i32
        %mul3A_153 = arith.muli %sub3A_107, %mul3A_152 : i32
        %add3A_154 = arith.addi %mul3A_151, %mul3A_153 : i32
        %dma_wait3A_155 = arith.constant 0 : i32
        %dma_wait3A_156 = tpu.memref_slice %arg5[%select_n3A, %add3A_154, %dma_wait3A_155] : memref<4x8192x1024xf32, #tpu.memory_space<hbm>> -> memref<1x32x1024xf32, #tpu.memory_space<hbm>>
        %dma_wait3A_157 = tpu.memref_squeeze %dma_wait3A_156 : memref<1x32x1024xf32, #tpu.memory_space<hbm>> -> memref<32x1024xf32, #tpu.memory_space<hbm>>
        %dma_wait3A_158 = arith.constant 0 : i32
        %dma_wait3A_159 = tpu.memref_slice %arg5[%select_n3A, %add3A_154, %dma_wait3A_158] : memref<4x8192x1024xf32, #tpu.memory_space<hbm>> -> memref<1x32x1024xf32, #tpu.memory_space<hbm>>
        %dma_wait3A_160 = tpu.memref_squeeze %dma_wait3A_159 : memref<1x32x1024xf32, #tpu.memory_space<hbm>> -> memref<32x1024xf32, #tpu.memory_space<hbm>>
        tpu.wait_dma2 semaphore(%arg14 : memref<!tpu.dma_semaphore, #tpu.memory_space<semaphore_mem>>) src(%arg8 : memref<32x1024xf32, #tpu.memory_space<vmem>>) dst(%dma_wait3A_160 : memref<32x1024xf32, #tpu.memory_space<hbm>>)
      } else {
      }
    } else {
    }
    %gt3A_86 = arith.constant 0 : i32
    %gt3A_87 = arith.cmpi sgt, %squeeze3A, %gt3A_86 : i32
    %convert_element_type3A_88 = arith.extui %gt3A_87 : i1 to i32
    %cond3A_89 = arith.constant 0 : i32
    %cond3A_90 = arith.cmpi ne, %convert_element_type3A_88, %cond3A_89 : i32
    scf.if %cond3A_90 {
      %sub3A_106 = arith.constant 1 : i32
      %sub3A_107 = arith.subi %squeeze3A, %sub3A_106 : i32
      %jit3A_108 = arith.constant 2 : i32
      %eq3A_109 = arith.constant 0 : i32
      %eq3A_110 = arith.cmpi eq, %jit3A_108, %eq3A_109 : i32
      %jit3A_111 = arith.constant 1 : i32
      %select_n3A_112 = arith.select %eq3A_110, %jit3A_111, %jit3A_108 : i32
      %rem3A_113 = arith.remsi %sub3A_107, %select_n3A_112 : i32
      %ne3A_114 = arith.constant 0 : i32
      %ne3A_115 = arith.cmpi ne, %rem3A_113, %ne3A_114 : i32
      %lt3A_116 = arith.constant 0 : i32
      %lt3A_117 = arith.cmpi slt, %rem3A_113, %lt3A_116 : i32
      %lt3A_118 = arith.constant 0 : i32
      %lt3A_119 = arith.cmpi slt, %select_n3A_112, %lt3A_118 : i32
      %ne3A_120 = arith.xori %lt3A_117, %lt3A_119 : i1
      %and3A_121 = arith.andi %ne3A_120, %ne3A_115 : i1
      %add3A_122 = arith.addi %rem3A_113, %select_n3A_112 : i32
      %select_n3A_123 = arith.select %and3A_121, %add3A_122, %rem3A_113 : i32
      %eq3A_124 = arith.constant 0 : i32
      %eq3A_125 = arith.cmpi eq, %select_n3A_123, %eq3A_124 : i32
      %convert_element_type3A_126 = arith.extui %eq3A_125 : i1 to i32
      %cond3A_127 = arith.constant 0 : i32
      %cond3A_128 = arith.cmpi ne, %convert_element_type3A_126, %cond3A_127 : i32
      scf.if %cond3A_128 {
        %mul3A_150 = arith.constant 32 : i32
        %mul3A_151 = arith.muli %select_n3A_30, %mul3A_150 : i32
        %mul3A_152 = arith.constant 256 : i32
        %mul3A_153 = arith.muli %sub3A_107, %mul3A_152 : i32
        %add3A_154 = arith.addi %mul3A_151, %mul3A_153 : i32
        %dma_wait3A_155 = arith.constant 0 : i32
        %dma_wait3A_156 = tpu.memref_slice %arg5[%select_n3A, %add3A_154, %dma_wait3A_155] : memref<4x8192x1024xf32, #tpu.memory_space<hbm>> -> memref<1x32x1024xf32, #tpu.memory_space<hbm>>
        %dma_wait3A_157 = tpu.memref_squeeze %dma_wait3A_156 : memref<1x32x1024xf32, #tpu.memory_space<hbm>> -> memref<32x1024xf32, #tpu.memory_space<hbm>>
        %dma_wait3A_158 = arith.constant 0 : i32
        %dma_wait3A_159 = tpu.memref_slice %arg5[%select_n3A, %add3A_154, %dma_wait3A_158] : memref<4x8192x1024xf32, #tpu.memory_space<hbm>> -> memref<1x32x1024xf32, #tpu.memory_space<hbm>>
        %dma_wait3A_160 = tpu.memref_squeeze %dma_wait3A_159 : memref<1x32x1024xf32, #tpu.memory_space<hbm>> -> memref<32x1024xf32, #tpu.memory_space<hbm>>
        tpu.wait_dma2 semaphore(%arg13 : memref<!tpu.dma_semaphore, #tpu.memory_space<semaphore_mem>>) src(%arg7 : memref<32x1024xf32, #tpu.memory_space<vmem>>) dst(%dma_wait3A_160 : memref<32x1024xf32, #tpu.memory_space<hbm>>)
      } else {
      }
      %jit3A_129 = arith.constant 2 : i32
      %eq3A_130 = arith.constant 0 : i32
      %eq3A_131 = arith.cmpi eq, %jit3A_129, %eq3A_130 : i32
      %jit3A_132 = arith.constant 1 : i32
      %select_n3A_133 = arith.select %eq3A_131, %jit3A_132, %jit3A_129 : i32
      %rem3A_134 = arith.remsi %sub3A_107, %select_n3A_133 : i32
      %ne3A_135 = arith.constant 0 : i32
      %ne3A_136 = arith.cmpi ne, %rem3A_134, %ne3A_135 : i32
      %lt3A_137 = arith.constant 0 : i32
      %lt3A_138 = arith.cmpi slt, %rem3A_134, %lt3A_137 : i32
      %lt3A_139 = arith.constant 0 : i32
      %lt3A_140 = arith.cmpi slt, %select_n3A_133, %lt3A_139 : i32
      %ne3A_141 = arith.xori %lt3A_138, %lt3A_140 : i1
      %and3A_142 = arith.andi %ne3A_141, %ne3A_136 : i1
      %add3A_143 = arith.addi %rem3A_134, %select_n3A_133 : i32
      %select_n3A_144 = arith.select %and3A_142, %add3A_143, %rem3A_134 : i32
      %eq3A_145 = arith.constant 1 : i32
      %eq3A_146 = arith.cmpi eq, %select_n3A_144, %eq3A_145 : i32
      %convert_element_type3A_147 = arith.extui %eq3A_146 : i1 to i32
      %cond3A_148 = arith.constant 0 : i32
      %cond3A_149 = arith.cmpi ne, %convert_element_type3A_147, %cond3A_148 : i32
      scf.if %cond3A_149 {
        %mul3A_150 = arith.constant 32 : i32
        %mul3A_151 = arith.muli %select_n3A_30, %mul3A_150 : i32
        %mul3A_152 = arith.constant 256 : i32
        %mul3A_153 = arith.muli %sub3A_107, %mul3A_152 : i32
        %add3A_154 = arith.addi %mul3A_151, %mul3A_153 : i32
        %dma_wait3A_155 = arith.constant 0 : i32
        %dma_wait3A_156 = tpu.memref_slice %arg5[%select_n3A, %add3A_154, %dma_wait3A_155] : memref<4x8192x1024xf32, #tpu.memory_space<hbm>> -> memref<1x32x1024xf32, #tpu.memory_space<hbm>>
        %dma_wait3A_157 = tpu.memref_squeeze %dma_wait3A_156 : memref<1x32x1024xf32, #tpu.memory_space<hbm>> -> memref<32x1024xf32, #tpu.memory_space<hbm>>
        %dma_wait3A_158 = arith.constant 0 : i32
        %dma_wait3A_159 = tpu.memref_slice %arg5[%select_n3A, %add3A_154, %dma_wait3A_158] : memref<4x8192x1024xf32, #tpu.memory_space<hbm>> -> memref<1x32x1024xf32, #tpu.memory_space<hbm>>
        %dma_wait3A_160 = tpu.memref_squeeze %dma_wait3A_159 : memref<1x32x1024xf32, #tpu.memory_space<hbm>> -> memref<32x1024xf32, #tpu.memory_space<hbm>>
        tpu.wait_dma2 semaphore(%arg14 : memref<!tpu.dma_semaphore, #tpu.memory_space<semaphore_mem>>) src(%arg8 : memref<32x1024xf32, #tpu.memory_space<vmem>>) dst(%dma_wait3A_160 : memref<32x1024xf32, #tpu.memory_space<hbm>>)
      } else {
      }
    } else {
    }
    %gt3A_91 = arith.constant 0 : i32
    %gt3A_92 = arith.cmpi sgt, %squeeze3A_50, %gt3A_91 : i32
    %convert_element_type3A_93 = arith.extui %gt3A_92 : i1 to i32
    %cond3A_94 = arith.constant 0 : i32
    %cond3A_95 = arith.cmpi ne, %convert_element_type3A_93, %cond3A_94 : i32
    scf.if %cond3A_95 {
      %mul3A_106 = arith.constant 32 : i32
      %mul3A_107 = arith.muli %select_n3A_30, %mul3A_106 : i32
      %mul3A_108 = arith.constant 256 : i32
      %mul3A_109 = arith.muli %squeeze3A, %mul3A_108 : i32
      %add3A_110 = arith.addi %mul3A_107, %mul3A_109 : i32
      "tpu.region"() ({
        %run_scoped3A = tpu.sem_alloc : memref<!tpu.dma_semaphore, #tpu.memory_space<semaphore_mem>>
        %dma_start3A_121 = arith.constant 0 : i32
        %dma_start3A_122 = tpu.memref_slice %arg2[%select_n3A, %add3A_110, %dma_start3A_121] : memref<4x8192x1024xf32, #tpu.memory_space<hbm>> -> memref<1x32x1024xf32, #tpu.memory_space<hbm>>
        %dma_start3A_123 = tpu.memref_squeeze %dma_start3A_122 : memref<1x32x1024xf32, #tpu.memory_space<hbm>> -> memref<32x1024xf32, #tpu.memory_space<hbm>>
        %dma_start3A_124 = arith.constant 0 : i32
        %dma_start3A_125 = tpu.memref_slice %arg2[%select_n3A, %add3A_110, %dma_start3A_124] : memref<4x8192x1024xf32, #tpu.memory_space<hbm>> -> memref<1x32x1024xf32, #tpu.memory_space<hbm>>
        %dma_start3A_126 = tpu.memref_squeeze %dma_start3A_125 : memref<1x32x1024xf32, #tpu.memory_space<hbm>> -> memref<32x1024xf32, #tpu.memory_space<hbm>>
        tpu.enqueue_dma source(%dma_start3A_126 : memref<32x1024xf32, #tpu.memory_space<hbm>>) target(%arg7 : memref<32x1024xf32, #tpu.memory_space<vmem>>) target_semaphore(%run_scoped3A : memref<!tpu.dma_semaphore, #tpu.memory_space<semaphore_mem>>)
        %dma_wait3A_127 = arith.constant 0 : i32
        %dma_wait3A_128 = tpu.memref_slice %arg2[%select_n3A, %add3A_110, %dma_wait3A_127] : memref<4x8192x1024xf32, #tpu.memory_space<hbm>> -> memref<1x32x1024xf32, #tpu.memory_space<hbm>>
        %dma_wait3A_129 = tpu.memref_squeeze %dma_wait3A_128 : memref<1x32x1024xf32, #tpu.memory_space<hbm>> -> memref<32x1024xf32, #tpu.memory_space<hbm>>
        %dma_wait3A_130 = arith.constant 0 : i32
        %dma_wait3A_131 = tpu.memref_slice %arg2[%select_n3A, %add3A_110, %dma_wait3A_130] : memref<4x8192x1024xf32, #tpu.memory_space<hbm>> -> memref<1x32x1024xf32, #tpu.memory_space<hbm>>
        %dma_wait3A_132 = tpu.memref_squeeze %dma_wait3A_131 : memref<1x32x1024xf32, #tpu.memory_space<hbm>> -> memref<32x1024xf32, #tpu.memory_space<hbm>>
        tpu.wait_dma2 semaphore(%run_scoped3A : memref<!tpu.dma_semaphore, #tpu.memory_space<semaphore_mem>>) src(%dma_wait3A_132 : memref<32x1024xf32, #tpu.memory_space<hbm>>) dst(%arg7 : memref<32x1024xf32, #tpu.memory_space<vmem>>)
        tpu.yield
      }) : () -> ()
      %while3A_111 = arith.constant 0 : i32
      %while3A_112 = arith.constant 32 : i32
      %while3A_113 = arith.subi %while3A_112, %squeeze3A_50 : i32
      %while3A_114 = arith.addi %squeeze3A_50, %while3A_113 : i32
      %while3A_115 = arith.constant 1 : i32
      %while3A_116 = arith.divsi %while3A_113, %while3A_115 : i32
      %while3A_117 = arith.muli %while3A_116, %while3A_115 : i32
      %while3A_118 = arith.addi %squeeze3A_50, %while3A_117 : i32
      %while3A_119 = arith.constant 1 : i32
      scf.for %while3A_121 = %squeeze3A_50 to %while3A_118 step %while3A_119  : i32 {
        %get3A_122 = arith.constant 0 : i32
        %get3A_123 = arith.index_cast %get3A_122 : i32 to index
        %get3A_124 = arith.constant 0 : index
        %get3A_125 = tpu.vector_load %arg6[%get3A_123, %get3A_124] {strides = array<i32>} : memref<32x1024xf32, #tpu.memory_space<vmem>>, vector<1x16xf32>,
        %get3A_126 = vector.shape_cast %get3A_125 : vector<1x16xf32> to vector<16xf32>
        %swap3A = arith.index_cast %while3A_121 : i32 to index
        %swap3A_127 = arith.constant 0 : index
        %swap3A_128 = tpu.vector_load %arg7[%swap3A, %swap3A_127] {strides = array<i32>} : memref<32x1024xf32, #tpu.memory_space<vmem>>, vector<1x16xf32>,
        %swap3A_129 = vector.shape_cast %swap3A_128 : vector<1x16xf32> to vector<16xf32>
        %swap3A_130 = vector.shape_cast %get3A_126 : vector<16xf32> to vector<1x16xf32>
        tpu.vector_store %arg7[%swap3A, %swap3A_127], %swap3A_130 {strides = array<i32>} : memref<32x1024xf32, #tpu.memory_space<vmem>>, vector<1x16xf32>,
        %get3A_131 = arith.constant 0 : i32
        %get3A_132 = arith.index_cast %get3A_131 : i32 to index
        %get3A_133 = arith.constant 16 : index
        %get3A_134 = tpu.vector_load %arg6[%get3A_132, %get3A_133] {strides = array<i32>} : memref<32x1024xf32, #tpu.memory_space<vmem>>, vector<1x16xf32>,
        %get3A_135 = vector.shape_cast %get3A_134 : vector<1x16xf32> to vector<16xf32>
        %swap3A_136 = arith.index_cast %while3A_121 : i32 to index
        %swap3A_137 = arith.constant 16 : index
        %swap3A_138 = tpu.vector_load %arg7[%swap3A_136, %swap3A_137] {strides = array<i32>} : memref<32x1024xf32, #tpu.memory_space<vmem>>, vector<1x16xf32>,
        %swap3A_139 = vector.shape_cast %swap3A_138 : vector<1x16xf32> to vector<16xf32>
        %swap3A_140 = vector.shape_cast %get3A_135 : vector<16xf32> to vector<1x16xf32>
        tpu.vector_store %arg7[%swap3A_136, %swap3A_137], %swap3A_140 {strides = array<i32>} : memref<32x1024xf32, #tpu.memory_space<vmem>>, vector<1x16xf32>,
        %get3A_141 = arith.constant 0 : i32
        %get3A_142 = arith.index_cast %get3A_141 : i32 to index
        %get3A_143 = arith.constant 32 : index
        %get3A_144 = tpu.vector_load %arg6[%get3A_142, %get3A_143] {strides = array<i32>} : memref<32x1024xf32, #tpu.memory_space<vmem>>, vector<1x16xf32>,
        %get3A_145 = vector.shape_cast %get3A_144 : vector<1x16xf32> to vector<16xf32>
        %swap3A_146 = arith.index_cast %while3A_121 : i32 to index
        %swap3A_147 = arith.constant 32 : index
        %swap3A_148 = tpu.vector_load %arg7[%swap3A_146, %swap3A_147] {strides = array<i32>} : memref<32x1024xf32, #tpu.memory_space<vmem>>, vector<1x16xf32>,
        %swap3A_149 = vector.shape_cast %swap3A_148 : vector<1x16xf32> to vector<16xf32>
        %swap3A_150 = vector.shape_cast %get3A_145 : vector<16xf32> to vector<1x16xf32>
        tpu.vector_store %arg7[%swap3A_146, %swap3A_147], %swap3A_150 {strides = array<i32>} : memref<32x1024xf32, #tpu.memory_space<vmem>>, vector<1x16xf32>,
        %get3A_151 = arith.constant 0 : i32
        %get3A_152 = arith.index_cast %get3A_151 : i32 to index
        %get3A_153 = arith.constant 48 : index
        %get3A_154 = tpu.vector_load %arg6[%get3A_152, %get3A_153] {strides = array<i32>} : memref<32x1024xf32, #tpu.memory_space<vmem>>, vector<1x16xf32>,
        %get3A_155 = vector.shape_cast %get3A_154 : vector<1x16xf32> to vector<16xf32>
        %swap3A_156 = arith.index_cast %while3A_121 : i32 to index
        %swap3A_157 = arith.constant 48 : index
        %swap3A_158 = tpu.vector_load %arg7[%swap3A_156, %swap3A_157] {strides = array<i32>} : memref<32x1024xf32, #tpu.memory_space<vmem>>, vector<1x16xf32>,
        %swap3A_159 = vector.shape_cast %swap3A_158 : vector<1x16xf32> to vector<16xf32>
        %swap3A_160 = vector.shape_cast %get3A_155 : vector<16xf32> to vector<1x16xf32>
        tpu.vector_store %arg7[%swap3A_156, %swap3A_157], %swap3A_160 {strides = array<i32>} : memref<32x1024xf32, #tpu.memory_space<vmem>>, vector<1x16xf32>,
        %get3A_161 = arith.constant 0 : i32
        %get3A_162 = arith.index_cast %get3A_161 : i32 to index
        %get3A_163 = arith.constant 64 : index
        %get3A_164 = tpu.vector_load %arg6[%get3A_162, %get3A_163] {strides = array<i32>} : memref<32x1024xf32, #tpu.memory_space<vmem>>, vector<1x16xf32>,
        %get3A_165 = vector.shape_cast %get3A_164 : vector<1x16xf32> to vector<16xf32>
        %swap3A_166 = arith.index_cast %while3A_121 : i32 to index
        %swap3A_167 = arith.constant 64 : index
        %swap3A_168 = tpu.vector_load %arg7[%swap3A_166, %swap3A_167] {strides = array<i32>} : memref<32x1024xf32, #tpu.memory_space<vmem>>, vector<1x16xf32>,
        %swap3A_169 = vector.shape_cast %swap3A_168 : vector<1x16xf32> to vector<16xf32>
        %swap3A_170 = vector.shape_cast %get3A_165 : vector<16xf32> to vector<1x16xf32>
        tpu.vector_store %arg7[%swap3A_166, %swap3A_167], %swap3A_170 {strides = array<i32>} : memref<32x1024xf32, #tpu.memory_space<vmem>>, vector<1x16xf32>,
        %get3A_171 = arith.constant 0 : i32
        %get3A_172 = arith.index_cast %get3A_171 : i32 to index
        %get3A_173 = arith.constant 80 : index
        %get3A_174 = tpu.vector_load %arg6[%get3A_172, %get3A_173] {strides = array<i32>} : memref<32x1024xf32, #tpu.memory_space<vmem>>, vector<1x16xf32>,
        %get3A_175 = vector.shape_cast %get3A_174 : vector<1x16xf32> to vector<16xf32>
        %swap3A_176 = arith.index_cast %while3A_121 : i32 to index
        %swap3A_177 = arith.constant 80 : index
        %swap3A_178 = tpu.vector_load %arg7[%swap3A_176, %swap3A_177] {strides = array<i32>} : memref<32x1024xf32, #tpu.memory_space<vmem>>, vector<1x16xf32>,
        %swap3A_179 = vector.shape_cast %swap3A_178 : vector<1x16xf32> to vector<16xf32>
        %swap3A_180 = vector.shape_cast %get3A_175 : vector<16xf32> to vector<1x16xf32>
        tpu.vector_store %arg7[%swap3A_176, %swap3A_177], %swap3A_180 {strides = array<i32>} : memref<32x1024xf32, #tpu.memory_space<vmem>>, vector<1x16xf32>,
        %get3A_181 = arith.constant 0 : i32
        %get3A_182 = arith.index_cast %get3A_181 : i32 to index
        %get3A_183 = arith.constant 96 : index
        %get3A_184 = tpu.vector_load %arg6[%get3A_182, %get3A_183] {strides = array<i32>} : memref<32x1024xf32, #tpu.memory_space<vmem>>, vector<1x16xf32>,
        %get3A_185 = vector.shape_cast %get3A_184 : vector<1x16xf32> to vector<16xf32>
        %swap3A_186 = arith.index_cast %while3A_121 : i32 to index
        %swap3A_187 = arith.constant 96 : index
        %swap3A_188 = tpu.vector_load %arg7[%swap3A_186, %swap3A_187] {strides = array<i32>} : memref<32x1024xf32, #tpu.memory_space<vmem>>, vector<1x16xf32>,
        %swap3A_189 = vector.shape_cast %swap3A_188 : vector<1x16xf32> to vector<16xf32>
        %swap3A_190 = vector.shape_cast %get3A_185 : vector<16xf32> to vector<1x16xf32>
        tpu.vector_store %arg7[%swap3A_186, %swap3A_187], %swap3A_190 {strides = array<i32>} : memref<32x1024xf32, #tpu.memory_space<vmem>>, vector<1x16xf32>,
        %get3A_191 = arith.constant 0 : i32
        %get3A_192 = arith.index_cast %get3A_191 : i32 to index
        %get3A_193 = arith.constant 112 : index
        %get3A_194 = tpu.vector_load %arg6[%get3A_192, %get3A_193] {strides = array<i32>} : memref<32x1024xf32, #tpu.memory_space<vmem>>, vector<1x16xf32>,
        %get3A_195 = vector.shape_cast %get3A_194 : vector<1x16xf32> to vector<16xf32>
        %swap3A_196 = arith.index_cast %while3A_121 : i32 to index
        %swap3A_197 = arith.constant 112 : index
        %swap3A_198 = tpu.vector_load %arg7[%swap3A_196, %swap3A_197] {strides = array<i32>} : memref<32x1024xf32, #tpu.memory_space<vmem>>, vector<1x16xf32>,
        %swap3A_199 = vector.shape_cast %swap3A_198 : vector<1x16xf32> to vector<16xf32>
        %swap3A_200 = vector.shape_cast %get3A_195 : vector<16xf32> to vector<1x16xf32>
        tpu.vector_store %arg7[%swap3A_196, %swap3A_197], %swap3A_200 {strides = array<i32>} : memref<32x1024xf32, #tpu.memory_space<vmem>>, vector<1x16xf32>,
        %get3A_201 = arith.constant 0 : i32
        %get3A_202 = arith.index_cast %get3A_201 : i32 to index
        %get3A_203 = arith.constant 128 : index
        %get3A_204 = tpu.vector_load %arg6[%get3A_202, %get3A_203] {strides = array<i32>} : memref<32x1024xf32, #tpu.memory_space<vmem>>, vector<1x16xf32>,
        %get3A_205 = vector.shape_cast %get3A_204 : vector<1x16xf32> to vector<16xf32>
        %swap3A_206 = arith.index_cast %while3A_121 : i32 to index
        %swap3A_207 = arith.constant 128 : index
        %swap3A_208 = tpu.vector_load %arg7[%swap3A_206, %swap3A_207] {strides = array<i32>} : memref<32x1024xf32, #tpu.memory_space<vmem>>, vector<1x16xf32>,
        %swap3A_209 = vector.shape_cast %swap3A_208 : vector<1x16xf32> to vector<16xf32>
        %swap3A_210 = vector.shape_cast %get3A_205 : vector<16xf32> to vector<1x16xf32>
        tpu.vector_store %arg7[%swap3A_206, %swap3A_207], %swap3A_210 {strides = array<i32>} : memref<32x1024xf32, #tpu.memory_space<vmem>>, vector<1x16xf32>,
        %get3A_211 = arith.constant 0 : i32
        %get3A_212 = arith.index_cast %get3A_211 : i32 to index
        %get3A_213 = arith.constant 144 : index
        %get3A_214 = tpu.vector_load %arg6[%get3A_212, %get3A_213] {strides = array<i32>} : memref<32x1024xf32, #tpu.memory_space<vmem>>, vector<1x16xf32>,
        %get3A_215 = vector.shape_cast %get3A_214 : vector<1x16xf32> to vector<16xf32>
        %swap3A_216 = arith.index_cast %while3A_121 : i32 to index
        %swap3A_217 = arith.constant 144 : index
        %swap3A_218 = tpu.vector_load %arg7[%swap3A_216, %swap3A_217] {strides = array<i32>} : memref<32x1024xf32, #tpu.memory_space<vmem>>, vector<1x16xf32>,
        %swap3A_219 = vector.shape_cast %swap3A_218 : vector<1x16xf32> to vector<16xf32>
        %swap3A_220 = vector.shape_cast %get3A_215 : vector<16xf32> to vector<1x16xf32>
        tpu.vector_store %arg7[%swap3A_216, %swap3A_217], %swap3A_220 {strides = array<i32>} : memref<32x1024xf32, #tpu.memory_space<vmem>>, vector<1x16xf32>,
        %get3A_221 = arith.constant 0 : i32
        %get3A_222 = arith.index_cast %get3A_221 : i32 to index
        %get3A_223 = arith.constant 160 : index
        %get3A_224 = tpu.vector_load %arg6[%get3A_222, %get3A_223] {strides = array<i32>} : memref<32x1024xf32, #tpu.memory_space<vmem>>, vector<1x16xf32>,
        %get3A_225 = vector.shape_cast %get3A_224 : vector<1x16xf32> to vector<16xf32>
        %swap3A_226 = arith.index_cast %while3A_121 : i32 to index
        %swap3A_227 = arith.constant 160 : index
        %swap3A_228 = tpu.vector_load %arg7[%swap3A_226, %swap3A_227] {strides = array<i32>} : memref<32x1024xf32, #tpu.memory_space<vmem>>, vector<1x16xf32>,
        %swap3A_229 = vector.shape_cast %swap3A_228 : vector<1x16xf32> to vector<16xf32>
        %swap3A_230 = vector.shape_cast %get3A_225 : vector<16xf32> to vector<1x16xf32>
        tpu.vector_store %arg7[%swap3A_226, %swap3A_227], %swap3A_230 {strides = array<i32>} : memref<32x1024xf32, #tpu.memory_space<vmem>>, vector<1x16xf32>,
        %get3A_231 = arith.constant 0 : i32
        %get3A_232 = arith.index_cast %get3A_231 : i32 to index
        %get3A_233 = arith.constant 176 : index
        %get3A_234 = tpu.vector_load %arg6[%get3A_232, %get3A_233] {strides = array<i32>} : memref<32x1024xf32, #tpu.memory_space<vmem>>, vector<1x16xf32>,
        %get3A_235 = vector.shape_cast %get3A_234 : vector<1x16xf32> to vector<16xf32>
        %swap3A_236 = arith.index_cast %while3A_121 : i32 to index
        %swap3A_237 = arith.constant 176 : index
        %swap3A_238 = tpu.vector_load %arg7[%swap3A_236, %swap3A_237] {strides = array<i32>} : memref<32x1024xf32, #tpu.memory_space<vmem>>, vector<1x16xf32>,
        %swap3A_239 = vector.shape_cast %swap3A_238 : vector<1x16xf32> to vector<16xf32>
        %swap3A_240 = vector.shape_cast %get3A_235 : vector<16xf32> to vector<1x16xf32>
        tpu.vector_store %arg7[%swap3A_236, %swap3A_237], %swap3A_240 {strides = array<i32>} : memref<32x1024xf32, #tpu.memory_space<vmem>>, vector<1x16xf32>,
        %get3A_241 = arith.constant 0 : i32
        %get3A_242 = arith.index_cast %get3A_241 : i32 to index
        %get3A_243 = arith.constant 192 : index
        %get3A_244 = tpu.vector_load %arg6[%get3A_242, %get3A_243] {strides = array<i32>} : memref<32x1024xf32, #tpu.memory_space<vmem>>, vector<1x16xf32>,
        %get3A_245 = vector.shape_cast %get3A_244 : vector<1x16xf32> to vector<16xf32>
        %swap3A_246 = arith.index_cast %while3A_121 : i32 to index
        %swap3A_247 = arith.constant 192 : index
        %swap3A_248 = tpu.vector_load %arg7[%swap3A_246, %swap3A_247] {strides = array<i32>} : memref<32x1024xf32, #tpu.memory_space<vmem>>, vector<1x16xf32>,
        %swap3A_249 = vector.shape_cast %swap3A_248 : vector<1x16xf32> to vector<16xf32>
        %swap3A_250 = vector.shape_cast %get3A_245 : vector<16xf32> to vector<1x16xf32>
        tpu.vector_store %arg7[%swap3A_246, %swap3A_247], %swap3A_250 {strides = array<i32>} : memref<32x1024xf32, #tpu.memory_space<vmem>>, vector<1x16xf32>,
        %get3A_251 = arith.constant 0 : i32
        %get3A_252 = arith.index_cast %get3A_251 : i32 to index
        %get3A_253 = arith.constant 208 : index
        %get3A_254 = tpu.vector_load %arg6[%get3A_252, %get3A_253] {strides = array<i32>} : memref<32x1024xf32, #tpu.memory_space<vmem>>, vector<1x16xf32>,
        %get3A_255 = vector.shape_cast %get3A_254 : vector<1x16xf32> to vector<16xf32>
        %swap3A_256 = arith.index_cast %while3A_121 : i32 to index
        %swap3A_257 = arith.constant 208 : index
        %swap3A_258 = tpu.vector_load %arg7[%swap3A_256, %swap3A_257] {strides = array<i32>} : memref<32x1024xf32, #tpu.memory_space<vmem>>, vector<1x16xf32>,
        %swap3A_259 = vector.shape_cast %swap3A_258 : vector<1x16xf32> to vector<16xf32>
        %swap3A_260 = vector.shape_cast %get3A_255 : vector<16xf32> to vector<1x16xf32>
        tpu.vector_store %arg7[%swap3A_256, %swap3A_257], %swap3A_260 {strides = array<i32>} : memref<32x1024xf32, #tpu.memory_space<vmem>>, vector<1x16xf32>,
        %get3A_261 = arith.constant 0 : i32
        %get3A_262 = arith.index_cast %get3A_261 : i32 to index
        %get3A_263 = arith.constant 224 : index
        %get3A_264 = tpu.vector_load %arg6[%get3A_262, %get3A_263] {strides = array<i32>} : memref<32x1024xf32, #tpu.memory_space<vmem>>, vector<1x16xf32>,
        %get3A_265 = vector.shape_cast %get3A_264 : vector<1x16xf32> to vector<16xf32>
        %swap3A_266 = arith.index_cast %while3A_121 : i32 to index
        %swap3A_267 = arith.constant 224 : index
        %swap3A_268 = tpu.vector_load %arg7[%swap3A_266, %swap3A_267] {strides = array<i32>} : memref<32x1024xf32, #tpu.memory_space<vmem>>, vector<1x16xf32>,
        %swap3A_269 = vector.shape_cast %swap3A_268 : vector<1x16xf32> to vector<16xf32>
        %swap3A_270 = vector.shape_cast %get3A_265 : vector<16xf32> to vector<1x16xf32>
        tpu.vector_store %arg7[%swap3A_266, %swap3A_267], %swap3A_270 {strides = array<i32>} : memref<32x1024xf32, #tpu.memory_space<vmem>>, vector<1x16xf32>,
        %get3A_271 = arith.constant 0 : i32
        %get3A_272 = arith.index_cast %get3A_271 : i32 to index
        %get3A_273 = arith.constant 240 : index
        %get3A_274 = tpu.vector_load %arg6[%get3A_272, %get3A_273] {strides = array<i32>} : memref<32x1024xf32, #tpu.memory_space<vmem>>, vector<1x16xf32>,
        %get3A_275 = vector.shape_cast %get3A_274 : vector<1x16xf32> to vector<16xf32>
        %swap3A_276 = arith.index_cast %while3A_121 : i32 to index
        %swap3A_277 = arith.constant 240 : index
        %swap3A_278 = tpu.vector_load %arg7[%swap3A_276, %swap3A_277] {strides = array<i32>} : memref<32x1024xf32, #tpu.memory_space<vmem>>, vector<1x16xf32>,
        %swap3A_279 = vector.shape_cast %swap3A_278 : vector<1x16xf32> to vector<16xf32>
        %swap3A_280 = vector.shape_cast %get3A_275 : vector<16xf32> to vector<1x16xf32>
        tpu.vector_store %arg7[%swap3A_276, %swap3A_277], %swap3A_280 {strides = array<i32>} : memref<32x1024xf32, #tpu.memory_space<vmem>>, vector<1x16xf32>,
        %get3A_281 = arith.constant 0 : i32
        %get3A_282 = arith.index_cast %get3A_281 : i32 to index
        %get3A_283 = arith.constant 256 : index
        %get3A_284 = tpu.vector_load %arg6[%get3A_282, %get3A_283] {strides = array<i32>} : memref<32x1024xf32, #tpu.memory_space<vmem>>, vector<1x16xf32>,
        %get3A_285 = vector.shape_cast %get3A_284 : vector<1x16xf32> to vector<16xf32>
        %swap3A_286 = arith.index_cast %while3A_121 : i32 to index
        %swap3A_287 = arith.constant 256 : index
        %swap3A_288 = tpu.vector_load %arg7[%swap3A_286, %swap3A_287] {strides = array<i32>} : memref<32x1024xf32, #tpu.memory_space<vmem>>, vector<1x16xf32>,
        %swap3A_289 = vector.shape_cast %swap3A_288 : vector<1x16xf32> to vector<16xf32>
        %swap3A_290 = vector.shape_cast %get3A_285 : vector<16xf32> to vector<1x16xf32>
        tpu.vector_store %arg7[%swap3A_286, %swap3A_287], %swap3A_290 {strides = array<i32>} : memref<32x1024xf32, #tpu.memory_space<vmem>>, vector<1x16xf32>,
        %get3A_291 = arith.constant 0 : i32
        %get3A_292 = arith.index_cast %get3A_291 : i32 to index
        %get3A_293 = arith.constant 272 : index
        %get3A_294 = tpu.vector_load %arg6[%get3A_292, %get3A_293] {strides = array<i32>} : memref<32x1024xf32, #tpu.memory_space<vmem>>, vector<1x16xf32>,
        %get3A_295 = vector.shape_cast %get3A_294 : vector<1x16xf32> to vector<16xf32>
        %swap3A_296 = arith.index_cast %while3A_121 : i32 to index
        %swap3A_297 = arith.constant 272 : index
        %swap3A_298 = tpu.vector_load %arg7[%swap3A_296, %swap3A_297] {strides = array<i32>} : memref<32x1024xf32, #tpu.memory_space<vmem>>, vector<1x16xf32>,
        %swap3A_299 = vector.shape_cast %swap3A_298 : vector<1x16xf32> to vector<16xf32>
        %swap3A_300 = vector.shape_cast %get3A_295 : vector<16xf32> to vector<1x16xf32>
        tpu.vector_store %arg7[%swap3A_296, %swap3A_297], %swap3A_300 {strides = array<i32>} : memref<32x1024xf32, #tpu.memory_space<vmem>>, vector<1x16xf32>,
        %get3A_301 = arith.constant 0 : i32
        %get3A_302 = arith.index_cast %get3A_301 : i32 to index
        %get3A_303 = arith.constant 288 : index
        %get3A_304 = tpu.vector_load %arg6[%get3A_302, %get3A_303] {strides = array<i32>} : memref<32x1024xf32, #tpu.memory_space<vmem>>, vector<1x16xf32>,
        %get3A_305 = vector.shape_cast %get3A_304 : vector<1x16xf32> to vector<16xf32>
        %swap3A_306 = arith.index_cast %while3A_121 : i32 to index
        %swap3A_307 = arith.constant 288 : index
        %swap3A_308 = tpu.vector_load %arg7[%swap3A_306, %swap3A_307] {strides = array<i32>} : memref<32x1024xf32, #tpu.memory_space<vmem>>, vector<1x16xf32>,
        %swap3A_309 = vector.shape_cast %swap3A_308 : vector<1x16xf32> to vector<16xf32>
        %swap3A_310 = vector.shape_cast %get3A_305 : vector<16xf32> to vector<1x16xf32>
        tpu.vector_store %arg7[%swap3A_306, %swap3A_307], %swap3A_310 {strides = array<i32>} : memref<32x1024xf32, #tpu.memory_space<vmem>>, vector<1x16xf32>,
        %get3A_311 = arith.constant 0 : i32
        %get3A_312 = arith.index_cast %get3A_311 : i32 to index
        %get3A_313 = arith.constant 304 : index
        %get3A_314 = tpu.vector_load %arg6[%get3A_312, %get3A_313] {strides = array<i32>} : memref<32x1024xf32, #tpu.memory_space<vmem>>, vector<1x16xf32>,
        %get3A_315 = vector.shape_cast %get3A_314 : vector<1x16xf32> to vector<16xf32>
        %swap3A_316 = arith.index_cast %while3A_121 : i32 to index
        %swap3A_317 = arith.constant 304 : index
        %swap3A_318 = tpu.vector_load %arg7[%swap3A_316, %swap3A_317] {strides = array<i32>} : memref<32x1024xf32, #tpu.memory_space<vmem>>, vector<1x16xf32>,
        %swap3A_319 = vector.shape_cast %swap3A_318 : vector<1x16xf32> to vector<16xf32>
        %swap3A_320 = vector.shape_cast %get3A_315 : vector<16xf32> to vector<1x16xf32>
        tpu.vector_store %arg7[%swap3A_316, %swap3A_317], %swap3A_320 {strides = array<i32>} : memref<32x1024xf32, #tpu.memory_space<vmem>>, vector<1x16xf32>,
        %get3A_321 = arith.constant 0 : i32
        %get3A_322 = arith.index_cast %get3A_321 : i32 to index
        %get3A_323 = arith.constant 320 : index
        %get3A_324 = tpu.vector_load %arg6[%get3A_322, %get3A_323] {strides = array<i32>} : memref<32x1024xf32, #tpu.memory_space<vmem>>, vector<1x16xf32>,
        %get3A_325 = vector.shape_cast %get3A_324 : vector<1x16xf32> to vector<16xf32>
        %swap3A_326 = arith.index_cast %while3A_121 : i32 to index
        %swap3A_327 = arith.constant 320 : index
        %swap3A_328 = tpu.vector_load %arg7[%swap3A_326, %swap3A_327] {strides = array<i32>} : memref<32x1024xf32, #tpu.memory_space<vmem>>, vector<1x16xf32>,
        %swap3A_329 = vector.shape_cast %swap3A_328 : vector<1x16xf32> to vector<16xf32>
        %swap3A_330 = vector.shape_cast %get3A_325 : vector<16xf32> to vector<1x16xf32>
        tpu.vector_store %arg7[%swap3A_326, %swap3A_327], %swap3A_330 {strides = array<i32>} : memref<32x1024xf32, #tpu.memory_space<vmem>>, vector<1x16xf32>,
        %get3A_331 = arith.constant 0 : i32
        %get3A_332 = arith.index_cast %get3A_331 : i32 to index
        %get3A_333 = arith.constant 336 : index
        %get3A_334 = tpu.vector_load %arg6[%get3A_332, %get3A_333] {strides = array<i32>} : memref<32x1024xf32, #tpu.memory_space<vmem>>, vector<1x16xf32>,
        %get3A_335 = vector.shape_cast %get3A_334 : vector<1x16xf32> to vector<16xf32>
        %swap3A_336 = arith.index_cast %while3A_121 : i32 to index
        %swap3A_337 = arith.constant 336 : index
        %swap3A_338 = tpu.vector_load %arg7[%swap3A_336, %swap3A_337] {strides = array<i32>} : memref<32x1024xf32, #tpu.memory_space<vmem>>, vector<1x16xf32>,
        %swap3A_339 = vector.shape_cast %swap3A_338 : vector<1x16xf32> to vector<16xf32>
        %swap3A_340 = vector.shape_cast %get3A_335 : vector<16xf32> to vector<1x16xf32>
        tpu.vector_store %arg7[%swap3A_336, %swap3A_337], %swap3A_340 {strides = array<i32>} : memref<32x1024xf32, #tpu.memory_space<vmem>>, vector<1x16xf32>,
        %get3A_341 = arith.constant 0 : i32
        %get3A_342 = arith.index_cast %get3A_341 : i32 to index
        %get3A_343 = arith.constant 352 : index
        %get3A_344 = tpu.vector_load %arg6[%get3A_342, %get3A_343] {strides = array<i32>} : memref<32x1024xf32, #tpu.memory_space<vmem>>, vector<1x16xf32>,
        %get3A_345 = vector.shape_cast %get3A_344 : vector<1x16xf32> to vector<16xf32>
        %swap3A_346 = arith.index_cast %while3A_121 : i32 to index
        %swap3A_347 = arith.constant 352 : index
        %swap3A_348 = tpu.vector_load %arg7[%swap3A_346, %swap3A_347] {strides = array<i32>} : memref<32x1024xf32, #tpu.memory_space<vmem>>, vector<1x16xf32>,
        %swap3A_349 = vector.shape_cast %swap3A_348 : vector<1x16xf32> to vector<16xf32>
        %swap3A_350 = vector.shape_cast %get3A_345 : vector<16xf32> to vector<1x16xf32>
        tpu.vector_store %arg7[%swap3A_346, %swap3A_347], %swap3A_350 {strides = array<i32>} : memref<32x1024xf32, #tpu.memory_space<vmem>>, vector<1x16xf32>,
        %get3A_351 = arith.constant 0 : i32
        %get3A_352 = arith.index_cast %get3A_351 : i32 to index
        %get3A_353 = arith.constant 368 : index
        %get3A_354 = tpu.vector_load %arg6[%get3A_352, %get3A_353] {strides = array<i32>} : memref<32x1024xf32, #tpu.memory_space<vmem>>, vector<1x16xf32>,
        %get3A_355 = vector.shape_cast %get3A_354 : vector<1x16xf32> to vector<16xf32>
        %swap3A_356 = arith.index_cast %while3A_121 : i32 to index
        %swap3A_357 = arith.constant 368 : index
        %swap3A_358 = tpu.vector_load %arg7[%swap3A_356, %swap3A_357] {strides = array<i32>} : memref<32x1024xf32, #tpu.memory_space<vmem>>, vector<1x16xf32>,
        %swap3A_359 = vector.shape_cast %swap3A_358 : vector<1x16xf32> to vector<16xf32>
        %swap3A_360 = vector.shape_cast %get3A_355 : vector<16xf32> to vector<1x16xf32>
        tpu.vector_store %arg7[%swap3A_356, %swap3A_357], %swap3A_360 {strides = array<i32>} : memref<32x1024xf32, #tpu.memory_space<vmem>>, vector<1x16xf32>,
        %get3A_361 = arith.constant 0 : i32
        %get3A_362 = arith.index_cast %get3A_361 : i32 to index
        %get3A_363 = arith.constant 384 : index
        %get3A_364 = tpu.vector_load %arg6[%get3A_362, %get3A_363] {strides = array<i32>} : memref<32x1024xf32, #tpu.memory_space<vmem>>, vector<1x16xf32>,
        %get3A_365 = vector.shape_cast %get3A_364 : vector<1x16xf32> to vector<16xf32>
        %swap3A_366 = arith.index_cast %while3A_121 : i32 to index
        %swap3A_367 = arith.constant 384 : index
        %swap3A_368 = tpu.vector_load %arg7[%swap3A_366, %swap3A_367] {strides = array<i32>} : memref<32x1024xf32, #tpu.memory_space<vmem>>, vector<1x16xf32>,
        %swap3A_369 = vector.shape_cast %swap3A_368 : vector<1x16xf32> to vector<16xf32>
        %swap3A_370 = vector.shape_cast %get3A_365 : vector<16xf32> to vector<1x16xf32>
        tpu.vector_store %arg7[%swap3A_366, %swap3A_367], %swap3A_370 {strides = array<i32>} : memref<32x1024xf32, #tpu.memory_space<vmem>>, vector<1x16xf32>,
        %get3A_371 = arith.constant 0 : i32
        %get3A_372 = arith.index_cast %get3A_371 : i32 to index
        %get3A_373 = arith.constant 400 : index
        %get3A_374 = tpu.vector_load %arg6[%get3A_372, %get3A_373] {strides = array<i32>} : memref<32x1024xf32, #tpu.memory_space<vmem>>, vector<1x16xf32>,
        %get3A_375 = vector.shape_cast %get3A_374 : vector<1x16xf32> to vector<16xf32>
        %swap3A_376 = arith.index_cast %while3A_121 : i32 to index
        %swap3A_377 = arith.constant 400 : index
        %swap3A_378 = tpu.vector_load %arg7[%swap3A_376, %swap3A_377] {strides = array<i32>} : memref<32x1024xf32, #tpu.memory_space<vmem>>, vector<1x16xf32>,
        %swap3A_379 = vector.shape_cast %swap3A_378 : vector<1x16xf32> to vector<16xf32>
        %swap3A_380 = vector.shape_cast %get3A_375 : vector<16xf32> to vector<1x16xf32>
        tpu.vector_store %arg7[%swap3A_376, %swap3A_377], %swap3A_380 {strides = array<i32>} : memref<32x1024xf32, #tpu.memory_space<vmem>>, vector<1x16xf32>,
        %get3A_381 = arith.constant 0 : i32
        %get3A_382 = arith.index_cast %get3A_381 : i32 to index
        %get3A_383 = arith.constant 416 : index
        %get3A_384 = tpu.vector_load %arg6[%get3A_382, %get3A_383] {strides = array<i32>} : memref<32x1024xf32, #tpu.memory_space<vmem>>, vector<1x16xf32>,
        %get3A_385 = vector.shape_cast %get3A_384 : vector<1x16xf32> to vector<16xf32>
        %swap3A_386 = arith.index_cast %while3A_121 : i32 to index
        %swap3A_387 = arith.constant 416 : index
        %swap3A_388 = tpu.vector_load %arg7[%swap3A_386, %swap3A_387] {strides = array<i32>} : memref<32x1024xf32, #tpu.memory_space<vmem>>, vector<1x16xf32>,
        %swap3A_389 = vector.shape_cast %swap3A_388 : vector<1x16xf32> to vector<16xf32>
        %swap3A_390 = vector.shape_cast %get3A_385 : vector<16xf32> to vector<1x16xf32>
        tpu.vector_store %arg7[%swap3A_386, %swap3A_387], %swap3A_390 {strides = array<i32>} : memref<32x1024xf32, #tpu.memory_space<vmem>>, vector<1x16xf32>,
        %get3A_391 = arith.constant 0 : i32
        %get3A_392 = arith.index_cast %get3A_391 : i32 to index
        %get3A_393 = arith.constant 432 : index
        %get3A_394 = tpu.vector_load %arg6[%get3A_392, %get3A_393] {strides = array<i32>} : memref<32x1024xf32, #tpu.memory_space<vmem>>, vector<1x16xf32>,
        %get3A_395 = vector.shape_cast %get3A_394 : vector<1x16xf32> to vector<16xf32>
        %swap3A_396 = arith.index_cast %while3A_121 : i32 to index
        %swap3A_397 = arith.constant 432 : index
        %swap3A_398 = tpu.vector_load %arg7[%swap3A_396, %swap3A_397] {strides = array<i32>} : memref<32x1024xf32, #tpu.memory_space<vmem>>, vector<1x16xf32>,
        %swap3A_399 = vector.shape_cast %swap3A_398 : vector<1x16xf32> to vector<16xf32>
        %swap3A_400 = vector.shape_cast %get3A_395 : vector<16xf32> to vector<1x16xf32>
        tpu.vector_store %arg7[%swap3A_396, %swap3A_397], %swap3A_400 {strides = array<i32>} : memref<32x1024xf32, #tpu.memory_space<vmem>>, vector<1x16xf32>,
        %get3A_401 = arith.constant 0 : i32
        %get3A_402 = arith.index_cast %get3A_401 : i32 to index
        %get3A_403 = arith.constant 448 : index
        %get3A_404 = tpu.vector_load %arg6[%get3A_402, %get3A_403] {strides = array<i32>} : memref<32x1024xf32, #tpu.memory_space<vmem>>, vector<1x16xf32>,
        %get3A_405 = vector.shape_cast %get3A_404 : vector<1x16xf32> to vector<16xf32>
        %swap3A_406 = arith.index_cast %while3A_121 : i32 to index
        %swap3A_407 = arith.constant 448 : index
        %swap3A_408 = tpu.vector_load %arg7[%swap3A_406, %swap3A_407] {strides = array<i32>} : memref<32x1024xf32, #tpu.memory_space<vmem>>, vector<1x16xf32>,
        %swap3A_409 = vector.shape_cast %swap3A_408 : vector<1x16xf32> to vector<16xf32>
        %swap3A_410 = vector.shape_cast %get3A_405 : vector<16xf32> to vector<1x16xf32>
        tpu.vector_store %arg7[%swap3A_406, %swap3A_407], %swap3A_410 {strides = array<i32>} : memref<32x1024xf32, #tpu.memory_space<vmem>>, vector<1x16xf32>,
        %get3A_411 = arith.constant 0 : i32
        %get3A_412 = arith.index_cast %get3A_411 : i32 to index
        %get3A_413 = arith.constant 464 : index
        %get3A_414 = tpu.vector_load %arg6[%get3A_412, %get3A_413] {strides = array<i32>} : memref<32x1024xf32, #tpu.memory_space<vmem>>, vector<1x16xf32>,
        %get3A_415 = vector.shape_cast %get3A_414 : vector<1x16xf32> to vector<16xf32>
        %swap3A_416 = arith.index_cast %while3A_121 : i32 to index
        %swap3A_417 = arith.constant 464 : index
        %swap3A_418 = tpu.vector_load %arg7[%swap3A_416, %swap3A_417] {strides = array<i32>} : memref<32x1024xf32, #tpu.memory_space<vmem>>, vector<1x16xf32>,
        %swap3A_419 = vector.shape_cast %swap3A_418 : vector<1x16xf32> to vector<16xf32>
        %swap3A_420 = vector.shape_cast %get3A_415 : vector<16xf32> to vector<1x16xf32>
        tpu.vector_store %arg7[%swap3A_416, %swap3A_417], %swap3A_420 {strides = array<i32>} : memref<32x1024xf32, #tpu.memory_space<vmem>>, vector<1x16xf32>,
        %get3A_421 = arith.constant 0 : i32
        %get3A_422 = arith.index_cast %get3A_421 : i32 to index
        %get3A_423 = arith.constant 480 : index
        %get3A_424 = tpu.vector_load %arg6[%get3A_422, %get3A_423] {strides = array<i32>} : memref<32x1024xf32, #tpu.memory_space<vmem>>, vector<1x16xf32>,
        %get3A_425 = vector.shape_cast %get3A_424 : vector<1x16xf32> to vector<16xf32>
        %swap3A_426 = arith.index_cast %while3A_121 : i32 to index
        %swap3A_427 = arith.constant 480 : index
        %swap3A_428 = tpu.vector_load %arg7[%swap3A_426, %swap3A_427] {strides = array<i32>} : memref<32x1024xf32, #tpu.memory_space<vmem>>, vector<1x16xf32>,
        %swap3A_429 = vector.shape_cast %swap3A_428 : vector<1x16xf32> to vector<16xf32>
        %swap3A_430 = vector.shape_cast %get3A_425 : vector<16xf32> to vector<1x16xf32>
        tpu.vector_store %arg7[%swap3A_426, %swap3A_427], %swap3A_430 {strides = array<i32>} : memref<32x1024xf32, #tpu.memory_space<vmem>>, vector<1x16xf32>,
        %get3A_431 = arith.constant 0 : i32
        %get3A_432 = arith.index_cast %get3A_431 : i32 to index
        %get3A_433 = arith.constant 496 : index
        %get3A_434 = tpu.vector_load %arg6[%get3A_432, %get3A_433] {strides = array<i32>} : memref<32x1024xf32, #tpu.memory_space<vmem>>, vector<1x16xf32>,
        %get3A_435 = vector.shape_cast %get3A_434 : vector<1x16xf32> to vector<16xf32>
        %swap3A_436 = arith.index_cast %while3A_121 : i32 to index
        %swap3A_437 = arith.constant 496 : index
        %swap3A_438 = tpu.vector_load %arg7[%swap3A_436, %swap3A_437] {strides = array<i32>} : memref<32x1024xf32, #tpu.memory_space<vmem>>, vector<1x16xf32>,
        %swap3A_439 = vector.shape_cast %swap3A_438 : vector<1x16xf32> to vector<16xf32>
        %swap3A_440 = vector.shape_cast %get3A_435 : vector<16xf32> to vector<1x16xf32>
        tpu.vector_store %arg7[%swap3A_436, %swap3A_437], %swap3A_440 {strides = array<i32>} : memref<32x1024xf32, #tpu.memory_space<vmem>>, vector<1x16xf32>,
        %get3A_441 = arith.constant 0 : i32
        %get3A_442 = arith.index_cast %get3A_441 : i32 to index
        %get3A_443 = arith.constant 512 : index
        %get3A_444 = tpu.vector_load %arg6[%get3A_442, %get3A_443] {strides = array<i32>} : memref<32x1024xf32, #tpu.memory_space<vmem>>, vector<1x16xf32>,
        %get3A_445 = vector.shape_cast %get3A_444 : vector<1x16xf32> to vector<16xf32>
        %swap3A_446 = arith.index_cast %while3A_121 : i32 to index
        %swap3A_447 = arith.constant 512 : index
        %swap3A_448 = tpu.vector_load %arg7[%swap3A_446, %swap3A_447] {strides = array<i32>} : memref<32x1024xf32, #tpu.memory_space<vmem>>, vector<1x16xf32>,
        %swap3A_449 = vector.shape_cast %swap3A_448 : vector<1x16xf32> to vector<16xf32>
        %swap3A_450 = vector.shape_cast %get3A_445 : vector<16xf32> to vector<1x16xf32>
        tpu.vector_store %arg7[%swap3A_446, %swap3A_447], %swap3A_450 {strides = array<i32>} : memref<32x1024xf32, #tpu.memory_space<vmem>>, vector<1x16xf32>,
        %get3A_451 = arith.constant 0 : i32
        %get3A_452 = arith.index_cast %get3A_451 : i32 to index
        %get3A_453 = arith.constant 528 : index
        %get3A_454 = tpu.vector_load %arg6[%get3A_452, %get3A_453] {strides = array<i32>} : memref<32x1024xf32, #tpu.memory_space<vmem>>, vector<1x16xf32>,
        %get3A_455 = vector.shape_cast %get3A_454 : vector<1x16xf32> to vector<16xf32>
        %swap3A_456 = arith.index_cast %while3A_121 : i32 to index
        %swap3A_457 = arith.constant 528 : index
        %swap3A_458 = tpu.vector_load %arg7[%swap3A_456, %swap3A_457] {strides = array<i32>} : memref<32x1024xf32, #tpu.memory_space<vmem>>, vector<1x16xf32>,
        %swap3A_459 = vector.shape_cast %swap3A_458 : vector<1x16xf32> to vector<16xf32>
        %swap3A_460 = vector.shape_cast %get3A_455 : vector<16xf32> to vector<1x16xf32>
        tpu.vector_store %arg7[%swap3A_456, %swap3A_457], %swap3A_460 {strides = array<i32>} : memref<32x1024xf32, #tpu.memory_space<vmem>>, vector<1x16xf32>,
        %get3A_461 = arith.constant 0 : i32
        %get3A_462 = arith.index_cast %get3A_461 : i32 to index
        %get3A_463 = arith.constant 544 : index
        %get3A_464 = tpu.vector_load %arg6[%get3A_462, %get3A_463] {strides = array<i32>} : memref<32x1024xf32, #tpu.memory_space<vmem>>, vector<1x16xf32>,
        %get3A_465 = vector.shape_cast %get3A_464 : vector<1x16xf32> to vector<16xf32>
        %swap3A_466 = arith.index_cast %while3A_121 : i32 to index
        %swap3A_467 = arith.constant 544 : index
        %swap3A_468 = tpu.vector_load %arg7[%swap3A_466, %swap3A_467] {strides = array<i32>} : memref<32x1024xf32, #tpu.memory_space<vmem>>, vector<1x16xf32>,
        %swap3A_469 = vector.shape_cast %swap3A_468 : vector<1x16xf32> to vector<16xf32>
        %swap3A_470 = vector.shape_cast %get3A_465 : vector<16xf32> to vector<1x16xf32>
        tpu.vector_store %arg7[%swap3A_466, %swap3A_467], %swap3A_470 {strides = array<i32>} : memref<32x1024xf32, #tpu.memory_space<vmem>>, vector<1x16xf32>,
        %get3A_471 = arith.constant 0 : i32
        %get3A_472 = arith.index_cast %get3A_471 : i32 to index
        %get3A_473 = arith.constant 560 : index
        %get3A_474 = tpu.vector_load %arg6[%get3A_472, %get3A_473] {strides = array<i32>} : memref<32x1024xf32, #tpu.memory_space<vmem>>, vector<1x16xf32>,
        %get3A_475 = vector.shape_cast %get3A_474 : vector<1x16xf32> to vector<16xf32>
        %swap3A_476 = arith.index_cast %while3A_121 : i32 to index
        %swap3A_477 = arith.constant 560 : index
        %swap3A_478 = tpu.vector_load %arg7[%swap3A_476, %swap3A_477] {strides = array<i32>} : memref<32x1024xf32, #tpu.memory_space<vmem>>, vector<1x16xf32>,
        %swap3A_479 = vector.shape_cast %swap3A_478 : vector<1x16xf32> to vector<16xf32>
        %swap3A_480 = vector.shape_cast %get3A_475 : vector<16xf32> to vector<1x16xf32>
        tpu.vector_store %arg7[%swap3A_476, %swap3A_477], %swap3A_480 {strides = array<i32>} : memref<32x1024xf32, #tpu.memory_space<vmem>>, vector<1x16xf32>,
        %get3A_481 = arith.constant 0 : i32
        %get3A_482 = arith.index_cast %get3A_481 : i32 to index
        %get3A_483 = arith.constant 576 : index
        %get3A_484 = tpu.vector_load %arg6[%get3A_482, %get3A_483] {strides = array<i32>} : memref<32x1024xf32, #tpu.memory_space<vmem>>, vector<1x16xf32>,
        %get3A_485 = vector.shape_cast %get3A_484 : vector<1x16xf32> to vector<16xf32>
        %swap3A_486 = arith.index_cast %while3A_121 : i32 to index
        %swap3A_487 = arith.constant 576 : index
        %swap3A_488 = tpu.vector_load %arg7[%swap3A_486, %swap3A_487] {strides = array<i32>} : memref<32x1024xf32, #tpu.memory_space<vmem>>, vector<1x16xf32>,
        %swap3A_489 = vector.shape_cast %swap3A_488 : vector<1x16xf32> to vector<16xf32>
        %swap3A_490 = vector.shape_cast %get3A_485 : vector<16xf32> to vector<1x16xf32>
        tpu.vector_store %arg7[%swap3A_486, %swap3A_487], %swap3A_490 {strides = array<i32>} : memref<32x1024xf32, #tpu.memory_space<vmem>>, vector<1x16xf32>,
        %get3A_491 = arith.constant 0 : i32
        %get3A_492 = arith.index_cast %get3A_491 : i32 to index
        %get3A_493 = arith.constant 592 : index
        %get3A_494 = tpu.vector_load %arg6[%get3A_492, %get3A_493] {strides = array<i32>} : memref<32x1024xf32, #tpu.memory_space<vmem>>, vector<1x16xf32>,
        %get3A_495 = vector.shape_cast %get3A_494 : vector<1x16xf32> to vector<16xf32>
        %swap3A_496 = arith.index_cast %while3A_121 : i32 to index
        %swap3A_497 = arith.constant 592 : index
        %swap3A_498 = tpu.vector_load %arg7[%swap3A_496, %swap3A_497] {strides = array<i32>} : memref<32x1024xf32, #tpu.memory_space<vmem>>, vector<1x16xf32>,
        %swap3A_499 = vector.shape_cast %swap3A_498 : vector<1x16xf32> to vector<16xf32>
        %swap3A_500 = vector.shape_cast %get3A_495 : vector<16xf32> to vector<1x16xf32>
        tpu.vector_store %arg7[%swap3A_496, %swap3A_497], %swap3A_500 {strides = array<i32>} : memref<32x1024xf32, #tpu.memory_space<vmem>>, vector<1x16xf32>,
        %get3A_501 = arith.constant 0 : i32
        %get3A_502 = arith.index_cast %get3A_501 : i32 to index
        %get3A_503 = arith.constant 608 : index
        %get3A_504 = tpu.vector_load %arg6[%get3A_502, %get3A_503] {strides = array<i32>} : memref<32x1024xf32, #tpu.memory_space<vmem>>, vector<1x16xf32>,
        %get3A_505 = vector.shape_cast %get3A_504 : vector<1x16xf32> to vector<16xf32>
        %swap3A_506 = arith.index_cast %while3A_121 : i32 to index
        %swap3A_507 = arith.constant 608 : index
        %swap3A_508 = tpu.vector_load %arg7[%swap3A_506, %swap3A_507] {strides = array<i32>} : memref<32x1024xf32, #tpu.memory_space<vmem>>, vector<1x16xf32>,
        %swap3A_509 = vector.shape_cast %swap3A_508 : vector<1x16xf32> to vector<16xf32>
        %swap3A_510 = vector.shape_cast %get3A_505 : vector<16xf32> to vector<1x16xf32>
        tpu.vector_store %arg7[%swap3A_506, %swap3A_507], %swap3A_510 {strides = array<i32>} : memref<32x1024xf32, #tpu.memory_space<vmem>>, vector<1x16xf32>,
        %get3A_511 = arith.constant 0 : i32
        %get3A_512 = arith.index_cast %get3A_511 : i32 to index
        %get3A_513 = arith.constant 624 : index
        %get3A_514 = tpu.vector_load %arg6[%get3A_512, %get3A_513] {strides = array<i32>} : memref<32x1024xf32, #tpu.memory_space<vmem>>, vector<1x16xf32>,
        %get3A_515 = vector.shape_cast %get3A_514 : vector<1x16xf32> to vector<16xf32>
        %swap3A_516 = arith.index_cast %while3A_121 : i32 to index
        %swap3A_517 = arith.constant 624 : index
        %swap3A_518 = tpu.vector_load %arg7[%swap3A_516, %swap3A_517] {strides = array<i32>} : memref<32x1024xf32, #tpu.memory_space<vmem>>, vector<1x16xf32>,
        %swap3A_519 = vector.shape_cast %swap3A_518 : vector<1x16xf32> to vector<16xf32>
        %swap3A_520 = vector.shape_cast %get3A_515 : vector<16xf32> to vector<1x16xf32>
        tpu.vector_store %arg7[%swap3A_516, %swap3A_517], %swap3A_520 {strides = array<i32>} : memref<32x1024xf32, #tpu.memory_space<vmem>>, vector<1x16xf32>,
        %get3A_521 = arith.constant 0 : i32
        %get3A_522 = arith.index_cast %get3A_521 : i32 to index
        %get3A_523 = arith.constant 640 : index
        %get3A_524 = tpu.vector_load %arg6[%get3A_522, %get3A_523] {strides = array<i32>} : memref<32x1024xf32, #tpu.memory_space<vmem>>, vector<1x16xf32>,
        %get3A_525 = vector.shape_cast %get3A_524 : vector<1x16xf32> to vector<16xf32>
        %swap3A_526 = arith.index_cast %while3A_121 : i32 to index
        %swap3A_527 = arith.constant 640 : index
        %swap3A_528 = tpu.vector_load %arg7[%swap3A_526, %swap3A_527] {strides = array<i32>} : memref<32x1024xf32, #tpu.memory_space<vmem>>, vector<1x16xf32>,
        %swap3A_529 = vector.shape_cast %swap3A_528 : vector<1x16xf32> to vector<16xf32>
        %swap3A_530 = vector.shape_cast %get3A_525 : vector<16xf32> to vector<1x16xf32>
        tpu.vector_store %arg7[%swap3A_526, %swap3A_527], %swap3A_530 {strides = array<i32>} : memref<32x1024xf32, #tpu.memory_space<vmem>>, vector<1x16xf32>,
        %get3A_531 = arith.constant 0 : i32
        %get3A_532 = arith.index_cast %get3A_531 : i32 to index
        %get3A_533 = arith.constant 656 : index
        %get3A_534 = tpu.vector_load %arg6[%get3A_532, %get3A_533] {strides = array<i32>} : memref<32x1024xf32, #tpu.memory_space<vmem>>, vector<1x16xf32>,
        %get3A_535 = vector.shape_cast %get3A_534 : vector<1x16xf32> to vector<16xf32>
        %swap3A_536 = arith.index_cast %while3A_121 : i32 to index
        %swap3A_537 = arith.constant 656 : index
        %swap3A_538 = tpu.vector_load %arg7[%swap3A_536, %swap3A_537] {strides = array<i32>} : memref<32x1024xf32, #tpu.memory_space<vmem>>, vector<1x16xf32>,
        %swap3A_539 = vector.shape_cast %swap3A_538 : vector<1x16xf32> to vector<16xf32>
        %swap3A_540 = vector.shape_cast %get3A_535 : vector<16xf32> to vector<1x16xf32>
        tpu.vector_store %arg7[%swap3A_536, %swap3A_537], %swap3A_540 {strides = array<i32>} : memref<32x1024xf32, #tpu.memory_space<vmem>>, vector<1x16xf32>,
        %get3A_541 = arith.constant 0 : i32
        %get3A_542 = arith.index_cast %get3A_541 : i32 to index
        %get3A_543 = arith.constant 672 : index
        %get3A_544 = tpu.vector_load %arg6[%get3A_542, %get3A_543] {strides = array<i32>} : memref<32x1024xf32, #tpu.memory_space<vmem>>, vector<1x16xf32>,
        %get3A_545 = vector.shape_cast %get3A_544 : vector<1x16xf32> to vector<16xf32>
        %swap3A_546 = arith.index_cast %while3A_121 : i32 to index
        %swap3A_547 = arith.constant 672 : index
        %swap3A_548 = tpu.vector_load %arg7[%swap3A_546, %swap3A_547] {strides = array<i32>} : memref<32x1024xf32, #tpu.memory_space<vmem>>, vector<1x16xf32>,
        %swap3A_549 = vector.shape_cast %swap3A_548 : vector<1x16xf32> to vector<16xf32>
        %swap3A_550 = vector.shape_cast %get3A_545 : vector<16xf32> to vector<1x16xf32>
        tpu.vector_store %arg7[%swap3A_546, %swap3A_547], %swap3A_550 {strides = array<i32>} : memref<32x1024xf32, #tpu.memory_space<vmem>>, vector<1x16xf32>,
        %get3A_551 = arith.constant 0 : i32
        %get3A_552 = arith.index_cast %get3A_551 : i32 to index
        %get3A_553 = arith.constant 688 : index
        %get3A_554 = tpu.vector_load %arg6[%get3A_552, %get3A_553] {strides = array<i32>} : memref<32x1024xf32, #tpu.memory_space<vmem>>, vector<1x16xf32>,
        %get3A_555 = vector.shape_cast %get3A_554 : vector<1x16xf32> to vector<16xf32>
        %swap3A_556 = arith.index_cast %while3A_121 : i32 to index
        %swap3A_557 = arith.constant 688 : index
        %swap3A_558 = tpu.vector_load %arg7[%swap3A_556, %swap3A_557] {strides = array<i32>} : memref<32x1024xf32, #tpu.memory_space<vmem>>, vector<1x16xf32>,
        %swap3A_559 = vector.shape_cast %swap3A_558 : vector<1x16xf32> to vector<16xf32>
        %swap3A_560 = vector.shape_cast %get3A_555 : vector<16xf32> to vector<1x16xf32>
        tpu.vector_store %arg7[%swap3A_556, %swap3A_557], %swap3A_560 {strides = array<i32>} : memref<32x1024xf32, #tpu.memory_space<vmem>>, vector<1x16xf32>,
        %get3A_561 = arith.constant 0 : i32
        %get3A_562 = arith.index_cast %get3A_561 : i32 to index
        %get3A_563 = arith.constant 704 : index
        %get3A_564 = tpu.vector_load %arg6[%get3A_562, %get3A_563] {strides = array<i32>} : memref<32x1024xf32, #tpu.memory_space<vmem>>, vector<1x16xf32>,
        %get3A_565 = vector.shape_cast %get3A_564 : vector<1x16xf32> to vector<16xf32>
        %swap3A_566 = arith.index_cast %while3A_121 : i32 to index
        %swap3A_567 = arith.constant 704 : index
        %swap3A_568 = tpu.vector_load %arg7[%swap3A_566, %swap3A_567] {strides = array<i32>} : memref<32x1024xf32, #tpu.memory_space<vmem>>, vector<1x16xf32>,
        %swap3A_569 = vector.shape_cast %swap3A_568 : vector<1x16xf32> to vector<16xf32>
        %swap3A_570 = vector.shape_cast %get3A_565 : vector<16xf32> to vector<1x16xf32>
        tpu.vector_store %arg7[%swap3A_566, %swap3A_567], %swap3A_570 {strides = array<i32>} : memref<32x1024xf32, #tpu.memory_space<vmem>>, vector<1x16xf32>,
        %get3A_571 = arith.constant 0 : i32
        %get3A_572 = arith.index_cast %get3A_571 : i32 to index
        %get3A_573 = arith.constant 720 : index
        %get3A_574 = tpu.vector_load %arg6[%get3A_572, %get3A_573] {strides = array<i32>} : memref<32x1024xf32, #tpu.memory_space<vmem>>, vector<1x16xf32>,
        %get3A_575 = vector.shape_cast %get3A_574 : vector<1x16xf32> to vector<16xf32>
        %swap3A_576 = arith.index_cast %while3A_121 : i32 to index
        %swap3A_577 = arith.constant 720 : index
        %swap3A_578 = tpu.vector_load %arg7[%swap3A_576, %swap3A_577] {strides = array<i32>} : memref<32x1024xf32, #tpu.memory_space<vmem>>, vector<1x16xf32>,
        %swap3A_579 = vector.shape_cast %swap3A_578 : vector<1x16xf32> to vector<16xf32>
        %swap3A_580 = vector.shape_cast %get3A_575 : vector<16xf32> to vector<1x16xf32>
        tpu.vector_store %arg7[%swap3A_576, %swap3A_577], %swap3A_580 {strides = array<i32>} : memref<32x1024xf32, #tpu.memory_space<vmem>>, vector<1x16xf32>,
        %get3A_581 = arith.constant 0 : i32
        %get3A_582 = arith.index_cast %get3A_581 : i32 to index
        %get3A_583 = arith.constant 736 : index
        %get3A_584 = tpu.vector_load %arg6[%get3A_582, %get3A_583] {strides = array<i32>} : memref<32x1024xf32, #tpu.memory_space<vmem>>, vector<1x16xf32>,
        %get3A_585 = vector.shape_cast %get3A_584 : vector<1x16xf32> to vector<16xf32>
        %swap3A_586 = arith.index_cast %while3A_121 : i32 to index
        %swap3A_587 = arith.constant 736 : index
        %swap3A_588 = tpu.vector_load %arg7[%swap3A_586, %swap3A_587] {strides = array<i32>} : memref<32x1024xf32, #tpu.memory_space<vmem>>, vector<1x16xf32>,
        %swap3A_589 = vector.shape_cast %swap3A_588 : vector<1x16xf32> to vector<16xf32>
        %swap3A_590 = vector.shape_cast %get3A_585 : vector<16xf32> to vector<1x16xf32>
        tpu.vector_store %arg7[%swap3A_586, %swap3A_587], %swap3A_590 {strides = array<i32>} : memref<32x1024xf32, #tpu.memory_space<vmem>>, vector<1x16xf32>,
        %get3A_591 = arith.constant 0 : i32
        %get3A_592 = arith.index_cast %get3A_591 : i32 to index
        %get3A_593 = arith.constant 752 : index
        %get3A_594 = tpu.vector_load %arg6[%get3A_592, %get3A_593] {strides = array<i32>} : memref<32x1024xf32, #tpu.memory_space<vmem>>, vector<1x16xf32>,
        %get3A_595 = vector.shape_cast %get3A_594 : vector<1x16xf32> to vector<16xf32>
        %swap3A_596 = arith.index_cast %while3A_121 : i32 to index
        %swap3A_597 = arith.constant 752 : index
        %swap3A_598 = tpu.vector_load %arg7[%swap3A_596, %swap3A_597] {strides = array<i32>} : memref<32x1024xf32, #tpu.memory_space<vmem>>, vector<1x16xf32>,
        %swap3A_599 = vector.shape_cast %swap3A_598 : vector<1x16xf32> to vector<16xf32>
        %swap3A_600 = vector.shape_cast %get3A_595 : vector<16xf32> to vector<1x16xf32>
        tpu.vector_store %arg7[%swap3A_596, %swap3A_597], %swap3A_600 {strides = array<i32>} : memref<32x1024xf32, #tpu.memory_space<vmem>>, vector<1x16xf32>,
        %get3A_601 = arith.constant 0 : i32
        %get3A_602 = arith.index_cast %get3A_601 : i32 to index
        %get3A_603 = arith.constant 768 : index
        %get3A_604 = tpu.vector_load %arg6[%get3A_602, %get3A_603] {strides = array<i32>} : memref<32x1024xf32, #tpu.memory_space<vmem>>, vector<1x16xf32>,
        %get3A_605 = vector.shape_cast %get3A_604 : vector<1x16xf32> to vector<16xf32>
        %swap3A_606 = arith.index_cast %while3A_121 : i32 to index
        %swap3A_607 = arith.constant 768 : index
        %swap3A_608 = tpu.vector_load %arg7[%swap3A_606, %swap3A_607] {strides = array<i32>} : memref<32x1024xf32, #tpu.memory_space<vmem>>, vector<1x16xf32>,
        %swap3A_609 = vector.shape_cast %swap3A_608 : vector<1x16xf32> to vector<16xf32>
        %swap3A_610 = vector.shape_cast %get3A_605 : vector<16xf32> to vector<1x16xf32>
        tpu.vector_store %arg7[%swap3A_606, %swap3A_607], %swap3A_610 {strides = array<i32>} : memref<32x1024xf32, #tpu.memory_space<vmem>>, vector<1x16xf32>,
        %get3A_611 = arith.constant 0 : i32
        %get3A_612 = arith.index_cast %get3A_611 : i32 to index
        %get3A_613 = arith.constant 784 : index
        %get3A_614 = tpu.vector_load %arg6[%get3A_612, %get3A_613] {strides = array<i32>} : memref<32x1024xf32, #tpu.memory_space<vmem>>, vector<1x16xf32>,
        %get3A_615 = vector.shape_cast %get3A_614 : vector<1x16xf32> to vector<16xf32>
        %swap3A_616 = arith.index_cast %while3A_121 : i32 to index
        %swap3A_617 = arith.constant 784 : index
        %swap3A_618 = tpu.vector_load %arg7[%swap3A_616, %swap3A_617] {strides = array<i32>} : memref<32x1024xf32, #tpu.memory_space<vmem>>, vector<1x16xf32>,
        %swap3A_619 = vector.shape_cast %swap3A_618 : vector<1x16xf32> to vector<16xf32>
        %swap3A_620 = vector.shape_cast %get3A_615 : vector<16xf32> to vector<1x16xf32>
        tpu.vector_store %arg7[%swap3A_616, %swap3A_617], %swap3A_620 {strides = array<i32>} : memref<32x1024xf32, #tpu.memory_space<vmem>>, vector<1x16xf32>,
        %get3A_621 = arith.constant 0 : i32
        %get3A_622 = arith.index_cast %get3A_621 : i32 to index
        %get3A_623 = arith.constant 800 : index
        %get3A_624 = tpu.vector_load %arg6[%get3A_622, %get3A_623] {strides = array<i32>} : memref<32x1024xf32, #tpu.memory_space<vmem>>, vector<1x16xf32>,
        %get3A_625 = vector.shape_cast %get3A_624 : vector<1x16xf32> to vector<16xf32>
        %swap3A_626 = arith.index_cast %while3A_121 : i32 to index
        %swap3A_627 = arith.constant 800 : index
        %swap3A_628 = tpu.vector_load %arg7[%swap3A_626, %swap3A_627] {strides = array<i32>} : memref<32x1024xf32, #tpu.memory_space<vmem>>, vector<1x16xf32>,
        %swap3A_629 = vector.shape_cast %swap3A_628 : vector<1x16xf32> to vector<16xf32>
        %swap3A_630 = vector.shape_cast %get3A_625 : vector<16xf32> to vector<1x16xf32>
        tpu.vector_store %arg7[%swap3A_626, %swap3A_627], %swap3A_630 {strides = array<i32>} : memref<32x1024xf32, #tpu.memory_space<vmem>>, vector<1x16xf32>,
        %get3A_631 = arith.constant 0 : i32
        %get3A_632 = arith.index_cast %get3A_631 : i32 to index
        %get3A_633 = arith.constant 816 : index
        %get3A_634 = tpu.vector_load %arg6[%get3A_632, %get3A_633] {strides = array<i32>} : memref<32x1024xf32, #tpu.memory_space<vmem>>, vector<1x16xf32>,
        %get3A_635 = vector.shape_cast %get3A_634 : vector<1x16xf32> to vector<16xf32>
        %swap3A_636 = arith.index_cast %while3A_121 : i32 to index
        %swap3A_637 = arith.constant 816 : index
        %swap3A_638 = tpu.vector_load %arg7[%swap3A_636, %swap3A_637] {strides = array<i32>} : memref<32x1024xf32, #tpu.memory_space<vmem>>, vector<1x16xf32>,
        %swap3A_639 = vector.shape_cast %swap3A_638 : vector<1x16xf32> to vector<16xf32>
        %swap3A_640 = vector.shape_cast %get3A_635 : vector<16xf32> to vector<1x16xf32>
        tpu.vector_store %arg7[%swap3A_636, %swap3A_637], %swap3A_640 {strides = array<i32>} : memref<32x1024xf32, #tpu.memory_space<vmem>>, vector<1x16xf32>,
        %get3A_641 = arith.constant 0 : i32
        %get3A_642 = arith.index_cast %get3A_641 : i32 to index
        %get3A_643 = arith.constant 832 : index
        %get3A_644 = tpu.vector_load %arg6[%get3A_642, %get3A_643] {strides = array<i32>} : memref<32x1024xf32, #tpu.memory_space<vmem>>, vector<1x16xf32>,
        %get3A_645 = vector.shape_cast %get3A_644 : vector<1x16xf32> to vector<16xf32>
        %swap3A_646 = arith.index_cast %while3A_121 : i32 to index
        %swap3A_647 = arith.constant 832 : index
        %swap3A_648 = tpu.vector_load %arg7[%swap3A_646, %swap3A_647] {strides = array<i32>} : memref<32x1024xf32, #tpu.memory_space<vmem>>, vector<1x16xf32>,
        %swap3A_649 = vector.shape_cast %swap3A_648 : vector<1x16xf32> to vector<16xf32>
        %swap3A_650 = vector.shape_cast %get3A_645 : vector<16xf32> to vector<1x16xf32>
        tpu.vector_store %arg7[%swap3A_646, %swap3A_647], %swap3A_650 {strides = array<i32>} : memref<32x1024xf32, #tpu.memory_space<vmem>>, vector<1x16xf32>,
        %get3A_651 = arith.constant 0 : i32
        %get3A_652 = arith.index_cast %get3A_651 : i32 to index
        %get3A_653 = arith.constant 848 : index
        %get3A_654 = tpu.vector_load %arg6[%get3A_652, %get3A_653] {strides = array<i32>} : memref<32x1024xf32, #tpu.memory_space<vmem>>, vector<1x16xf32>,
        %get3A_655 = vector.shape_cast %get3A_654 : vector<1x16xf32> to vector<16xf32>
        %swap3A_656 = arith.index_cast %while3A_121 : i32 to index
        %swap3A_657 = arith.constant 848 : index
        %swap3A_658 = tpu.vector_load %arg7[%swap3A_656, %swap3A_657] {strides = array<i32>} : memref<32x1024xf32, #tpu.memory_space<vmem>>, vector<1x16xf32>,
        %swap3A_659 = vector.shape_cast %swap3A_658 : vector<1x16xf32> to vector<16xf32>
        %swap3A_660 = vector.shape_cast %get3A_655 : vector<16xf32> to vector<1x16xf32>
        tpu.vector_store %arg7[%swap3A_656, %swap3A_657], %swap3A_660 {strides = array<i32>} : memref<32x1024xf32, #tpu.memory_space<vmem>>, vector<1x16xf32>,
        %get3A_661 = arith.constant 0 : i32
        %get3A_662 = arith.index_cast %get3A_661 : i32 to index
        %get3A_663 = arith.constant 864 : index
        %get3A_664 = tpu.vector_load %arg6[%get3A_662, %get3A_663] {strides = array<i32>} : memref<32x1024xf32, #tpu.memory_space<vmem>>, vector<1x16xf32>,
        %get3A_665 = vector.shape_cast %get3A_664 : vector<1x16xf32> to vector<16xf32>
        %swap3A_666 = arith.index_cast %while3A_121 : i32 to index
        %swap3A_667 = arith.constant 864 : index
        %swap3A_668 = tpu.vector_load %arg7[%swap3A_666, %swap3A_667] {strides = array<i32>} : memref<32x1024xf32, #tpu.memory_space<vmem>>, vector<1x16xf32>,
        %swap3A_669 = vector.shape_cast %swap3A_668 : vector<1x16xf32> to vector<16xf32>
        %swap3A_670 = vector.shape_cast %get3A_665 : vector<16xf32> to vector<1x16xf32>
        tpu.vector_store %arg7[%swap3A_666, %swap3A_667], %swap3A_670 {strides = array<i32>} : memref<32x1024xf32, #tpu.memory_space<vmem>>, vector<1x16xf32>,
        %get3A_671 = arith.constant 0 : i32
        %get3A_672 = arith.index_cast %get3A_671 : i32 to index
        %get3A_673 = arith.constant 880 : index
        %get3A_674 = tpu.vector_load %arg6[%get3A_672, %get3A_673] {strides = array<i32>} : memref<32x1024xf32, #tpu.memory_space<vmem>>, vector<1x16xf32>,
        %get3A_675 = vector.shape_cast %get3A_674 : vector<1x16xf32> to vector<16xf32>
        %swap3A_676 = arith.index_cast %while3A_121 : i32 to index
        %swap3A_677 = arith.constant 880 : index
        %swap3A_678 = tpu.vector_load %arg7[%swap3A_676, %swap3A_677] {strides = array<i32>} : memref<32x1024xf32, #tpu.memory_space<vmem>>, vector<1x16xf32>,
        %swap3A_679 = vector.shape_cast %swap3A_678 : vector<1x16xf32> to vector<16xf32>
        %swap3A_680 = vector.shape_cast %get3A_675 : vector<16xf32> to vector<1x16xf32>
        tpu.vector_store %arg7[%swap3A_676, %swap3A_677], %swap3A_680 {strides = array<i32>} : memref<32x1024xf32, #tpu.memory_space<vmem>>, vector<1x16xf32>,
        %get3A_681 = arith.constant 0 : i32
        %get3A_682 = arith.index_cast %get3A_681 : i32 to index
        %get3A_683 = arith.constant 896 : index
        %get3A_684 = tpu.vector_load %arg6[%get3A_682, %get3A_683] {strides = array<i32>} : memref<32x1024xf32, #tpu.memory_space<vmem>>, vector<1x16xf32>,
        %get3A_685 = vector.shape_cast %get3A_684 : vector<1x16xf32> to vector<16xf32>
        %swap3A_686 = arith.index_cast %while3A_121 : i32 to index
        %swap3A_687 = arith.constant 896 : index
        %swap3A_688 = tpu.vector_load %arg7[%swap3A_686, %swap3A_687] {strides = array<i32>} : memref<32x1024xf32, #tpu.memory_space<vmem>>, vector<1x16xf32>,
        %swap3A_689 = vector.shape_cast %swap3A_688 : vector<1x16xf32> to vector<16xf32>
        %swap3A_690 = vector.shape_cast %get3A_685 : vector<16xf32> to vector<1x16xf32>
        tpu.vector_store %arg7[%swap3A_686, %swap3A_687], %swap3A_690 {strides = array<i32>} : memref<32x1024xf32, #tpu.memory_space<vmem>>, vector<1x16xf32>,
        %get3A_691 = arith.constant 0 : i32
        %get3A_692 = arith.index_cast %get3A_691 : i32 to index
        %get3A_693 = arith.constant 912 : index
        %get3A_694 = tpu.vector_load %arg6[%get3A_692, %get3A_693] {strides = array<i32>} : memref<32x1024xf32, #tpu.memory_space<vmem>>, vector<1x16xf32>,
        %get3A_695 = vector.shape_cast %get3A_694 : vector<1x16xf32> to vector<16xf32>
        %swap3A_696 = arith.index_cast %while3A_121 : i32 to index
        %swap3A_697 = arith.constant 912 : index
        %swap3A_698 = tpu.vector_load %arg7[%swap3A_696, %swap3A_697] {strides = array<i32>} : memref<32x1024xf32, #tpu.memory_space<vmem>>, vector<1x16xf32>,
        %swap3A_699 = vector.shape_cast %swap3A_698 : vector<1x16xf32> to vector<16xf32>
        %swap3A_700 = vector.shape_cast %get3A_695 : vector<16xf32> to vector<1x16xf32>
        tpu.vector_store %arg7[%swap3A_696, %swap3A_697], %swap3A_700 {strides = array<i32>} : memref<32x1024xf32, #tpu.memory_space<vmem>>, vector<1x16xf32>,
        %get3A_701 = arith.constant 0 : i32
        %get3A_702 = arith.index_cast %get3A_701 : i32 to index
        %get3A_703 = arith.constant 928 : index
        %get3A_704 = tpu.vector_load %arg6[%get3A_702, %get3A_703] {strides = array<i32>} : memref<32x1024xf32, #tpu.memory_space<vmem>>, vector<1x16xf32>,
        %get3A_705 = vector.shape_cast %get3A_704 : vector<1x16xf32> to vector<16xf32>
        %swap3A_706 = arith.index_cast %while3A_121 : i32 to index
        %swap3A_707 = arith.constant 928 : index
        %swap3A_708 = tpu.vector_load %arg7[%swap3A_706, %swap3A_707] {strides = array<i32>} : memref<32x1024xf32, #tpu.memory_space<vmem>>, vector<1x16xf32>,
        %swap3A_709 = vector.shape_cast %swap3A_708 : vector<1x16xf32> to vector<16xf32>
        %swap3A_710 = vector.shape_cast %get3A_705 : vector<16xf32> to vector<1x16xf32>
        tpu.vector_store %arg7[%swap3A_706, %swap3A_707], %swap3A_710 {strides = array<i32>} : memref<32x1024xf32, #tpu.memory_space<vmem>>, vector<1x16xf32>,
        %get3A_711 = arith.constant 0 : i32
        %get3A_712 = arith.index_cast %get3A_711 : i32 to index
        %get3A_713 = arith.constant 944 : index
        %get3A_714 = tpu.vector_load %arg6[%get3A_712, %get3A_713] {strides = array<i32>} : memref<32x1024xf32, #tpu.memory_space<vmem>>, vector<1x16xf32>,
        %get3A_715 = vector.shape_cast %get3A_714 : vector<1x16xf32> to vector<16xf32>
        %swap3A_716 = arith.index_cast %while3A_121 : i32 to index
        %swap3A_717 = arith.constant 944 : index
        %swap3A_718 = tpu.vector_load %arg7[%swap3A_716, %swap3A_717] {strides = array<i32>} : memref<32x1024xf32, #tpu.memory_space<vmem>>, vector<1x16xf32>,
        %swap3A_719 = vector.shape_cast %swap3A_718 : vector<1x16xf32> to vector<16xf32>
        %swap3A_720 = vector.shape_cast %get3A_715 : vector<16xf32> to vector<1x16xf32>
        tpu.vector_store %arg7[%swap3A_716, %swap3A_717], %swap3A_720 {strides = array<i32>} : memref<32x1024xf32, #tpu.memory_space<vmem>>, vector<1x16xf32>,
        %get3A_721 = arith.constant 0 : i32
        %get3A_722 = arith.index_cast %get3A_721 : i32 to index
        %get3A_723 = arith.constant 960 : index
        %get3A_724 = tpu.vector_load %arg6[%get3A_722, %get3A_723] {strides = array<i32>} : memref<32x1024xf32, #tpu.memory_space<vmem>>, vector<1x16xf32>,
        %get3A_725 = vector.shape_cast %get3A_724 : vector<1x16xf32> to vector<16xf32>
        %swap3A_726 = arith.index_cast %while3A_121 : i32 to index
        %swap3A_727 = arith.constant 960 : index
        %swap3A_728 = tpu.vector_load %arg7[%swap3A_726, %swap3A_727] {strides = array<i32>} : memref<32x1024xf32, #tpu.memory_space<vmem>>, vector<1x16xf32>,
        %swap3A_729 = vector.shape_cast %swap3A_728 : vector<1x16xf32> to vector<16xf32>
        %swap3A_730 = vector.shape_cast %get3A_725 : vector<16xf32> to vector<1x16xf32>
        tpu.vector_store %arg7[%swap3A_726, %swap3A_727], %swap3A_730 {strides = array<i32>} : memref<32x1024xf32, #tpu.memory_space<vmem>>, vector<1x16xf32>,
        %get3A_731 = arith.constant 0 : i32
        %get3A_732 = arith.index_cast %get3A_731 : i32 to index
        %get3A_733 = arith.constant 976 : index
        %get3A_734 = tpu.vector_load %arg6[%get3A_732, %get3A_733] {strides = array<i32>} : memref<32x1024xf32, #tpu.memory_space<vmem>>, vector<1x16xf32>,
        %get3A_735 = vector.shape_cast %get3A_734 : vector<1x16xf32> to vector<16xf32>
        %swap3A_736 = arith.index_cast %while3A_121 : i32 to index
        %swap3A_737 = arith.constant 976 : index
        %swap3A_738 = tpu.vector_load %arg7[%swap3A_736, %swap3A_737] {strides = array<i32>} : memref<32x1024xf32, #tpu.memory_space<vmem>>, vector<1x16xf32>,
        %swap3A_739 = vector.shape_cast %swap3A_738 : vector<1x16xf32> to vector<16xf32>
        %swap3A_740 = vector.shape_cast %get3A_735 : vector<16xf32> to vector<1x16xf32>
        tpu.vector_store %arg7[%swap3A_736, %swap3A_737], %swap3A_740 {strides = array<i32>} : memref<32x1024xf32, #tpu.memory_space<vmem>>, vector<1x16xf32>,
        %get3A_741 = arith.constant 0 : i32
        %get3A_742 = arith.index_cast %get3A_741 : i32 to index
        %get3A_743 = arith.constant 992 : index
        %get3A_744 = tpu.vector_load %arg6[%get3A_742, %get3A_743] {strides = array<i32>} : memref<32x1024xf32, #tpu.memory_space<vmem>>, vector<1x16xf32>,
        %get3A_745 = vector.shape_cast %get3A_744 : vector<1x16xf32> to vector<16xf32>
        %swap3A_746 = arith.index_cast %while3A_121 : i32 to index
        %swap3A_747 = arith.constant 992 : index
        %swap3A_748 = tpu.vector_load %arg7[%swap3A_746, %swap3A_747] {strides = array<i32>} : memref<32x1024xf32, #tpu.memory_space<vmem>>, vector<1x16xf32>,
        %swap3A_749 = vector.shape_cast %swap3A_748 : vector<1x16xf32> to vector<16xf32>
        %swap3A_750 = vector.shape_cast %get3A_745 : vector<16xf32> to vector<1x16xf32>
        tpu.vector_store %arg7[%swap3A_746, %swap3A_747], %swap3A_750 {strides = array<i32>} : memref<32x1024xf32, #tpu.memory_space<vmem>>, vector<1x16xf32>,
        %get3A_751 = arith.constant 0 : i32
        %get3A_752 = arith.index_cast %get3A_751 : i32 to index
        %get3A_753 = arith.constant 1008 : index
        %get3A_754 = tpu.vector_load %arg6[%get3A_752, %get3A_753] {strides = array<i32>} : memref<32x1024xf32, #tpu.memory_space<vmem>>, vector<1x16xf32>,
        %get3A_755 = vector.shape_cast %get3A_754 : vector<1x16xf32> to vector<16xf32>
        %swap3A_756 = arith.index_cast %while3A_121 : i32 to index
        %swap3A_757 = arith.constant 1008 : index
        %swap3A_758 = tpu.vector_load %arg7[%swap3A_756, %swap3A_757] {strides = array<i32>} : memref<32x1024xf32, #tpu.memory_space<vmem>>, vector<1x16xf32>,
        %swap3A_759 = vector.shape_cast %swap3A_758 : vector<1x16xf32> to vector<16xf32>
        %swap3A_760 = vector.shape_cast %get3A_755 : vector<16xf32> to vector<1x16xf32>
        tpu.vector_store %arg7[%swap3A_756, %swap3A_757], %swap3A_760 {strides = array<i32>} : memref<32x1024xf32, #tpu.memory_space<vmem>>, vector<1x16xf32>,
      }
      %while3A_120 = arith.constant 1 : i32
      scf.for %while3A_121 = %while3A_118 to %while3A_114 step %while3A_120  : i32 {
        %get3A_122 = arith.constant 0 : i32
        %get3A_123 = arith.index_cast %get3A_122 : i32 to index
        %get3A_124 = arith.constant 0 : index
        %get3A_125 = tpu.vector_load %arg6[%get3A_123, %get3A_124] {strides = array<i32>} : memref<32x1024xf32, #tpu.memory_space<vmem>>, vector<1x16xf32>,
        %get3A_126 = vector.shape_cast %get3A_125 : vector<1x16xf32> to vector<16xf32>
        %swap3A = arith.index_cast %while3A_121 : i32 to index
        %swap3A_127 = arith.constant 0 : index
        %swap3A_128 = tpu.vector_load %arg7[%swap3A, %swap3A_127] {strides = array<i32>} : memref<32x1024xf32, #tpu.memory_space<vmem>>, vector<1x16xf32>,
        %swap3A_129 = vector.shape_cast %swap3A_128 : vector<1x16xf32> to vector<16xf32>
        %swap3A_130 = vector.shape_cast %get3A_126 : vector<16xf32> to vector<1x16xf32>
        tpu.vector_store %arg7[%swap3A, %swap3A_127], %swap3A_130 {strides = array<i32>} : memref<32x1024xf32, #tpu.memory_space<vmem>>, vector<1x16xf32>,
        %get3A_131 = arith.constant 0 : i32
        %get3A_132 = arith.index_cast %get3A_131 : i32 to index
        %get3A_133 = arith.constant 16 : index
        %get3A_134 = tpu.vector_load %arg6[%get3A_132, %get3A_133] {strides = array<i32>} : memref<32x1024xf32, #tpu.memory_space<vmem>>, vector<1x16xf32>,
        %get3A_135 = vector.shape_cast %get3A_134 : vector<1x16xf32> to vector<16xf32>
        %swap3A_136 = arith.index_cast %while3A_121 : i32 to index
        %swap3A_137 = arith.constant 16 : index
        %swap3A_138 = tpu.vector_load %arg7[%swap3A_136, %swap3A_137] {strides = array<i32>} : memref<32x1024xf32, #tpu.memory_space<vmem>>, vector<1x16xf32>,
        %swap3A_139 = vector.shape_cast %swap3A_138 : vector<1x16xf32> to vector<16xf32>
        %swap3A_140 = vector.shape_cast %get3A_135 : vector<16xf32> to vector<1x16xf32>
        tpu.vector_store %arg7[%swap3A_136, %swap3A_137], %swap3A_140 {strides = array<i32>} : memref<32x1024xf32, #tpu.memory_space<vmem>>, vector<1x16xf32>,
        %get3A_141 = arith.constant 0 : i32
        %get3A_142 = arith.index_cast %get3A_141 : i32 to index
        %get3A_143 = arith.constant 32 : index
        %get3A_144 = tpu.vector_load %arg6[%get3A_142, %get3A_143] {strides = array<i32>} : memref<32x1024xf32, #tpu.memory_space<vmem>>, vector<1x16xf32>,
        %get3A_145 = vector.shape_cast %get3A_144 : vector<1x16xf32> to vector<16xf32>
        %swap3A_146 = arith.index_cast %while3A_121 : i32 to index
        %swap3A_147 = arith.constant 32 : index
        %swap3A_148 = tpu.vector_load %arg7[%swap3A_146, %swap3A_147] {strides = array<i32>} : memref<32x1024xf32, #tpu.memory_space<vmem>>, vector<1x16xf32>,
        %swap3A_149 = vector.shape_cast %swap3A_148 : vector<1x16xf32> to vector<16xf32>
        %swap3A_150 = vector.shape_cast %get3A_145 : vector<16xf32> to vector<1x16xf32>
        tpu.vector_store %arg7[%swap3A_146, %swap3A_147], %swap3A_150 {strides = array<i32>} : memref<32x1024xf32, #tpu.memory_space<vmem>>, vector<1x16xf32>,
        %get3A_151 = arith.constant 0 : i32
        %get3A_152 = arith.index_cast %get3A_151 : i32 to index
        %get3A_153 = arith.constant 48 : index
        %get3A_154 = tpu.vector_load %arg6[%get3A_152, %get3A_153] {strides = array<i32>} : memref<32x1024xf32, #tpu.memory_space<vmem>>, vector<1x16xf32>,
        %get3A_155 = vector.shape_cast %get3A_154 : vector<1x16xf32> to vector<16xf32>
        %swap3A_156 = arith.index_cast %while3A_121 : i32 to index
        %swap3A_157 = arith.constant 48 : index
        %swap3A_158 = tpu.vector_load %arg7[%swap3A_156, %swap3A_157] {strides = array<i32>} : memref<32x1024xf32, #tpu.memory_space<vmem>>, vector<1x16xf32>,
        %swap3A_159 = vector.shape_cast %swap3A_158 : vector<1x16xf32> to vector<16xf32>
        %swap3A_160 = vector.shape_cast %get3A_155 : vector<16xf32> to vector<1x16xf32>
        tpu.vector_store %arg7[%swap3A_156, %swap3A_157], %swap3A_160 {strides = array<i32>} : memref<32x1024xf32, #tpu.memory_space<vmem>>, vector<1x16xf32>,
        %get3A_161 = arith.constant 0 : i32
        %get3A_162 = arith.index_cast %get3A_161 : i32 to index
        %get3A_163 = arith.constant 64 : index
        %get3A_164 = tpu.vector_load %arg6[%get3A_162, %get3A_163] {strides = array<i32>} : memref<32x1024xf32, #tpu.memory_space<vmem>>, vector<1x16xf32>,
        %get3A_165 = vector.shape_cast %get3A_164 : vector<1x16xf32> to vector<16xf32>
        %swap3A_166 = arith.index_cast %while3A_121 : i32 to index
        %swap3A_167 = arith.constant 64 : index
        %swap3A_168 = tpu.vector_load %arg7[%swap3A_166, %swap3A_167] {strides = array<i32>} : memref<32x1024xf32, #tpu.memory_space<vmem>>, vector<1x16xf32>,
        %swap3A_169 = vector.shape_cast %swap3A_168 : vector<1x16xf32> to vector<16xf32>
        %swap3A_170 = vector.shape_cast %get3A_165 : vector<16xf32> to vector<1x16xf32>
        tpu.vector_store %arg7[%swap3A_166, %swap3A_167], %swap3A_170 {strides = array<i32>} : memref<32x1024xf32, #tpu.memory_space<vmem>>, vector<1x16xf32>,
        %get3A_171 = arith.constant 0 : i32
        %get3A_172 = arith.index_cast %get3A_171 : i32 to index
        %get3A_173 = arith.constant 80 : index
        %get3A_174 = tpu.vector_load %arg6[%get3A_172, %get3A_173] {strides = array<i32>} : memref<32x1024xf32, #tpu.memory_space<vmem>>, vector<1x16xf32>,
        %get3A_175 = vector.shape_cast %get3A_174 : vector<1x16xf32> to vector<16xf32>
        %swap3A_176 = arith.index_cast %while3A_121 : i32 to index
        %swap3A_177 = arith.constant 80 : index
        %swap3A_178 = tpu.vector_load %arg7[%swap3A_176, %swap3A_177] {strides = array<i32>} : memref<32x1024xf32, #tpu.memory_space<vmem>>, vector<1x16xf32>,
        %swap3A_179 = vector.shape_cast %swap3A_178 : vector<1x16xf32> to vector<16xf32>
        %swap3A_180 = vector.shape_cast %get3A_175 : vector<16xf32> to vector<1x16xf32>
        tpu.vector_store %arg7[%swap3A_176, %swap3A_177], %swap3A_180 {strides = array<i32>} : memref<32x1024xf32, #tpu.memory_space<vmem>>, vector<1x16xf32>,
        %get3A_181 = arith.constant 0 : i32
        %get3A_182 = arith.index_cast %get3A_181 : i32 to index
        %get3A_183 = arith.constant 96 : index
        %get3A_184 = tpu.vector_load %arg6[%get3A_182, %get3A_183] {strides = array<i32>} : memref<32x1024xf32, #tpu.memory_space<vmem>>, vector<1x16xf32>,
        %get3A_185 = vector.shape_cast %get3A_184 : vector<1x16xf32> to vector<16xf32>
        %swap3A_186 = arith.index_cast %while3A_121 : i32 to index
        %swap3A_187 = arith.constant 96 : index
        %swap3A_188 = tpu.vector_load %arg7[%swap3A_186, %swap3A_187] {strides = array<i32>} : memref<32x1024xf32, #tpu.memory_space<vmem>>, vector<1x16xf32>,
        %swap3A_189 = vector.shape_cast %swap3A_188 : vector<1x16xf32> to vector<16xf32>
        %swap3A_190 = vector.shape_cast %get3A_185 : vector<16xf32> to vector<1x16xf32>
        tpu.vector_store %arg7[%swap3A_186, %swap3A_187], %swap3A_190 {strides = array<i32>} : memref<32x1024xf32, #tpu.memory_space<vmem>>, vector<1x16xf32>,
        %get3A_191 = arith.constant 0 : i32
        %get3A_192 = arith.index_cast %get3A_191 : i32 to index
        %get3A_193 = arith.constant 112 : index
        %get3A_194 = tpu.vector_load %arg6[%get3A_192, %get3A_193] {strides = array<i32>} : memref<32x1024xf32, #tpu.memory_space<vmem>>, vector<1x16xf32>,
        %get3A_195 = vector.shape_cast %get3A_194 : vector<1x16xf32> to vector<16xf32>
        %swap3A_196 = arith.index_cast %while3A_121 : i32 to index
        %swap3A_197 = arith.constant 112 : index
        %swap3A_198 = tpu.vector_load %arg7[%swap3A_196, %swap3A_197] {strides = array<i32>} : memref<32x1024xf32, #tpu.memory_space<vmem>>, vector<1x16xf32>,
        %swap3A_199 = vector.shape_cast %swap3A_198 : vector<1x16xf32> to vector<16xf32>
        %swap3A_200 = vector.shape_cast %get3A_195 : vector<16xf32> to vector<1x16xf32>
        tpu.vector_store %arg7[%swap3A_196, %swap3A_197], %swap3A_200 {strides = array<i32>} : memref<32x1024xf32, #tpu.memory_space<vmem>>, vector<1x16xf32>,
        %get3A_201 = arith.constant 0 : i32
        %get3A_202 = arith.index_cast %get3A_201 : i32 to index
        %get3A_203 = arith.constant 128 : index
        %get3A_204 = tpu.vector_load %arg6[%get3A_202, %get3A_203] {strides = array<i32>} : memref<32x1024xf32, #tpu.memory_space<vmem>>, vector<1x16xf32>,
        %get3A_205 = vector.shape_cast %get3A_204 : vector<1x16xf32> to vector<16xf32>
        %swap3A_206 = arith.index_cast %while3A_121 : i32 to index
        %swap3A_207 = arith.constant 128 : index
        %swap3A_208 = tpu.vector_load %arg7[%swap3A_206, %swap3A_207] {strides = array<i32>} : memref<32x1024xf32, #tpu.memory_space<vmem>>, vector<1x16xf32>,
        %swap3A_209 = vector.shape_cast %swap3A_208 : vector<1x16xf32> to vector<16xf32>
        %swap3A_210 = vector.shape_cast %get3A_205 : vector<16xf32> to vector<1x16xf32>
        tpu.vector_store %arg7[%swap3A_206, %swap3A_207], %swap3A_210 {strides = array<i32>} : memref<32x1024xf32, #tpu.memory_space<vmem>>, vector<1x16xf32>,
        %get3A_211 = arith.constant 0 : i32
        %get3A_212 = arith.index_cast %get3A_211 : i32 to index
        %get3A_213 = arith.constant 144 : index
        %get3A_214 = tpu.vector_load %arg6[%get3A_212, %get3A_213] {strides = array<i32>} : memref<32x1024xf32, #tpu.memory_space<vmem>>, vector<1x16xf32>,
        %get3A_215 = vector.shape_cast %get3A_214 : vector<1x16xf32> to vector<16xf32>
        %swap3A_216 = arith.index_cast %while3A_121 : i32 to index
        %swap3A_217 = arith.constant 144 : index
        %swap3A_218 = tpu.vector_load %arg7[%swap3A_216, %swap3A_217] {strides = array<i32>} : memref<32x1024xf32, #tpu.memory_space<vmem>>, vector<1x16xf32>,
        %swap3A_219 = vector.shape_cast %swap3A_218 : vector<1x16xf32> to vector<16xf32>
        %swap3A_220 = vector.shape_cast %get3A_215 : vector<16xf32> to vector<1x16xf32>
        tpu.vector_store %arg7[%swap3A_216, %swap3A_217], %swap3A_220 {strides = array<i32>} : memref<32x1024xf32, #tpu.memory_space<vmem>>, vector<1x16xf32>,
        %get3A_221 = arith.constant 0 : i32
        %get3A_222 = arith.index_cast %get3A_221 : i32 to index
        %get3A_223 = arith.constant 160 : index
        %get3A_224 = tpu.vector_load %arg6[%get3A_222, %get3A_223] {strides = array<i32>} : memref<32x1024xf32, #tpu.memory_space<vmem>>, vector<1x16xf32>,
        %get3A_225 = vector.shape_cast %get3A_224 : vector<1x16xf32> to vector<16xf32>
        %swap3A_226 = arith.index_cast %while3A_121 : i32 to index
        %swap3A_227 = arith.constant 160 : index
        %swap3A_228 = tpu.vector_load %arg7[%swap3A_226, %swap3A_227] {strides = array<i32>} : memref<32x1024xf32, #tpu.memory_space<vmem>>, vector<1x16xf32>,
        %swap3A_229 = vector.shape_cast %swap3A_228 : vector<1x16xf32> to vector<16xf32>
        %swap3A_230 = vector.shape_cast %get3A_225 : vector<16xf32> to vector<1x16xf32>
        tpu.vector_store %arg7[%swap3A_226, %swap3A_227], %swap3A_230 {strides = array<i32>} : memref<32x1024xf32, #tpu.memory_space<vmem>>, vector<1x16xf32>,
        %get3A_231 = arith.constant 0 : i32
        %get3A_232 = arith.index_cast %get3A_231 : i32 to index
        %get3A_233 = arith.constant 176 : index
        %get3A_234 = tpu.vector_load %arg6[%get3A_232, %get3A_233] {strides = array<i32>} : memref<32x1024xf32, #tpu.memory_space<vmem>>, vector<1x16xf32>,
        %get3A_235 = vector.shape_cast %get3A_234 : vector<1x16xf32> to vector<16xf32>
        %swap3A_236 = arith.index_cast %while3A_121 : i32 to index
        %swap3A_237 = arith.constant 176 : index
        %swap3A_238 = tpu.vector_load %arg7[%swap3A_236, %swap3A_237] {strides = array<i32>} : memref<32x1024xf32, #tpu.memory_space<vmem>>, vector<1x16xf32>,
        %swap3A_239 = vector.shape_cast %swap3A_238 : vector<1x16xf32> to vector<16xf32>
        %swap3A_240 = vector.shape_cast %get3A_235 : vector<16xf32> to vector<1x16xf32>
        tpu.vector_store %arg7[%swap3A_236, %swap3A_237], %swap3A_240 {strides = array<i32>} : memref<32x1024xf32, #tpu.memory_space<vmem>>, vector<1x16xf32>,
        %get3A_241 = arith.constant 0 : i32
        %get3A_242 = arith.index_cast %get3A_241 : i32 to index
        %get3A_243 = arith.constant 192 : index
        %get3A_244 = tpu.vector_load %arg6[%get3A_242, %get3A_243] {strides = array<i32>} : memref<32x1024xf32, #tpu.memory_space<vmem>>, vector<1x16xf32>,
        %get3A_245 = vector.shape_cast %get3A_244 : vector<1x16xf32> to vector<16xf32>
        %swap3A_246 = arith.index_cast %while3A_121 : i32 to index
        %swap3A_247 = arith.constant 192 : index
        %swap3A_248 = tpu.vector_load %arg7[%swap3A_246, %swap3A_247] {strides = array<i32>} : memref<32x1024xf32, #tpu.memory_space<vmem>>, vector<1x16xf32>,
        %swap3A_249 = vector.shape_cast %swap3A_248 : vector<1x16xf32> to vector<16xf32>
        %swap3A_250 = vector.shape_cast %get3A_245 : vector<16xf32> to vector<1x16xf32>
        tpu.vector_store %arg7[%swap3A_246, %swap3A_247], %swap3A_250 {strides = array<i32>} : memref<32x1024xf32, #tpu.memory_space<vmem>>, vector<1x16xf32>,
        %get3A_251 = arith.constant 0 : i32
        %get3A_252 = arith.index_cast %get3A_251 : i32 to index
        %get3A_253 = arith.constant 208 : index
        %get3A_254 = tpu.vector_load %arg6[%get3A_252, %get3A_253] {strides = array<i32>} : memref<32x1024xf32, #tpu.memory_space<vmem>>, vector<1x16xf32>,
        %get3A_255 = vector.shape_cast %get3A_254 : vector<1x16xf32> to vector<16xf32>
        %swap3A_256 = arith.index_cast %while3A_121 : i32 to index
        %swap3A_257 = arith.constant 208 : index
        %swap3A_258 = tpu.vector_load %arg7[%swap3A_256, %swap3A_257] {strides = array<i32>} : memref<32x1024xf32, #tpu.memory_space<vmem>>, vector<1x16xf32>,
        %swap3A_259 = vector.shape_cast %swap3A_258 : vector<1x16xf32> to vector<16xf32>
        %swap3A_260 = vector.shape_cast %get3A_255 : vector<16xf32> to vector<1x16xf32>
        tpu.vector_store %arg7[%swap3A_256, %swap3A_257], %swap3A_260 {strides = array<i32>} : memref<32x1024xf32, #tpu.memory_space<vmem>>, vector<1x16xf32>,
        %get3A_261 = arith.constant 0 : i32
        %get3A_262 = arith.index_cast %get3A_261 : i32 to index
        %get3A_263 = arith.constant 224 : index
        %get3A_264 = tpu.vector_load %arg6[%get3A_262, %get3A_263] {strides = array<i32>} : memref<32x1024xf32, #tpu.memory_space<vmem>>, vector<1x16xf32>,
        %get3A_265 = vector.shape_cast %get3A_264 : vector<1x16xf32> to vector<16xf32>
        %swap3A_266 = arith.index_cast %while3A_121 : i32 to index
        %swap3A_267 = arith.constant 224 : index
        %swap3A_268 = tpu.vector_load %arg7[%swap3A_266, %swap3A_267] {strides = array<i32>} : memref<32x1024xf32, #tpu.memory_space<vmem>>, vector<1x16xf32>,
        %swap3A_269 = vector.shape_cast %swap3A_268 : vector<1x16xf32> to vector<16xf32>
        %swap3A_270 = vector.shape_cast %get3A_265 : vector<16xf32> to vector<1x16xf32>
        tpu.vector_store %arg7[%swap3A_266, %swap3A_267], %swap3A_270 {strides = array<i32>} : memref<32x1024xf32, #tpu.memory_space<vmem>>, vector<1x16xf32>,
        %get3A_271 = arith.constant 0 : i32
        %get3A_272 = arith.index_cast %get3A_271 : i32 to index
        %get3A_273 = arith.constant 240 : index
        %get3A_274 = tpu.vector_load %arg6[%get3A_272, %get3A_273] {strides = array<i32>} : memref<32x1024xf32, #tpu.memory_space<vmem>>, vector<1x16xf32>,
        %get3A_275 = vector.shape_cast %get3A_274 : vector<1x16xf32> to vector<16xf32>
        %swap3A_276 = arith.index_cast %while3A_121 : i32 to index
        %swap3A_277 = arith.constant 240 : index
        %swap3A_278 = tpu.vector_load %arg7[%swap3A_276, %swap3A_277] {strides = array<i32>} : memref<32x1024xf32, #tpu.memory_space<vmem>>, vector<1x16xf32>,
        %swap3A_279 = vector.shape_cast %swap3A_278 : vector<1x16xf32> to vector<16xf32>
        %swap3A_280 = vector.shape_cast %get3A_275 : vector<16xf32> to vector<1x16xf32>
        tpu.vector_store %arg7[%swap3A_276, %swap3A_277], %swap3A_280 {strides = array<i32>} : memref<32x1024xf32, #tpu.memory_space<vmem>>, vector<1x16xf32>,
        %get3A_281 = arith.constant 0 : i32
        %get3A_282 = arith.index_cast %get3A_281 : i32 to index
        %get3A_283 = arith.constant 256 : index
        %get3A_284 = tpu.vector_load %arg6[%get3A_282, %get3A_283] {strides = array<i32>} : memref<32x1024xf32, #tpu.memory_space<vmem>>, vector<1x16xf32>,
        %get3A_285 = vector.shape_cast %get3A_284 : vector<1x16xf32> to vector<16xf32>
        %swap3A_286 = arith.index_cast %while3A_121 : i32 to index
        %swap3A_287 = arith.constant 256 : index
        %swap3A_288 = tpu.vector_load %arg7[%swap3A_286, %swap3A_287] {strides = array<i32>} : memref<32x1024xf32, #tpu.memory_space<vmem>>, vector<1x16xf32>,
        %swap3A_289 = vector.shape_cast %swap3A_288 : vector<1x16xf32> to vector<16xf32>
        %swap3A_290 = vector.shape_cast %get3A_285 : vector<16xf32> to vector<1x16xf32>
        tpu.vector_store %arg7[%swap3A_286, %swap3A_287], %swap3A_290 {strides = array<i32>} : memref<32x1024xf32, #tpu.memory_space<vmem>>, vector<1x16xf32>,
        %get3A_291 = arith.constant 0 : i32
        %get3A_292 = arith.index_cast %get3A_291 : i32 to index
        %get3A_293 = arith.constant 272 : index
        %get3A_294 = tpu.vector_load %arg6[%get3A_292, %get3A_293] {strides = array<i32>} : memref<32x1024xf32, #tpu.memory_space<vmem>>, vector<1x16xf32>,
        %get3A_295 = vector.shape_cast %get3A_294 : vector<1x16xf32> to vector<16xf32>
        %swap3A_296 = arith.index_cast %while3A_121 : i32 to index
        %swap3A_297 = arith.constant 272 : index
        %swap3A_298 = tpu.vector_load %arg7[%swap3A_296, %swap3A_297] {strides = array<i32>} : memref<32x1024xf32, #tpu.memory_space<vmem>>, vector<1x16xf32>,
        %swap3A_299 = vector.shape_cast %swap3A_298 : vector<1x16xf32> to vector<16xf32>
        %swap3A_300 = vector.shape_cast %get3A_295 : vector<16xf32> to vector<1x16xf32>
        tpu.vector_store %arg7[%swap3A_296, %swap3A_297], %swap3A_300 {strides = array<i32>} : memref<32x1024xf32, #tpu.memory_space<vmem>>, vector<1x16xf32>,
        %get3A_301 = arith.constant 0 : i32
        %get3A_302 = arith.index_cast %get3A_301 : i32 to index
        %get3A_303 = arith.constant 288 : index
        %get3A_304 = tpu.vector_load %arg6[%get3A_302, %get3A_303] {strides = array<i32>} : memref<32x1024xf32, #tpu.memory_space<vmem>>, vector<1x16xf32>,
        %get3A_305 = vector.shape_cast %get3A_304 : vector<1x16xf32> to vector<16xf32>
        %swap3A_306 = arith.index_cast %while3A_121 : i32 to index
        %swap3A_307 = arith.constant 288 : index
        %swap3A_308 = tpu.vector_load %arg7[%swap3A_306, %swap3A_307] {strides = array<i32>} : memref<32x1024xf32, #tpu.memory_space<vmem>>, vector<1x16xf32>,
        %swap3A_309 = vector.shape_cast %swap3A_308 : vector<1x16xf32> to vector<16xf32>
        %swap3A_310 = vector.shape_cast %get3A_305 : vector<16xf32> to vector<1x16xf32>
        tpu.vector_store %arg7[%swap3A_306, %swap3A_307], %swap3A_310 {strides = array<i32>} : memref<32x1024xf32, #tpu.memory_space<vmem>>, vector<1x16xf32>,
        %get3A_311 = arith.constant 0 : i32
        %get3A_312 = arith.index_cast %get3A_311 : i32 to index
        %get3A_313 = arith.constant 304 : index
        %get3A_314 = tpu.vector_load %arg6[%get3A_312, %get3A_313] {strides = array<i32>} : memref<32x1024xf32, #tpu.memory_space<vmem>>, vector<1x16xf32>,
        %get3A_315 = vector.shape_cast %get3A_314 : vector<1x16xf32> to vector<16xf32>
        %swap3A_316 = arith.index_cast %while3A_121 : i32 to index
        %swap3A_317 = arith.constant 304 : index
        %swap3A_318 = tpu.vector_load %arg7[%swap3A_316, %swap3A_317] {strides = array<i32>} : memref<32x1024xf32, #tpu.memory_space<vmem>>, vector<1x16xf32>,
        %swap3A_319 = vector.shape_cast %swap3A_318 : vector<1x16xf32> to vector<16xf32>
        %swap3A_320 = vector.shape_cast %get3A_315 : vector<16xf32> to vector<1x16xf32>
        tpu.vector_store %arg7[%swap3A_316, %swap3A_317], %swap3A_320 {strides = array<i32>} : memref<32x1024xf32, #tpu.memory_space<vmem>>, vector<1x16xf32>,
        %get3A_321 = arith.constant 0 : i32
        %get3A_322 = arith.index_cast %get3A_321 : i32 to index
        %get3A_323 = arith.constant 320 : index
        %get3A_324 = tpu.vector_load %arg6[%get3A_322, %get3A_323] {strides = array<i32>} : memref<32x1024xf32, #tpu.memory_space<vmem>>, vector<1x16xf32>,
        %get3A_325 = vector.shape_cast %get3A_324 : vector<1x16xf32> to vector<16xf32>
        %swap3A_326 = arith.index_cast %while3A_121 : i32 to index
        %swap3A_327 = arith.constant 320 : index
        %swap3A_328 = tpu.vector_load %arg7[%swap3A_326, %swap3A_327] {strides = array<i32>} : memref<32x1024xf32, #tpu.memory_space<vmem>>, vector<1x16xf32>,
        %swap3A_329 = vector.shape_cast %swap3A_328 : vector<1x16xf32> to vector<16xf32>
        %swap3A_330 = vector.shape_cast %get3A_325 : vector<16xf32> to vector<1x16xf32>
        tpu.vector_store %arg7[%swap3A_326, %swap3A_327], %swap3A_330 {strides = array<i32>} : memref<32x1024xf32, #tpu.memory_space<vmem>>, vector<1x16xf32>,
        %get3A_331 = arith.constant 0 : i32
        %get3A_332 = arith.index_cast %get3A_331 : i32 to index
        %get3A_333 = arith.constant 336 : index
        %get3A_334 = tpu.vector_load %arg6[%get3A_332, %get3A_333] {strides = array<i32>} : memref<32x1024xf32, #tpu.memory_space<vmem>>, vector<1x16xf32>,
        %get3A_335 = vector.shape_cast %get3A_334 : vector<1x16xf32> to vector<16xf32>
        %swap3A_336 = arith.index_cast %while3A_121 : i32 to index
        %swap3A_337 = arith.constant 336 : index
        %swap3A_338 = tpu.vector_load %arg7[%swap3A_336, %swap3A_337] {strides = array<i32>} : memref<32x1024xf32, #tpu.memory_space<vmem>>, vector<1x16xf32>,
        %swap3A_339 = vector.shape_cast %swap3A_338 : vector<1x16xf32> to vector<16xf32>
        %swap3A_340 = vector.shape_cast %get3A_335 : vector<16xf32> to vector<1x16xf32>
        tpu.vector_store %arg7[%swap3A_336, %swap3A_337], %swap3A_340 {strides = array<i32>} : memref<32x1024xf32, #tpu.memory_space<vmem>>, vector<1x16xf32>,
        %get3A_341 = arith.constant 0 : i32
        %get3A_342 = arith.index_cast %get3A_341 : i32 to index
        %get3A_343 = arith.constant 352 : index
        %get3A_344 = tpu.vector_load %arg6[%get3A_342, %get3A_343] {strides = array<i32>} : memref<32x1024xf32, #tpu.memory_space<vmem>>, vector<1x16xf32>,
        %get3A_345 = vector.shape_cast %get3A_344 : vector<1x16xf32> to vector<16xf32>
        %swap3A_346 = arith.index_cast %while3A_121 : i32 to index
        %swap3A_347 = arith.constant 352 : index
        %swap3A_348 = tpu.vector_load %arg7[%swap3A_346, %swap3A_347] {strides = array<i32>} : memref<32x1024xf32, #tpu.memory_space<vmem>>, vector<1x16xf32>,
        %swap3A_349 = vector.shape_cast %swap3A_348 : vector<1x16xf32> to vector<16xf32>
        %swap3A_350 = vector.shape_cast %get3A_345 : vector<16xf32> to vector<1x16xf32>
        tpu.vector_store %arg7[%swap3A_346, %swap3A_347], %swap3A_350 {strides = array<i32>} : memref<32x1024xf32, #tpu.memory_space<vmem>>, vector<1x16xf32>,
        %get3A_351 = arith.constant 0 : i32
        %get3A_352 = arith.index_cast %get3A_351 : i32 to index
        %get3A_353 = arith.constant 368 : index
        %get3A_354 = tpu.vector_load %arg6[%get3A_352, %get3A_353] {strides = array<i32>} : memref<32x1024xf32, #tpu.memory_space<vmem>>, vector<1x16xf32>,
        %get3A_355 = vector.shape_cast %get3A_354 : vector<1x16xf32> to vector<16xf32>
        %swap3A_356 = arith.index_cast %while3A_121 : i32 to index
        %swap3A_357 = arith.constant 368 : index
        %swap3A_358 = tpu.vector_load %arg7[%swap3A_356, %swap3A_357] {strides = array<i32>} : memref<32x1024xf32, #tpu.memory_space<vmem>>, vector<1x16xf32>,
        %swap3A_359 = vector.shape_cast %swap3A_358 : vector<1x16xf32> to vector<16xf32>
        %swap3A_360 = vector.shape_cast %get3A_355 : vector<16xf32> to vector<1x16xf32>
        tpu.vector_store %arg7[%swap3A_356, %swap3A_357], %swap3A_360 {strides = array<i32>} : memref<32x1024xf32, #tpu.memory_space<vmem>>, vector<1x16xf32>,
        %get3A_361 = arith.constant 0 : i32
        %get3A_362 = arith.index_cast %get3A_361 : i32 to index
        %get3A_363 = arith.constant 384 : index
        %get3A_364 = tpu.vector_load %arg6[%get3A_362, %get3A_363] {strides = array<i32>} : memref<32x1024xf32, #tpu.memory_space<vmem>>, vector<1x16xf32>,
        %get3A_365 = vector.shape_cast %get3A_364 : vector<1x16xf32> to vector<16xf32>
        %swap3A_366 = arith.index_cast %while3A_121 : i32 to index
        %swap3A_367 = arith.constant 384 : index
        %swap3A_368 = tpu.vector_load %arg7[%swap3A_366, %swap3A_367] {strides = array<i32>} : memref<32x1024xf32, #tpu.memory_space<vmem>>, vector<1x16xf32>,
        %swap3A_369 = vector.shape_cast %swap3A_368 : vector<1x16xf32> to vector<16xf32>
        %swap3A_370 = vector.shape_cast %get3A_365 : vector<16xf32> to vector<1x16xf32>
        tpu.vector_store %arg7[%swap3A_366, %swap3A_367], %swap3A_370 {strides = array<i32>} : memref<32x1024xf32, #tpu.memory_space<vmem>>, vector<1x16xf32>,
        %get3A_371 = arith.constant 0 : i32
        %get3A_372 = arith.index_cast %get3A_371 : i32 to index
        %get3A_373 = arith.constant 400 : index
        %get3A_374 = tpu.vector_load %arg6[%get3A_372, %get3A_373] {strides = array<i32>} : memref<32x1024xf32, #tpu.memory_space<vmem>>, vector<1x16xf32>,
        %get3A_375 = vector.shape_cast %get3A_374 : vector<1x16xf32> to vector<16xf32>
        %swap3A_376 = arith.index_cast %while3A_121 : i32 to index
        %swap3A_377 = arith.constant 400 : index
        %swap3A_378 = tpu.vector_load %arg7[%swap3A_376, %swap3A_377] {strides = array<i32>} : memref<32x1024xf32, #tpu.memory_space<vmem>>, vector<1x16xf32>,
        %swap3A_379 = vector.shape_cast %swap3A_378 : vector<1x16xf32> to vector<16xf32>
        %swap3A_380 = vector.shape_cast %get3A_375 : vector<16xf32> to vector<1x16xf32>
        tpu.vector_store %arg7[%swap3A_376, %swap3A_377], %swap3A_380 {strides = array<i32>} : memref<32x1024xf32, #tpu.memory_space<vmem>>, vector<1x16xf32>,
        %get3A_381 = arith.constant 0 : i32
        %get3A_382 = arith.index_cast %get3A_381 : i32 to index
        %get3A_383 = arith.constant 416 : index
        %get3A_384 = tpu.vector_load %arg6[%get3A_382, %get3A_383] {strides = array<i32>} : memref<32x1024xf32, #tpu.memory_space<vmem>>, vector<1x16xf32>,
        %get3A_385 = vector.shape_cast %get3A_384 : vector<1x16xf32> to vector<16xf32>
        %swap3A_386 = arith.index_cast %while3A_121 : i32 to index
        %swap3A_387 = arith.constant 416 : index
        %swap3A_388 = tpu.vector_load %arg7[%swap3A_386, %swap3A_387] {strides = array<i32>} : memref<32x1024xf32, #tpu.memory_space<vmem>>, vector<1x16xf32>,
        %swap3A_389 = vector.shape_cast %swap3A_388 : vector<1x16xf32> to vector<16xf32>
        %swap3A_390 = vector.shape_cast %get3A_385 : vector<16xf32> to vector<1x16xf32>
        tpu.vector_store %arg7[%swap3A_386, %swap3A_387], %swap3A_390 {strides = array<i32>} : memref<32x1024xf32, #tpu.memory_space<vmem>>, vector<1x16xf32>,
        %get3A_391 = arith.constant 0 : i32
        %get3A_392 = arith.index_cast %get3A_391 : i32 to index
        %get3A_393 = arith.constant 432 : index
        %get3A_394 = tpu.vector_load %arg6[%get3A_392, %get3A_393] {strides = array<i32>} : memref<32x1024xf32, #tpu.memory_space<vmem>>, vector<1x16xf32>,
        %get3A_395 = vector.shape_cast %get3A_394 : vector<1x16xf32> to vector<16xf32>
        %swap3A_396 = arith.index_cast %while3A_121 : i32 to index
        %swap3A_397 = arith.constant 432 : index
        %swap3A_398 = tpu.vector_load %arg7[%swap3A_396, %swap3A_397] {strides = array<i32>} : memref<32x1024xf32, #tpu.memory_space<vmem>>, vector<1x16xf32>,
        %swap3A_399 = vector.shape_cast %swap3A_398 : vector<1x16xf32> to vector<16xf32>
        %swap3A_400 = vector.shape_cast %get3A_395 : vector<16xf32> to vector<1x16xf32>
        tpu.vector_store %arg7[%swap3A_396, %swap3A_397], %swap3A_400 {strides = array<i32>} : memref<32x1024xf32, #tpu.memory_space<vmem>>, vector<1x16xf32>,
        %get3A_401 = arith.constant 0 : i32
        %get3A_402 = arith.index_cast %get3A_401 : i32 to index
        %get3A_403 = arith.constant 448 : index
        %get3A_404 = tpu.vector_load %arg6[%get3A_402, %get3A_403] {strides = array<i32>} : memref<32x1024xf32, #tpu.memory_space<vmem>>, vector<1x16xf32>,
        %get3A_405 = vector.shape_cast %get3A_404 : vector<1x16xf32> to vector<16xf32>
        %swap3A_406 = arith.index_cast %while3A_121 : i32 to index
        %swap3A_407 = arith.constant 448 : index
        %swap3A_408 = tpu.vector_load %arg7[%swap3A_406, %swap3A_407] {strides = array<i32>} : memref<32x1024xf32, #tpu.memory_space<vmem>>, vector<1x16xf32>,
        %swap3A_409 = vector.shape_cast %swap3A_408 : vector<1x16xf32> to vector<16xf32>
        %swap3A_410 = vector.shape_cast %get3A_405 : vector<16xf32> to vector<1x16xf32>
        tpu.vector_store %arg7[%swap3A_406, %swap3A_407], %swap3A_410 {strides = array<i32>} : memref<32x1024xf32, #tpu.memory_space<vmem>>, vector<1x16xf32>,
        %get3A_411 = arith.constant 0 : i32
        %get3A_412 = arith.index_cast %get3A_411 : i32 to index
        %get3A_413 = arith.constant 464 : index
        %get3A_414 = tpu.vector_load %arg6[%get3A_412, %get3A_413] {strides = array<i32>} : memref<32x1024xf32, #tpu.memory_space<vmem>>, vector<1x16xf32>,
        %get3A_415 = vector.shape_cast %get3A_414 : vector<1x16xf32> to vector<16xf32>
        %swap3A_416 = arith.index_cast %while3A_121 : i32 to index
        %swap3A_417 = arith.constant 464 : index
        %swap3A_418 = tpu.vector_load %arg7[%swap3A_416, %swap3A_417] {strides = array<i32>} : memref<32x1024xf32, #tpu.memory_space<vmem>>, vector<1x16xf32>,
        %swap3A_419 = vector.shape_cast %swap3A_418 : vector<1x16xf32> to vector<16xf32>
        %swap3A_420 = vector.shape_cast %get3A_415 : vector<16xf32> to vector<1x16xf32>
        tpu.vector_store %arg7[%swap3A_416, %swap3A_417], %swap3A_420 {strides = array<i32>} : memref<32x1024xf32, #tpu.memory_space<vmem>>, vector<1x16xf32>,
        %get3A_421 = arith.constant 0 : i32
        %get3A_422 = arith.index_cast %get3A_421 : i32 to index
        %get3A_423 = arith.constant 480 : index
        %get3A_424 = tpu.vector_load %arg6[%get3A_422, %get3A_423] {strides = array<i32>} : memref<32x1024xf32, #tpu.memory_space<vmem>>, vector<1x16xf32>,
        %get3A_425 = vector.shape_cast %get3A_424 : vector<1x16xf32> to vector<16xf32>
        %swap3A_426 = arith.index_cast %while3A_121 : i32 to index
        %swap3A_427 = arith.constant 480 : index
        %swap3A_428 = tpu.vector_load %arg7[%swap3A_426, %swap3A_427] {strides = array<i32>} : memref<32x1024xf32, #tpu.memory_space<vmem>>, vector<1x16xf32>,
        %swap3A_429 = vector.shape_cast %swap3A_428 : vector<1x16xf32> to vector<16xf32>
        %swap3A_430 = vector.shape_cast %get3A_425 : vector<16xf32> to vector<1x16xf32>
        tpu.vector_store %arg7[%swap3A_426, %swap3A_427], %swap3A_430 {strides = array<i32>} : memref<32x1024xf32, #tpu.memory_space<vmem>>, vector<1x16xf32>,
        %get3A_431 = arith.constant 0 : i32
        %get3A_432 = arith.index_cast %get3A_431 : i32 to index
        %get3A_433 = arith.constant 496 : index
        %get3A_434 = tpu.vector_load %arg6[%get3A_432, %get3A_433] {strides = array<i32>} : memref<32x1024xf32, #tpu.memory_space<vmem>>, vector<1x16xf32>,
        %get3A_435 = vector.shape_cast %get3A_434 : vector<1x16xf32> to vector<16xf32>
        %swap3A_436 = arith.index_cast %while3A_121 : i32 to index
        %swap3A_437 = arith.constant 496 : index
        %swap3A_438 = tpu.vector_load %arg7[%swap3A_436, %swap3A_437] {strides = array<i32>} : memref<32x1024xf32, #tpu.memory_space<vmem>>, vector<1x16xf32>,
        %swap3A_439 = vector.shape_cast %swap3A_438 : vector<1x16xf32> to vector<16xf32>
        %swap3A_440 = vector.shape_cast %get3A_435 : vector<16xf32> to vector<1x16xf32>
        tpu.vector_store %arg7[%swap3A_436, %swap3A_437], %swap3A_440 {strides = array<i32>} : memref<32x1024xf32, #tpu.memory_space<vmem>>, vector<1x16xf32>,
        %get3A_441 = arith.constant 0 : i32
        %get3A_442 = arith.index_cast %get3A_441 : i32 to index
        %get3A_443 = arith.constant 512 : index
        %get3A_444 = tpu.vector_load %arg6[%get3A_442, %get3A_443] {strides = array<i32>} : memref<32x1024xf32, #tpu.memory_space<vmem>>, vector<1x16xf32>,
        %get3A_445 = vector.shape_cast %get3A_444 : vector<1x16xf32> to vector<16xf32>
        %swap3A_446 = arith.index_cast %while3A_121 : i32 to index
        %swap3A_447 = arith.constant 512 : index
        %swap3A_448 = tpu.vector_load %arg7[%swap3A_446, %swap3A_447] {strides = array<i32>} : memref<32x1024xf32, #tpu.memory_space<vmem>>, vector<1x16xf32>,
        %swap3A_449 = vector.shape_cast %swap3A_448 : vector<1x16xf32> to vector<16xf32>
        %swap3A_450 = vector.shape_cast %get3A_445 : vector<16xf32> to vector<1x16xf32>
        tpu.vector_store %arg7[%swap3A_446, %swap3A_447], %swap3A_450 {strides = array<i32>} : memref<32x1024xf32, #tpu.memory_space<vmem>>, vector<1x16xf32>,
        %get3A_451 = arith.constant 0 : i32
        %get3A_452 = arith.index_cast %get3A_451 : i32 to index
        %get3A_453 = arith.constant 528 : index
        %get3A_454 = tpu.vector_load %arg6[%get3A_452, %get3A_453] {strides = array<i32>} : memref<32x1024xf32, #tpu.memory_space<vmem>>, vector<1x16xf32>,
        %get3A_455 = vector.shape_cast %get3A_454 : vector<1x16xf32> to vector<16xf32>
        %swap3A_456 = arith.index_cast %while3A_121 : i32 to index
        %swap3A_457 = arith.constant 528 : index
        %swap3A_458 = tpu.vector_load %arg7[%swap3A_456, %swap3A_457] {strides = array<i32>} : memref<32x1024xf32, #tpu.memory_space<vmem>>, vector<1x16xf32>,
        %swap3A_459 = vector.shape_cast %swap3A_458 : vector<1x16xf32> to vector<16xf32>
        %swap3A_460 = vector.shape_cast %get3A_455 : vector<16xf32> to vector<1x16xf32>
        tpu.vector_store %arg7[%swap3A_456, %swap3A_457], %swap3A_460 {strides = array<i32>} : memref<32x1024xf32, #tpu.memory_space<vmem>>, vector<1x16xf32>,
        %get3A_461 = arith.constant 0 : i32
        %get3A_462 = arith.index_cast %get3A_461 : i32 to index
        %get3A_463 = arith.constant 544 : index
        %get3A_464 = tpu.vector_load %arg6[%get3A_462, %get3A_463] {strides = array<i32>} : memref<32x1024xf32, #tpu.memory_space<vmem>>, vector<1x16xf32>,
        %get3A_465 = vector.shape_cast %get3A_464 : vector<1x16xf32> to vector<16xf32>
        %swap3A_466 = arith.index_cast %while3A_121 : i32 to index
        %swap3A_467 = arith.constant 544 : index
        %swap3A_468 = tpu.vector_load %arg7[%swap3A_466, %swap3A_467] {strides = array<i32>} : memref<32x1024xf32, #tpu.memory_space<vmem>>, vector<1x16xf32>,
        %swap3A_469 = vector.shape_cast %swap3A_468 : vector<1x16xf32> to vector<16xf32>
        %swap3A_470 = vector.shape_cast %get3A_465 : vector<16xf32> to vector<1x16xf32>
        tpu.vector_store %arg7[%swap3A_466, %swap3A_467], %swap3A_470 {strides = array<i32>} : memref<32x1024xf32, #tpu.memory_space<vmem>>, vector<1x16xf32>,
        %get3A_471 = arith.constant 0 : i32
        %get3A_472 = arith.index_cast %get3A_471 : i32 to index
        %get3A_473 = arith.constant 560 : index
        %get3A_474 = tpu.vector_load %arg6[%get3A_472, %get3A_473] {strides = array<i32>} : memref<32x1024xf32, #tpu.memory_space<vmem>>, vector<1x16xf32>,
        %get3A_475 = vector.shape_cast %get3A_474 : vector<1x16xf32> to vector<16xf32>
        %swap3A_476 = arith.index_cast %while3A_121 : i32 to index
        %swap3A_477 = arith.constant 560 : index
        %swap3A_478 = tpu.vector_load %arg7[%swap3A_476, %swap3A_477] {strides = array<i32>} : memref<32x1024xf32, #tpu.memory_space<vmem>>, vector<1x16xf32>,
        %swap3A_479 = vector.shape_cast %swap3A_478 : vector<1x16xf32> to vector<16xf32>
        %swap3A_480 = vector.shape_cast %get3A_475 : vector<16xf32> to vector<1x16xf32>
        tpu.vector_store %arg7[%swap3A_476, %swap3A_477], %swap3A_480 {strides = array<i32>} : memref<32x1024xf32, #tpu.memory_space<vmem>>, vector<1x16xf32>,
        %get3A_481 = arith.constant 0 : i32
        %get3A_482 = arith.index_cast %get3A_481 : i32 to index
        %get3A_483 = arith.constant 576 : index
        %get3A_484 = tpu.vector_load %arg6[%get3A_482, %get3A_483] {strides = array<i32>} : memref<32x1024xf32, #tpu.memory_space<vmem>>, vector<1x16xf32>,
        %get3A_485 = vector.shape_cast %get3A_484 : vector<1x16xf32> to vector<16xf32>
        %swap3A_486 = arith.index_cast %while3A_121 : i32 to index
        %swap3A_487 = arith.constant 576 : index
        %swap3A_488 = tpu.vector_load %arg7[%swap3A_486, %swap3A_487] {strides = array<i32>} : memref<32x1024xf32, #tpu.memory_space<vmem>>, vector<1x16xf32>,
        %swap3A_489 = vector.shape_cast %swap3A_488 : vector<1x16xf32> to vector<16xf32>
        %swap3A_490 = vector.shape_cast %get3A_485 : vector<16xf32> to vector<1x16xf32>
        tpu.vector_store %arg7[%swap3A_486, %swap3A_487], %swap3A_490 {strides = array<i32>} : memref<32x1024xf32, #tpu.memory_space<vmem>>, vector<1x16xf32>,
        %get3A_491 = arith.constant 0 : i32
        %get3A_492 = arith.index_cast %get3A_491 : i32 to index
        %get3A_493 = arith.constant 592 : index
        %get3A_494 = tpu.vector_load %arg6[%get3A_492, %get3A_493] {strides = array<i32>} : memref<32x1024xf32, #tpu.memory_space<vmem>>, vector<1x16xf32>,
        %get3A_495 = vector.shape_cast %get3A_494 : vector<1x16xf32> to vector<16xf32>
        %swap3A_496 = arith.index_cast %while3A_121 : i32 to index
        %swap3A_497 = arith.constant 592 : index
        %swap3A_498 = tpu.vector_load %arg7[%swap3A_496, %swap3A_497] {strides = array<i32>} : memref<32x1024xf32, #tpu.memory_space<vmem>>, vector<1x16xf32>,
        %swap3A_499 = vector.shape_cast %swap3A_498 : vector<1x16xf32> to vector<16xf32>
        %swap3A_500 = vector.shape_cast %get3A_495 : vector<16xf32> to vector<1x16xf32>
        tpu.vector_store %arg7[%swap3A_496, %swap3A_497], %swap3A_500 {strides = array<i32>} : memref<32x1024xf32, #tpu.memory_space<vmem>>, vector<1x16xf32>,
        %get3A_501 = arith.constant 0 : i32
        %get3A_502 = arith.index_cast %get3A_501 : i32 to index
        %get3A_503 = arith.constant 608 : index
        %get3A_504 = tpu.vector_load %arg6[%get3A_502, %get3A_503] {strides = array<i32>} : memref<32x1024xf32, #tpu.memory_space<vmem>>, vector<1x16xf32>,
        %get3A_505 = vector.shape_cast %get3A_504 : vector<1x16xf32> to vector<16xf32>
        %swap3A_506 = arith.index_cast %while3A_121 : i32 to index
        %swap3A_507 = arith.constant 608 : index
        %swap3A_508 = tpu.vector_load %arg7[%swap3A_506, %swap3A_507] {strides = array<i32>} : memref<32x1024xf32, #tpu.memory_space<vmem>>, vector<1x16xf32>,
        %swap3A_509 = vector.shape_cast %swap3A_508 : vector<1x16xf32> to vector<16xf32>
        %swap3A_510 = vector.shape_cast %get3A_505 : vector<16xf32> to vector<1x16xf32>
        tpu.vector_store %arg7[%swap3A_506, %swap3A_507], %swap3A_510 {strides = array<i32>} : memref<32x1024xf32, #tpu.memory_space<vmem>>, vector<1x16xf32>,
        %get3A_511 = arith.constant 0 : i32
        %get3A_512 = arith.index_cast %get3A_511 : i32 to index
        %get3A_513 = arith.constant 624 : index
        %get3A_514 = tpu.vector_load %arg6[%get3A_512, %get3A_513] {strides = array<i32>} : memref<32x1024xf32, #tpu.memory_space<vmem>>, vector<1x16xf32>,
        %get3A_515 = vector.shape_cast %get3A_514 : vector<1x16xf32> to vector<16xf32>
        %swap3A_516 = arith.index_cast %while3A_121 : i32 to index
        %swap3A_517 = arith.constant 624 : index
        %swap3A_518 = tpu.vector_load %arg7[%swap3A_516, %swap3A_517] {strides = array<i32>} : memref<32x1024xf32, #tpu.memory_space<vmem>>, vector<1x16xf32>,
        %swap3A_519 = vector.shape_cast %swap3A_518 : vector<1x16xf32> to vector<16xf32>
        %swap3A_520 = vector.shape_cast %get3A_515 : vector<16xf32> to vector<1x16xf32>
        tpu.vector_store %arg7[%swap3A_516, %swap3A_517], %swap3A_520 {strides = array<i32>} : memref<32x1024xf32, #tpu.memory_space<vmem>>, vector<1x16xf32>,
        %get3A_521 = arith.constant 0 : i32
        %get3A_522 = arith.index_cast %get3A_521 : i32 to index
        %get3A_523 = arith.constant 640 : index
        %get3A_524 = tpu.vector_load %arg6[%get3A_522, %get3A_523] {strides = array<i32>} : memref<32x1024xf32, #tpu.memory_space<vmem>>, vector<1x16xf32>,
        %get3A_525 = vector.shape_cast %get3A_524 : vector<1x16xf32> to vector<16xf32>
        %swap3A_526 = arith.index_cast %while3A_121 : i32 to index
        %swap3A_527 = arith.constant 640 : index
        %swap3A_528 = tpu.vector_load %arg7[%swap3A_526, %swap3A_527] {strides = array<i32>} : memref<32x1024xf32, #tpu.memory_space<vmem>>, vector<1x16xf32>,
        %swap3A_529 = vector.shape_cast %swap3A_528 : vector<1x16xf32> to vector<16xf32>
        %swap3A_530 = vector.shape_cast %get3A_525 : vector<16xf32> to vector<1x16xf32>
        tpu.vector_store %arg7[%swap3A_526, %swap3A_527], %swap3A_530 {strides = array<i32>} : memref<32x1024xf32, #tpu.memory_space<vmem>>, vector<1x16xf32>,
        %get3A_531 = arith.constant 0 : i32
        %get3A_532 = arith.index_cast %get3A_531 : i32 to index
        %get3A_533 = arith.constant 656 : index
        %get3A_534 = tpu.vector_load %arg6[%get3A_532, %get3A_533] {strides = array<i32>} : memref<32x1024xf32, #tpu.memory_space<vmem>>, vector<1x16xf32>,
        %get3A_535 = vector.shape_cast %get3A_534 : vector<1x16xf32> to vector<16xf32>
        %swap3A_536 = arith.index_cast %while3A_121 : i32 to index
        %swap3A_537 = arith.constant 656 : index
        %swap3A_538 = tpu.vector_load %arg7[%swap3A_536, %swap3A_537] {strides = array<i32>} : memref<32x1024xf32, #tpu.memory_space<vmem>>, vector<1x16xf32>,
        %swap3A_539 = vector.shape_cast %swap3A_538 : vector<1x16xf32> to vector<16xf32>
        %swap3A_540 = vector.shape_cast %get3A_535 : vector<16xf32> to vector<1x16xf32>
        tpu.vector_store %arg7[%swap3A_536, %swap3A_537], %swap3A_540 {strides = array<i32>} : memref<32x1024xf32, #tpu.memory_space<vmem>>, vector<1x16xf32>,
        %get3A_541 = arith.constant 0 : i32
        %get3A_542 = arith.index_cast %get3A_541 : i32 to index
        %get3A_543 = arith.constant 672 : index
        %get3A_544 = tpu.vector_load %arg6[%get3A_542, %get3A_543] {strides = array<i32>} : memref<32x1024xf32, #tpu.memory_space<vmem>>, vector<1x16xf32>,
        %get3A_545 = vector.shape_cast %get3A_544 : vector<1x16xf32> to vector<16xf32>
        %swap3A_546 = arith.index_cast %while3A_121 : i32 to index
        %swap3A_547 = arith.constant 672 : index
        %swap3A_548 = tpu.vector_load %arg7[%swap3A_546, %swap3A_547] {strides = array<i32>} : memref<32x1024xf32, #tpu.memory_space<vmem>>, vector<1x16xf32>,
        %swap3A_549 = vector.shape_cast %swap3A_548 : vector<1x16xf32> to vector<16xf32>
        %swap3A_550 = vector.shape_cast %get3A_545 : vector<16xf32> to vector<1x16xf32>
        tpu.vector_store %arg7[%swap3A_546, %swap3A_547], %swap3A_550 {strides = array<i32>} : memref<32x1024xf32, #tpu.memory_space<vmem>>, vector<1x16xf32>,
        %get3A_551 = arith.constant 0 : i32
        %get3A_552 = arith.index_cast %get3A_551 : i32 to index
        %get3A_553 = arith.constant 688 : index
        %get3A_554 = tpu.vector_load %arg6[%get3A_552, %get3A_553] {strides = array<i32>} : memref<32x1024xf32, #tpu.memory_space<vmem>>, vector<1x16xf32>,
        %get3A_555 = vector.shape_cast %get3A_554 : vector<1x16xf32> to vector<16xf32>
        %swap3A_556 = arith.index_cast %while3A_121 : i32 to index
        %swap3A_557 = arith.constant 688 : index
        %swap3A_558 = tpu.vector_load %arg7[%swap3A_556, %swap3A_557] {strides = array<i32>} : memref<32x1024xf32, #tpu.memory_space<vmem>>, vector<1x16xf32>,
        %swap3A_559 = vector.shape_cast %swap3A_558 : vector<1x16xf32> to vector<16xf32>
        %swap3A_560 = vector.shape_cast %get3A_555 : vector<16xf32> to vector<1x16xf32>
        tpu.vector_store %arg7[%swap3A_556, %swap3A_557], %swap3A_560 {strides = array<i32>} : memref<32x1024xf32, #tpu.memory_space<vmem>>, vector<1x16xf32>,
        %get3A_561 = arith.constant 0 : i32
        %get3A_562 = arith.index_cast %get3A_561 : i32 to index
        %get3A_563 = arith.constant 704 : index
        %get3A_564 = tpu.vector_load %arg6[%get3A_562, %get3A_563] {strides = array<i32>} : memref<32x1024xf32, #tpu.memory_space<vmem>>, vector<1x16xf32>,
        %get3A_565 = vector.shape_cast %get3A_564 : vector<1x16xf32> to vector<16xf32>
        %swap3A_566 = arith.index_cast %while3A_121 : i32 to index
        %swap3A_567 = arith.constant 704 : index
        %swap3A_568 = tpu.vector_load %arg7[%swap3A_566, %swap3A_567] {strides = array<i32>} : memref<32x1024xf32, #tpu.memory_space<vmem>>, vector<1x16xf32>,
        %swap3A_569 = vector.shape_cast %swap3A_568 : vector<1x16xf32> to vector<16xf32>
        %swap3A_570 = vector.shape_cast %get3A_565 : vector<16xf32> to vector<1x16xf32>
        tpu.vector_store %arg7[%swap3A_566, %swap3A_567], %swap3A_570 {strides = array<i32>} : memref<32x1024xf32, #tpu.memory_space<vmem>>, vector<1x16xf32>,
        %get3A_571 = arith.constant 0 : i32
        %get3A_572 = arith.index_cast %get3A_571 : i32 to index
        %get3A_573 = arith.constant 720 : index
        %get3A_574 = tpu.vector_load %arg6[%get3A_572, %get3A_573] {strides = array<i32>} : memref<32x1024xf32, #tpu.memory_space<vmem>>, vector<1x16xf32>,
        %get3A_575 = vector.shape_cast %get3A_574 : vector<1x16xf32> to vector<16xf32>
        %swap3A_576 = arith.index_cast %while3A_121 : i32 to index
        %swap3A_577 = arith.constant 720 : index
        %swap3A_578 = tpu.vector_load %arg7[%swap3A_576, %swap3A_577] {strides = array<i32>} : memref<32x1024xf32, #tpu.memory_space<vmem>>, vector<1x16xf32>,
        %swap3A_579 = vector.shape_cast %swap3A_578 : vector<1x16xf32> to vector<16xf32>
        %swap3A_580 = vector.shape_cast %get3A_575 : vector<16xf32> to vector<1x16xf32>
        tpu.vector_store %arg7[%swap3A_576, %swap3A_577], %swap3A_580 {strides = array<i32>} : memref<32x1024xf32, #tpu.memory_space<vmem>>, vector<1x16xf32>,
        %get3A_581 = arith.constant 0 : i32
        %get3A_582 = arith.index_cast %get3A_581 : i32 to index
        %get3A_583 = arith.constant 736 : index
        %get3A_584 = tpu.vector_load %arg6[%get3A_582, %get3A_583] {strides = array<i32>} : memref<32x1024xf32, #tpu.memory_space<vmem>>, vector<1x16xf32>,
        %get3A_585 = vector.shape_cast %get3A_584 : vector<1x16xf32> to vector<16xf32>
        %swap3A_586 = arith.index_cast %while3A_121 : i32 to index
        %swap3A_587 = arith.constant 736 : index
        %swap3A_588 = tpu.vector_load %arg7[%swap3A_586, %swap3A_587] {strides = array<i32>} : memref<32x1024xf32, #tpu.memory_space<vmem>>, vector<1x16xf32>,
        %swap3A_589 = vector.shape_cast %swap3A_588 : vector<1x16xf32> to vector<16xf32>
        %swap3A_590 = vector.shape_cast %get3A_585 : vector<16xf32> to vector<1x16xf32>
        tpu.vector_store %arg7[%swap3A_586, %swap3A_587], %swap3A_590 {strides = array<i32>} : memref<32x1024xf32, #tpu.memory_space<vmem>>, vector<1x16xf32>,
        %get3A_591 = arith.constant 0 : i32
        %get3A_592 = arith.index_cast %get3A_591 : i32 to index
        %get3A_593 = arith.constant 752 : index
        %get3A_594 = tpu.vector_load %arg6[%get3A_592, %get3A_593] {strides = array<i32>} : memref<32x1024xf32, #tpu.memory_space<vmem>>, vector<1x16xf32>,
        %get3A_595 = vector.shape_cast %get3A_594 : vector<1x16xf32> to vector<16xf32>
        %swap3A_596 = arith.index_cast %while3A_121 : i32 to index
        %swap3A_597 = arith.constant 752 : index
        %swap3A_598 = tpu.vector_load %arg7[%swap3A_596, %swap3A_597] {strides = array<i32>} : memref<32x1024xf32, #tpu.memory_space<vmem>>, vector<1x16xf32>,
        %swap3A_599 = vector.shape_cast %swap3A_598 : vector<1x16xf32> to vector<16xf32>
        %swap3A_600 = vector.shape_cast %get3A_595 : vector<16xf32> to vector<1x16xf32>
        tpu.vector_store %arg7[%swap3A_596, %swap3A_597], %swap3A_600 {strides = array<i32>} : memref<32x1024xf32, #tpu.memory_space<vmem>>, vector<1x16xf32>,
        %get3A_601 = arith.constant 0 : i32
        %get3A_602 = arith.index_cast %get3A_601 : i32 to index
        %get3A_603 = arith.constant 768 : index
        %get3A_604 = tpu.vector_load %arg6[%get3A_602, %get3A_603] {strides = array<i32>} : memref<32x1024xf32, #tpu.memory_space<vmem>>, vector<1x16xf32>,
        %get3A_605 = vector.shape_cast %get3A_604 : vector<1x16xf32> to vector<16xf32>
        %swap3A_606 = arith.index_cast %while3A_121 : i32 to index
        %swap3A_607 = arith.constant 768 : index
        %swap3A_608 = tpu.vector_load %arg7[%swap3A_606, %swap3A_607] {strides = array<i32>} : memref<32x1024xf32, #tpu.memory_space<vmem>>, vector<1x16xf32>,
        %swap3A_609 = vector.shape_cast %swap3A_608 : vector<1x16xf32> to vector<16xf32>
        %swap3A_610 = vector.shape_cast %get3A_605 : vector<16xf32> to vector<1x16xf32>
        tpu.vector_store %arg7[%swap3A_606, %swap3A_607], %swap3A_610 {strides = array<i32>} : memref<32x1024xf32, #tpu.memory_space<vmem>>, vector<1x16xf32>,
        %get3A_611 = arith.constant 0 : i32
        %get3A_612 = arith.index_cast %get3A_611 : i32 to index
        %get3A_613 = arith.constant 784 : index
        %get3A_614 = tpu.vector_load %arg6[%get3A_612, %get3A_613] {strides = array<i32>} : memref<32x1024xf32, #tpu.memory_space<vmem>>, vector<1x16xf32>,
        %get3A_615 = vector.shape_cast %get3A_614 : vector<1x16xf32> to vector<16xf32>
        %swap3A_616 = arith.index_cast %while3A_121 : i32 to index
        %swap3A_617 = arith.constant 784 : index
        %swap3A_618 = tpu.vector_load %arg7[%swap3A_616, %swap3A_617] {strides = array<i32>} : memref<32x1024xf32, #tpu.memory_space<vmem>>, vector<1x16xf32>,
        %swap3A_619 = vector.shape_cast %swap3A_618 : vector<1x16xf32> to vector<16xf32>
        %swap3A_620 = vector.shape_cast %get3A_615 : vector<16xf32> to vector<1x16xf32>
        tpu.vector_store %arg7[%swap3A_616, %swap3A_617], %swap3A_620 {strides = array<i32>} : memref<32x1024xf32, #tpu.memory_space<vmem>>, vector<1x16xf32>,
        %get3A_621 = arith.constant 0 : i32
        %get3A_622 = arith.index_cast %get3A_621 : i32 to index
        %get3A_623 = arith.constant 800 : index
        %get3A_624 = tpu.vector_load %arg6[%get3A_622, %get3A_623] {strides = array<i32>} : memref<32x1024xf32, #tpu.memory_space<vmem>>, vector<1x16xf32>,
        %get3A_625 = vector.shape_cast %get3A_624 : vector<1x16xf32> to vector<16xf32>
        %swap3A_626 = arith.index_cast %while3A_121 : i32 to index
        %swap3A_627 = arith.constant 800 : index
        %swap3A_628 = tpu.vector_load %arg7[%swap3A_626, %swap3A_627] {strides = array<i32>} : memref<32x1024xf32, #tpu.memory_space<vmem>>, vector<1x16xf32>,
        %swap3A_629 = vector.shape_cast %swap3A_628 : vector<1x16xf32> to vector<16xf32>
        %swap3A_630 = vector.shape_cast %get3A_625 : vector<16xf32> to vector<1x16xf32>
        tpu.vector_store %arg7[%swap3A_626, %swap3A_627], %swap3A_630 {strides = array<i32>} : memref<32x1024xf32, #tpu.memory_space<vmem>>, vector<1x16xf32>,
        %get3A_631 = arith.constant 0 : i32
        %get3A_632 = arith.index_cast %get3A_631 : i32 to index
        %get3A_633 = arith.constant 816 : index
        %get3A_634 = tpu.vector_load %arg6[%get3A_632, %get3A_633] {strides = array<i32>} : memref<32x1024xf32, #tpu.memory_space<vmem>>, vector<1x16xf32>,
        %get3A_635 = vector.shape_cast %get3A_634 : vector<1x16xf32> to vector<16xf32>
        %swap3A_636 = arith.index_cast %while3A_121 : i32 to index
        %swap3A_637 = arith.constant 816 : index
        %swap3A_638 = tpu.vector_load %arg7[%swap3A_636, %swap3A_637] {strides = array<i32>} : memref<32x1024xf32, #tpu.memory_space<vmem>>, vector<1x16xf32>,
        %swap3A_639 = vector.shape_cast %swap3A_638 : vector<1x16xf32> to vector<16xf32>
        %swap3A_640 = vector.shape_cast %get3A_635 : vector<16xf32> to vector<1x16xf32>
        tpu.vector_store %arg7[%swap3A_636, %swap3A_637], %swap3A_640 {strides = array<i32>} : memref<32x1024xf32, #tpu.memory_space<vmem>>, vector<1x16xf32>,
        %get3A_641 = arith.constant 0 : i32
        %get3A_642 = arith.index_cast %get3A_641 : i32 to index
        %get3A_643 = arith.constant 832 : index
        %get3A_644 = tpu.vector_load %arg6[%get3A_642, %get3A_643] {strides = array<i32>} : memref<32x1024xf32, #tpu.memory_space<vmem>>, vector<1x16xf32>,
        %get3A_645 = vector.shape_cast %get3A_644 : vector<1x16xf32> to vector<16xf32>
        %swap3A_646 = arith.index_cast %while3A_121 : i32 to index
        %swap3A_647 = arith.constant 832 : index
        %swap3A_648 = tpu.vector_load %arg7[%swap3A_646, %swap3A_647] {strides = array<i32>} : memref<32x1024xf32, #tpu.memory_space<vmem>>, vector<1x16xf32>,
        %swap3A_649 = vector.shape_cast %swap3A_648 : vector<1x16xf32> to vector<16xf32>
        %swap3A_650 = vector.shape_cast %get3A_645 : vector<16xf32> to vector<1x16xf32>
        tpu.vector_store %arg7[%swap3A_646, %swap3A_647], %swap3A_650 {strides = array<i32>} : memref<32x1024xf32, #tpu.memory_space<vmem>>, vector<1x16xf32>,
        %get3A_651 = arith.constant 0 : i32
        %get3A_652 = arith.index_cast %get3A_651 : i32 to index
        %get3A_653 = arith.constant 848 : index
        %get3A_654 = tpu.vector_load %arg6[%get3A_652, %get3A_653] {strides = array<i32>} : memref<32x1024xf32, #tpu.memory_space<vmem>>, vector<1x16xf32>,
        %get3A_655 = vector.shape_cast %get3A_654 : vector<1x16xf32> to vector<16xf32>
        %swap3A_656 = arith.index_cast %while3A_121 : i32 to index
        %swap3A_657 = arith.constant 848 : index
        %swap3A_658 = tpu.vector_load %arg7[%swap3A_656, %swap3A_657] {strides = array<i32>} : memref<32x1024xf32, #tpu.memory_space<vmem>>, vector<1x16xf32>,
        %swap3A_659 = vector.shape_cast %swap3A_658 : vector<1x16xf32> to vector<16xf32>
        %swap3A_660 = vector.shape_cast %get3A_655 : vector<16xf32> to vector<1x16xf32>
        tpu.vector_store %arg7[%swap3A_656, %swap3A_657], %swap3A_660 {strides = array<i32>} : memref<32x1024xf32, #tpu.memory_space<vmem>>, vector<1x16xf32>,
        %get3A_661 = arith.constant 0 : i32
        %get3A_662 = arith.index_cast %get3A_661 : i32 to index
        %get3A_663 = arith.constant 864 : index
        %get3A_664 = tpu.vector_load %arg6[%get3A_662, %get3A_663] {strides = array<i32>} : memref<32x1024xf32, #tpu.memory_space<vmem>>, vector<1x16xf32>,
        %get3A_665 = vector.shape_cast %get3A_664 : vector<1x16xf32> to vector<16xf32>
        %swap3A_666 = arith.index_cast %while3A_121 : i32 to index
        %swap3A_667 = arith.constant 864 : index
        %swap3A_668 = tpu.vector_load %arg7[%swap3A_666, %swap3A_667] {strides = array<i32>} : memref<32x1024xf32, #tpu.memory_space<vmem>>, vector<1x16xf32>,
        %swap3A_669 = vector.shape_cast %swap3A_668 : vector<1x16xf32> to vector<16xf32>
        %swap3A_670 = vector.shape_cast %get3A_665 : vector<16xf32> to vector<1x16xf32>
        tpu.vector_store %arg7[%swap3A_666, %swap3A_667], %swap3A_670 {strides = array<i32>} : memref<32x1024xf32, #tpu.memory_space<vmem>>, vector<1x16xf32>,
        %get3A_671 = arith.constant 0 : i32
        %get3A_672 = arith.index_cast %get3A_671 : i32 to index
        %get3A_673 = arith.constant 880 : index
        %get3A_674 = tpu.vector_load %arg6[%get3A_672, %get3A_673] {strides = array<i32>} : memref<32x1024xf32, #tpu.memory_space<vmem>>, vector<1x16xf32>,
        %get3A_675 = vector.shape_cast %get3A_674 : vector<1x16xf32> to vector<16xf32>
        %swap3A_676 = arith.index_cast %while3A_121 : i32 to index
        %swap3A_677 = arith.constant 880 : index
        %swap3A_678 = tpu.vector_load %arg7[%swap3A_676, %swap3A_677] {strides = array<i32>} : memref<32x1024xf32, #tpu.memory_space<vmem>>, vector<1x16xf32>,
        %swap3A_679 = vector.shape_cast %swap3A_678 : vector<1x16xf32> to vector<16xf32>
        %swap3A_680 = vector.shape_cast %get3A_675 : vector<16xf32> to vector<1x16xf32>
        tpu.vector_store %arg7[%swap3A_676, %swap3A_677], %swap3A_680 {strides = array<i32>} : memref<32x1024xf32, #tpu.memory_space<vmem>>, vector<1x16xf32>,
        %get3A_681 = arith.constant 0 : i32
        %get3A_682 = arith.index_cast %get3A_681 : i32 to index
        %get3A_683 = arith.constant 896 : index
        %get3A_684 = tpu.vector_load %arg6[%get3A_682, %get3A_683] {strides = array<i32>} : memref<32x1024xf32, #tpu.memory_space<vmem>>, vector<1x16xf32>,
        %get3A_685 = vector.shape_cast %get3A_684 : vector<1x16xf32> to vector<16xf32>
        %swap3A_686 = arith.index_cast %while3A_121 : i32 to index
        %swap3A_687 = arith.constant 896 : index
        %swap3A_688 = tpu.vector_load %arg7[%swap3A_686, %swap3A_687] {strides = array<i32>} : memref<32x1024xf32, #tpu.memory_space<vmem>>, vector<1x16xf32>,
        %swap3A_689 = vector.shape_cast %swap3A_688 : vector<1x16xf32> to vector<16xf32>
        %swap3A_690 = vector.shape_cast %get3A_685 : vector<16xf32> to vector<1x16xf32>
        tpu.vector_store %arg7[%swap3A_686, %swap3A_687], %swap3A_690 {strides = array<i32>} : memref<32x1024xf32, #tpu.memory_space<vmem>>, vector<1x16xf32>,
        %get3A_691 = arith.constant 0 : i32
        %get3A_692 = arith.index_cast %get3A_691 : i32 to index
        %get3A_693 = arith.constant 912 : index
        %get3A_694 = tpu.vector_load %arg6[%get3A_692, %get3A_693] {strides = array<i32>} : memref<32x1024xf32, #tpu.memory_space<vmem>>, vector<1x16xf32>,
        %get3A_695 = vector.shape_cast %get3A_694 : vector<1x16xf32> to vector<16xf32>
        %swap3A_696 = arith.index_cast %while3A_121 : i32 to index
        %swap3A_697 = arith.constant 912 : index
        %swap3A_698 = tpu.vector_load %arg7[%swap3A_696, %swap3A_697] {strides = array<i32>} : memref<32x1024xf32, #tpu.memory_space<vmem>>, vector<1x16xf32>,
        %swap3A_699 = vector.shape_cast %swap3A_698 : vector<1x16xf32> to vector<16xf32>
        %swap3A_700 = vector.shape_cast %get3A_695 : vector<16xf32> to vector<1x16xf32>
        tpu.vector_store %arg7[%swap3A_696, %swap3A_697], %swap3A_700 {strides = array<i32>} : memref<32x1024xf32, #tpu.memory_space<vmem>>, vector<1x16xf32>,
        %get3A_701 = arith.constant 0 : i32
        %get3A_702 = arith.index_cast %get3A_701 : i32 to index
        %get3A_703 = arith.constant 928 : index
        %get3A_704 = tpu.vector_load %arg6[%get3A_702, %get3A_703] {strides = array<i32>} : memref<32x1024xf32, #tpu.memory_space<vmem>>, vector<1x16xf32>,
        %get3A_705 = vector.shape_cast %get3A_704 : vector<1x16xf32> to vector<16xf32>
        %swap3A_706 = arith.index_cast %while3A_121 : i32 to index
        %swap3A_707 = arith.constant 928 : index
        %swap3A_708 = tpu.vector_load %arg7[%swap3A_706, %swap3A_707] {strides = array<i32>} : memref<32x1024xf32, #tpu.memory_space<vmem>>, vector<1x16xf32>,
        %swap3A_709 = vector.shape_cast %swap3A_708 : vector<1x16xf32> to vector<16xf32>
        %swap3A_710 = vector.shape_cast %get3A_705 : vector<16xf32> to vector<1x16xf32>
        tpu.vector_store %arg7[%swap3A_706, %swap3A_707], %swap3A_710 {strides = array<i32>} : memref<32x1024xf32, #tpu.memory_space<vmem>>, vector<1x16xf32>,
        %get3A_711 = arith.constant 0 : i32
        %get3A_712 = arith.index_cast %get3A_711 : i32 to index
        %get3A_713 = arith.constant 944 : index
        %get3A_714 = tpu.vector_load %arg6[%get3A_712, %get3A_713] {strides = array<i32>} : memref<32x1024xf32, #tpu.memory_space<vmem>>, vector<1x16xf32>,
        %get3A_715 = vector.shape_cast %get3A_714 : vector<1x16xf32> to vector<16xf32>
        %swap3A_716 = arith.index_cast %while3A_121 : i32 to index
        %swap3A_717 = arith.constant 944 : index
        %swap3A_718 = tpu.vector_load %arg7[%swap3A_716, %swap3A_717] {strides = array<i32>} : memref<32x1024xf32, #tpu.memory_space<vmem>>, vector<1x16xf32>,
        %swap3A_719 = vector.shape_cast %swap3A_718 : vector<1x16xf32> to vector<16xf32>
        %swap3A_720 = vector.shape_cast %get3A_715 : vector<16xf32> to vector<1x16xf32>
        tpu.vector_store %arg7[%swap3A_716, %swap3A_717], %swap3A_720 {strides = array<i32>} : memref<32x1024xf32, #tpu.memory_space<vmem>>, vector<1x16xf32>,
        %get3A_721 = arith.constant 0 : i32
        %get3A_722 = arith.index_cast %get3A_721 : i32 to index
        %get3A_723 = arith.constant 960 : index
        %get3A_724 = tpu.vector_load %arg6[%get3A_722, %get3A_723] {strides = array<i32>} : memref<32x1024xf32, #tpu.memory_space<vmem>>, vector<1x16xf32>,
        %get3A_725 = vector.shape_cast %get3A_724 : vector<1x16xf32> to vector<16xf32>
        %swap3A_726 = arith.index_cast %while3A_121 : i32 to index
        %swap3A_727 = arith.constant 960 : index
        %swap3A_728 = tpu.vector_load %arg7[%swap3A_726, %swap3A_727] {strides = array<i32>} : memref<32x1024xf32, #tpu.memory_space<vmem>>, vector<1x16xf32>,
        %swap3A_729 = vector.shape_cast %swap3A_728 : vector<1x16xf32> to vector<16xf32>
        %swap3A_730 = vector.shape_cast %get3A_725 : vector<16xf32> to vector<1x16xf32>
        tpu.vector_store %arg7[%swap3A_726, %swap3A_727], %swap3A_730 {strides = array<i32>} : memref<32x1024xf32, #tpu.memory_space<vmem>>, vector<1x16xf32>,
        %get3A_731 = arith.constant 0 : i32
        %get3A_732 = arith.index_cast %get3A_731 : i32 to index
        %get3A_733 = arith.constant 976 : index
        %get3A_734 = tpu.vector_load %arg6[%get3A_732, %get3A_733] {strides = array<i32>} : memref<32x1024xf32, #tpu.memory_space<vmem>>, vector<1x16xf32>,
        %get3A_735 = vector.shape_cast %get3A_734 : vector<1x16xf32> to vector<16xf32>
        %swap3A_736 = arith.index_cast %while3A_121 : i32 to index
        %swap3A_737 = arith.constant 976 : index
        %swap3A_738 = tpu.vector_load %arg7[%swap3A_736, %swap3A_737] {strides = array<i32>} : memref<32x1024xf32, #tpu.memory_space<vmem>>, vector<1x16xf32>,
        %swap3A_739 = vector.shape_cast %swap3A_738 : vector<1x16xf32> to vector<16xf32>
        %swap3A_740 = vector.shape_cast %get3A_735 : vector<16xf32> to vector<1x16xf32>
        tpu.vector_store %arg7[%swap3A_736, %swap3A_737], %swap3A_740 {strides = array<i32>} : memref<32x1024xf32, #tpu.memory_space<vmem>>, vector<1x16xf32>,
        %get3A_741 = arith.constant 0 : i32
        %get3A_742 = arith.index_cast %get3A_741 : i32 to index
        %get3A_743 = arith.constant 992 : index
        %get3A_744 = tpu.vector_load %arg6[%get3A_742, %get3A_743] {strides = array<i32>} : memref<32x1024xf32, #tpu.memory_space<vmem>>, vector<1x16xf32>,
        %get3A_745 = vector.shape_cast %get3A_744 : vector<1x16xf32> to vector<16xf32>
        %swap3A_746 = arith.index_cast %while3A_121 : i32 to index
        %swap3A_747 = arith.constant 992 : index
        %swap3A_748 = tpu.vector_load %arg7[%swap3A_746, %swap3A_747] {strides = array<i32>} : memref<32x1024xf32, #tpu.memory_space<vmem>>, vector<1x16xf32>,
        %swap3A_749 = vector.shape_cast %swap3A_748 : vector<1x16xf32> to vector<16xf32>
        %swap3A_750 = vector.shape_cast %get3A_745 : vector<16xf32> to vector<1x16xf32>
        tpu.vector_store %arg7[%swap3A_746, %swap3A_747], %swap3A_750 {strides = array<i32>} : memref<32x1024xf32, #tpu.memory_space<vmem>>, vector<1x16xf32>,
        %get3A_751 = arith.constant 0 : i32
        %get3A_752 = arith.index_cast %get3A_751 : i32 to index
        %get3A_753 = arith.constant 1008 : index
        %get3A_754 = tpu.vector_load %arg6[%get3A_752, %get3A_753] {strides = array<i32>} : memref<32x1024xf32, #tpu.memory_space<vmem>>, vector<1x16xf32>,
        %get3A_755 = vector.shape_cast %get3A_754 : vector<1x16xf32> to vector<16xf32>
        %swap3A_756 = arith.index_cast %while3A_121 : i32 to index
        %swap3A_757 = arith.constant 1008 : index
        %swap3A_758 = tpu.vector_load %arg7[%swap3A_756, %swap3A_757] {strides = array<i32>} : memref<32x1024xf32, #tpu.memory_space<vmem>>, vector<1x16xf32>,
        %swap3A_759 = vector.shape_cast %swap3A_758 : vector<1x16xf32> to vector<16xf32>
        %swap3A_760 = vector.shape_cast %get3A_755 : vector<16xf32> to vector<1x16xf32>
        tpu.vector_store %arg7[%swap3A_756, %swap3A_757], %swap3A_760 {strides = array<i32>} : memref<32x1024xf32, #tpu.memory_space<vmem>>, vector<1x16xf32>,
      }
      "tpu.region"() ({
        %run_scoped3A = tpu.sem_alloc : memref<!tpu.dma_semaphore, #tpu.memory_space<semaphore_mem>>
        %dma_start3A_121 = arith.constant 0 : i32
        %dma_start3A_122 = tpu.memref_slice %arg5[%select_n3A, %add3A_110, %dma_start3A_121] : memref<4x8192x1024xf32, #tpu.memory_space<hbm>> -> memref<1x32x1024xf32, #tpu.memory_space<hbm>>
        %dma_start3A_123 = tpu.memref_squeeze %dma_start3A_122 : memref<1x32x1024xf32, #tpu.memory_space<hbm>> -> memref<32x1024xf32, #tpu.memory_space<hbm>>
        %dma_start3A_124 = arith.constant 0 : i32
        %dma_start3A_125 = tpu.memref_slice %arg5[%select_n3A, %add3A_110, %dma_start3A_124] : memref<4x8192x1024xf32, #tpu.memory_space<hbm>> -> memref<1x32x1024xf32, #tpu.memory_space<hbm>>
        %dma_start3A_126 = tpu.memref_squeeze %dma_start3A_125 : memref<1x32x1024xf32, #tpu.memory_space<hbm>> -> memref<32x1024xf32, #tpu.memory_space<hbm>>
        tpu.enqueue_dma source(%arg7 : memref<32x1024xf32, #tpu.memory_space<vmem>>) target(%dma_start3A_126 : memref<32x1024xf32, #tpu.memory_space<hbm>>) target_semaphore(%run_scoped3A : memref<!tpu.dma_semaphore, #tpu.memory_space<semaphore_mem>>)
        %dma_wait3A_127 = arith.constant 0 : i32
        %dma_wait3A_128 = tpu.memref_slice %arg5[%select_n3A, %add3A_110, %dma_wait3A_127] : memref<4x8192x1024xf32, #tpu.memory_space<hbm>> -> memref<1x32x1024xf32, #tpu.memory_space<hbm>>
        %dma_wait3A_129 = tpu.memref_squeeze %dma_wait3A_128 : memref<1x32x1024xf32, #tpu.memory_space<hbm>> -> memref<32x1024xf32, #tpu.memory_space<hbm>>
        %dma_wait3A_130 = arith.constant 0 : i32
        %dma_wait3A_131 = tpu.memref_slice %arg5[%select_n3A, %add3A_110, %dma_wait3A_130] : memref<4x8192x1024xf32, #tpu.memory_space<hbm>> -> memref<1x32x1024xf32, #tpu.memory_space<hbm>>
        %dma_wait3A_132 = tpu.memref_squeeze %dma_wait3A_131 : memref<1x32x1024xf32, #tpu.memory_space<hbm>> -> memref<32x1024xf32, #tpu.memory_space<hbm>>
        tpu.wait_dma2 semaphore(%run_scoped3A : memref<!tpu.dma_semaphore, #tpu.memory_space<semaphore_mem>>) src(%arg7 : memref<32x1024xf32, #tpu.memory_space<vmem>>) dst(%dma_wait3A_132 : memref<32x1024xf32, #tpu.memory_space<hbm>>)
        tpu.yield
      }) : () -> ()
    } else {
    }
    %while3A_96 = arith.constant 0 : i32
    %while3A_97 = arith.constant 32 : i32
    %while3A_98 = arith.subi %while3A_97, %add3A_52 : i32
    %while3A_99 = arith.addi %add3A_52, %while3A_98 : i32
    %while3A_100 = arith.constant 1 : i32
    %while3A_101 = arith.divsi %while3A_98, %while3A_100 : i32
    %while3A_102 = arith.muli %while3A_101, %while3A_100 : i32
    %while3A_103 = arith.addi %add3A_52, %while3A_102 : i32
    %while3A_104 = arith.constant 1 : i32
    scf.for %while3A_106 = %add3A_52 to %while3A_103 step %while3A_104  : i32 {
      %mul3A_107 = arith.constant 32 : i32
      %mul3A_108 = arith.muli %select_n3A_30, %mul3A_107 : i32
      %mul3A_109 = arith.constant 256 : i32
      %mul3A_110 = arith.muli %while3A_106, %mul3A_109 : i32
      %add3A_111 = arith.addi %mul3A_108, %mul3A_110 : i32
      %dma_wait3A_112 = arith.constant 0 : i32
      %dma_wait3A_113 = tpu.memref_slice %arg5[%select_n3A, %add3A_111, %dma_wait3A_112] : memref<4x8192x1024xf32, #tpu.memory_space<hbm>> -> memref<1x32x1024xf32, #tpu.memory_space<hbm>>
      %dma_wait3A_114 = tpu.memref_squeeze %dma_wait3A_113 : memref<1x32x1024xf32, #tpu.memory_space<hbm>> -> memref<32x1024xf32, #tpu.memory_space<hbm>>
      %dma_wait3A_115 = arith.constant 0 : i32
      %dma_wait3A_116 = tpu.memref_slice %arg5[%select_n3A, %add3A_111, %dma_wait3A_115] : memref<4x8192x1024xf32, #tpu.memory_space<hbm>> -> memref<1x32x1024xf32, #tpu.memory_space<hbm>>
      %dma_wait3A_117 = tpu.memref_squeeze %dma_wait3A_116 : memref<1x32x1024xf32, #tpu.memory_space<hbm>> -> memref<32x1024xf32, #tpu.memory_space<hbm>>
      tpu.wait_dma2 semaphore(%arg10 : memref<!tpu.dma_semaphore, #tpu.memory_space<semaphore_mem>>) src(%arg6 : memref<32x1024xf32, #tpu.memory_space<vmem>>) dst(%dma_wait3A_117 : memref<32x1024xf32, #tpu.memory_space<hbm>>)
    }
    %while3A_105 = arith.constant 1 : i32
    scf.for %while3A_106 = %while3A_103 to %while3A_99 step %while3A_105  : i32 {
      %mul3A_107 = arith.constant 32 : i32
      %mul3A_108 = arith.muli %select_n3A_30, %mul3A_107 : i32
      %mul3A_109 = arith.constant 256 : i32
      %mul3A_110 = arith.muli %while3A_106, %mul3A_109 : i32
      %add3A_111 = arith.addi %mul3A_108, %mul3A_110 : i32
      %dma_wait3A_112 = arith.constant 0 : i32
      %dma_wait3A_113 = tpu.memref_slice %arg5[%select_n3A, %add3A_111, %dma_wait3A_112] : memref<4x8192x1024xf32, #tpu.memory_space<hbm>> -> memref<1x32x1024xf32, #tpu.memory_space<hbm>>
      %dma_wait3A_114 = tpu.memref_squeeze %dma_wait3A_113 : memref<1x32x1024xf32, #tpu.memory_space<hbm>> -> memref<32x1024xf32, #tpu.memory_space<hbm>>
      %dma_wait3A_115 = arith.constant 0 : i32
      %dma_wait3A_116 = tpu.memref_slice %arg5[%select_n3A, %add3A_111, %dma_wait3A_115] : memref<4x8192x1024xf32, #tpu.memory_space<hbm>> -> memref<1x32x1024xf32, #tpu.memory_space<hbm>>
      %dma_wait3A_117 = tpu.memref_squeeze %dma_wait3A_116 : memref<1x32x1024xf32, #tpu.memory_space<hbm>> -> memref<32x1024xf32, #tpu.memory_space<hbm>>
      tpu.wait_dma2 semaphore(%arg10 : memref<!tpu.dma_semaphore, #tpu.memory_space<semaphore_mem>>) src(%arg6 : memref<32x1024xf32, #tpu.memory_space<vmem>>) dst(%dma_wait3A_117 : memref<32x1024xf32, #tpu.memory_space<hbm>>)
    }
    return
  }
}

</mosaic_0001>

<sc_bundles>
// kernel: kernel.3.cloned.1.call-start
scs
__scs_entry_jumppad:
0x0: {  	(pc) =	sbr.rel $0x88, $3  }
0x1: {  	(tag) =	ssettag $0x0;
	lr =	simm.s32 $0x1  }
0x2: {  	[smem:$0x3F9E] =	sst lr;
	_ =	strace $0xD0000000  }
0x3: {  	_ = 	snop  }
0x4: {  	_ = 	snop  }
0x5: {  	_ = 	snop  }
0x6: {  	_ = 	snop  }
0x7: {  	_ = 	snop  }
__scs_overlays_trampoline_lowered:
0x8: {  	[smem:$0x3FAD] =	sst s0  }
0x9: {  	[smem:$0x3FAE] =	sst s1  }
0xa: {  	[smem:$0x3FAF] =	sst s2  }
0xb: {  	[smem:$0x3FB0] =	sst s3  }
0xc: {  	[smem:$0x3FB1] =	sst s4  }
0xd: {  	[smem:$0x3FB2] =	sst s5  }
0xe: {  	[smem:$0x3FB3] =	sst s6  }
0xf: {  	[smem:$0x3FB4] =	sst s7  }
0x10: {  	[smem:$0x3FB5] =	sst s8  }
0x11: {  	[smem:$0x3FB6] =	sst s9;
	s0 =	simm.s32 @!p0 $0x0  }
0x12: {  	s1 =	sld [smem:$0x3F9C];
	s0 =	simm.s32 @p0 $0x1  }
0x13: {  	[smem:$0x3FB7] =	sst s0;
	s0 =	simm.s32 @!p1 $0x0  }
0x14: {  	s2 =	sld [smem:$0x3F9B];
	s0 =	simm.s32 @p1 $0x1  }
0x15: {  	[smem:$0x3FB8] =	sst s0;
	s0 =	simm.s32 @!p2 $0x0  }
0x16: {  	s3 =	sld [smem:$0x3FDB];
	s0 =	simm.s32 @p2 $0x1  }
0x17: {  	s4 =	simm.s32 $0x1BF5;
	[smem:$0x3FBA] =	sst s0  }
0x18: {  	s0 =	sld [smem:$0x3F9D];
	_ =	swait.ge [sflag:s4], $0x0  }
0x19: {  	s7 =	sld [smem:$0x3F9E]  }
0x1a: {  	s8 =	sadd.s32 $0xFFFFE003, lr  }
0x1b: {  	s9 =	sadd.s32 $0xFFFFFEF7, lr;
	s5 =	simm.s32 $0xFFFFFFFF;
	p2 =	slt.u32 s8, $0xFFFFF086  }
0x1c: {  	p1 =	slt.u32 s9, $0xF7A;
	s5 =	simm.s32 @!p2 $0x0  }
0x1d: {  	s5 =	simm.s32 @p1 $0x1;
	p0 =	seq.s32 s7, s2  }
0x1e: {  	s7 =	smul.u32 @!p0 $0xF7A, s2;
	p2 =	seq.s32 @!p0 s5, $0x0  }
0x1f: {  	s9 =	smul.u32 $0xF7A, s1;
	s8 =	simm.s32 @!p0 $0x1BF5;
	p2 =	por !p2, p0  }
0x20: {  	[sflag:s8] =	ssyncset.s32 @!p0 $0xFFFFF086;
	s6 =	sadd.s32 @!p0 s3, s7;
	s7 =	simm.s32 @!p0 $0x108  }
0x21: {  	s3 =	sadd.s32 s3, s9;
	s6 =	sadd.s32 @!p0 $0x88, s6;
	s7 =	simm.s32 @p2 $0x1082  }
0x22: {  	[simem:s7], [sflag:s8] =	dma.local @!p0 [hbm:s6], $0xF7A  }
0x23: {  	s9 =	sor.u32 $0xD0000000, s2;
	s6 =	simm.s32 $0x108;
	_ =	swait.ge @!p0 [sflag:s8], $0x0  }
0x24: {  	s3 =	sadd.s32 $0x88, s3;
	s6 =	simm.s32 @!p1 $0x1082;
	[sflag:s4] =	ssyncset.s32 $0xFFFFF086  }
0x25: {  	[simem:s6], [sflag:s4] =	dma.local [hbm:s3], $0xF7A  }
0x26: {  	[smem:$0x3F9E] =	sst s1;
	(tag) =	ssettag s2;
	_ =	strace s9  }
0x27: {  	s1 =	sld [smem:$0x3FAE]  }
0x28: {  	s2 =	sld [smem:$0x3FAF]  }
0x29: {  	s4 =	sld [smem:$0x3FB1]  }
0x2a: {  	p0 =	seq.s32 s5, $0x0;
	s5 =	sld [smem:$0x3FB2]  }
0x2b: {  	s6 =	sld [smem:$0x3FB3]  }
0x2c: {  	s7 =	sld [smem:$0x3FB4]  }
0x2d: {  	s3 =	simm.s32 $0x108;
	s8 =	sld [smem:$0x3FB5]  }
0x2e: {  	s3 =	simm.s32 @!p0 $0x1082;
	s9 =	sld [smem:$0x3FB6]  }
0x2f: {  	lr =	sadd.s32 s0, s3;
	s0 =	sld [smem:$0x3FAD]  }
0x30: {  	s3 =	sld [smem:$0x3FB0]  }
0x31: {  	[smem:$0x3FB9] =	sst s10  }
0x32: {  	s10 =	sld [smem:$0x3FB7];
	_ =	sdelay $0x3  }
0x33: {  	p0 =	seq.s32 s10, $0x1;
	s10 =	sld [smem:$0x3FB9];
	_ =	sdelay $0x3  }
0x34: {  	[smem:$0x3FB9] =	sst s10  }
0x35: {  	s10 =	sld [smem:$0x3FB8];
	_ =	sdelay $0x3  }
0x36: {  	p1 =	seq.s32 s10, $0x1;
	s10 =	sld [smem:$0x3FB9];
	_ =	sdelay $0x3  }
0x37: {  	[smem:$0x3FB9] =	sst s10  }
0x38: {  	s10 =	sld [smem:$0x3FBA]  }
0x39: {  	_ = 	snop;
	(pc) =	sbr.ind lr, $3  }
0x3a: {  	_ = 	snop  }
0x3b: {  	_ = 	snop  }
0x3c: {  	p2 =	seq.s32 s10, $0x1;
	s10 =	sld [smem:$0x3FB9]  }
0x3d: {  	_ =	shalt  }
0x3e: {  	_ =	shalt  }
0x3f: {  	_ =	shalt  }
0x40: {  	_ =	shalt  }
0x41: {  	_ =	shalt  }
0x42: {  	_ =	shalt  }
0x43: {  	_ =	shalt  }
0x44: {  	_ =	shalt  }
0x45: {  	_ =	shalt  }
0x46: {  	_ =	shalt  }
0x47: {  	_ =	shalt  }
0x48: {  	_ =	shalt  }
0x49: {  	_ =	shalt  }
0x4a: {  	_ =	shalt  }
0x4b: {  	_ =	shalt  }
0x4c: {  	_ =	shalt  }
0x4d: {  	_ =	shalt  }
0x4e: {  	_ =	shalt  }
0x4f: {  	_ =	shalt  }
0x50: {  	_ =	shalt  }
0x51: {  	_ =	shalt  }
0x52: {  	_ =	shalt  }
0x53: {  	_ =	shalt  }
0x54: {  	_ =	shalt  }
0x55: {  	_ =	shalt  }
0x56: {  	_ =	shalt  }
0x57: {  	_ =	shalt  }
0x58: {  	_ =	shalt  }
0x59: {  	_ =	shalt  }
0x5a: {  	_ =	shalt  }
0x5b: {  	_ =	shalt  }
0x5c: {  	_ =	shalt  }
0x5d: {  	_ =	shalt  }
0x5e: {  	_ =	shalt  }
0x5f: {  	_ =	shalt  }
0x60: {  	_ =	shalt  }
0x61: {  	_ =	shalt  }
0x62: {  	_ =	shalt  }
0x63: {  	_ =	shalt  }
0x64: {  	_ =	shalt  }
0x65: {  	_ =	shalt  }
0x66: {  	_ =	shalt  }
0x67: {  	_ =	shalt  }
0x68: {  	_ =	shalt  }
0x69: {  	_ =	shalt  }
0x6a: {  	_ =	shalt  }
0x6b: {  	_ =	shalt  }
0x6c: {  	_ =	shalt  }
0x6d: {  	_ =	shalt  }
0x6e: {  	_ =	shalt  }
0x6f: {  	_ =	shalt  }
0x70: {  	_ =	shalt  }
0x71: {  	_ =	shalt  }
0x72: {  	_ =	shalt  }
0x73: {  	_ =	shalt  }
0x74: {  	_ =	shalt  }
0x75: {  	_ =	shalt  }
0x76: {  	_ =	shalt  }
0x77: {  	_ =	shalt  }
0x78: {  	_ =	shalt  }
0x79: {  	_ =	shalt  }
0x7a: {  	_ =	shalt  }
0x7b: {  	_ =	shalt  }
0x7c: {  	_ =	shalt  }
0x7d: {  	_ =	shalt  }
0x7e: {  	_ =	shalt  }
0x7f: {  	_ =	shalt  }
0x80: {  	_ =	shalt  }
0x81: {  	_ =	shalt  }
0x82: {  	_ =	shalt  }
0x83: {  	_ =	shalt  }
0x84: {  	_ =	shalt  }
0x85: {  	_ =	shalt  }
0x86: {  	_ =	shalt  }
0x87: {  	_ =	shalt  }
.Lfunc_end0:
.L_simem_size_0:
called_computation_lowered:
.L_overlay_start_0:
0x88: {  	s2 =	sld [smem:$0x3FD9]  }
0x89: {  	s3 =	sld [smem:$0x3FFE];
	_ =	sdelay $0x1  }
0x8a: {  	s1 =	srdreg.scid  }
0x8b: {  	s0 =	sand.u32 $0x1, s1  }
0x8c: {  	s17 =	sshll.u32 s0, $0xA;
	s2 =	sadd.s32 s3, s2  }
0x8d: {  	s2 =	sadd.s32 s2, s17  }
0x8e: {  	[smem:$0x3FC5] =	sst s2  }
0x8f: {  	_ = 	snop  }
0x90: {  	s2 =	sld [smem:$0x3FC9]  }
0x91: {  	s18 =	sld [smem:$0x3FD0];
	(tm) =	ssettm $0x1  }
0x92: {  	s4 =	sld [smem:$0x3FFB];
	_ =	sdelay $0x3  }
0x93: {  	_ =	strace s4  }
0x94: {  	s4 =	sld [smem:$0x3FFC];
	_ =	sdelay $0x3  }
0x95: {  	_ =	strace s4  }
0x96: {  	s4 =	sld [smem:$0x3FFD];
	_ =	sdelay $0x3  }
0x97: {  	_ =	strace s4  }
0x98: {  	_ =	strace $0x8FFFFFFF  }
0x99: {  	s19 =	sld [smem:$0x3FDB];
	_ =	sdelay $0x1  }
0x9a: {  	s5 =	simm.s32 $_scs_section_size  }
0x9b: {  	s6 =	simm.s32 $_size__tile_overlayer_lowered;
	s7 =	simm.s32 $_tile_overlayer_lowered  }
0x9c: {  	s22 =	simm.s32 $0x1BFF;
	s21 =	sshll.u32 s7, $0x1;
	s4 =	sadd.s32 s5, s19  }
0x9d: {  	s8 =	simm.s32 $0x0;
	s20 =	sshll.u32 s6, $0x1;
	s6 =	sadd.s32 s21, s4  }
0x9e: {  	[timem:s8], [sflag:s22] =	dma.local [hbm:s6], s20  }
0x9f: {  	_ =	swait.ge [sflag:s22], s20  }
0xa0: {  	s5 =	ssub.s32 $0x0, s20;
	[sflag:s22] =	ssyncset.done $0x0  }
0xa1: {  	[sflag:s22] =	ssyncadd.s32 s5;
	_ =	sdelay $0x1  }
0xa2: {  	s23 =	simm.s32 $0x1B8B  }
0xa3: {  	_ =	swait.ge [sflag:s23], $0x1  }
0xa4: {  	[sflag:s23] =	ssyncset.done $0x0  }
0xa5: {  	s25 =	simm.s32 $0x1B8E;
	s24 =	sld [smem:$0x3FFE];
	[sflag:s23] =	ssyncadd.s32 $0xFFFFFFFF  }
0xa6: {  	s26 =	simm.s32 $execute0_lowered;
	[smem:$0x3FD2] =	sst s25  }
0xa7: {  	s6 =	sshll.u32 s26, $0x1;
	_ =	strace $0x80000046;
	[dreg:$0x1] =	wrdreg $0xFFFFFFFF  }
0xa8: {  	s28 =	simm.s32 $_size_execute0_lowered;
	s4 =	sadd.s32 s4, s6;
	[dreg:$0x0] =	wrdreg $0x0  }
0xa9: {  	s6 =	sshll.u32 s28, $0x1;
	[dreg:$0x2] =	wrdreg s4  }
0xaa: {  	[dreg:$0x3] =	wrdreg s6  }
0xab: {  	[dreg:$0x4] =	wrdreg $0xC0  }
0xac: {  	_ =	task [dreg:s8], $0x5FFFF  }
0xad: {  	[dreg:$0x1] =	wrdreg $0xFFFFFFFF  }
0xae: {  	[dreg:$0x0] =	wrdreg $0x60  }
0xaf: {  	[dreg:$0x2] =	wrdreg s2  }
0xb0: {  	[dreg:$0x3] =	wrdreg s24  }
0xb1: {  	[dreg:$0x4] =	wrdreg s18  }
0xb2: {  	[dreg:$0x5] =	wrdreg $0x9  }
0xb3: {  	_ =	task.clear_ibuf [dreg:s8], $0x6FFFF;
	_ =	strace $0x90000046  }
0xb4: {  	s29 =	simm.s32 $0x9;
	_ =	strace $0x80000048  }
0xb5: {  	_ =	swait.ge [sflag:s29], $0x1  }
0xb6: {  	[sflag:s29] =	ssyncadd.s32 $0xFFFFFFFF  }
0xb7: {  	_ =	strace $0x90000048  }
0xb8: {  	_ =	sfence  }
0xb9: {  	s30 =	sld [smem:$0x0];
	_ =	sdelay $0x2  }
0xba: {  	s31 =	sshll.u32 s1, $0xD;
	s1 =	sshrl.u32 s1, $0x2  }
0xbb: {  	s3 =	sand.u32 $0x4000, s31;
	s1 =	sadd.s32 s1, s30  }
0xbc: {  	s0 =	sor.u32 s3, s0;
	s1 =	sshll.u32 s1, $0x11  }
0xbd: {  	s0 =	sor.u32 s1, s0  }
0xbe: {  	s0 =	sadd.s32 $0x8F2B, s0  }
0xbf: {  	[sflag:s0] =	ssyncadd.remote.s32 $0x1  }
0xc0: {  	_ =	sfence.sel $0xFFFF  }
0xc1: {  	[dreg:$0x0] =	wrdreg $0xFFFFFFFF;
	(pc) =	sbr.abs _section_cstart, $3  }
0xc2: {  	[dreg:$0x1] =	wrdreg $0xFFFFFFFF  }
0xc3: {  	_ =	task.clear_ibuf [dreg:s8], $0x2FFFF;
	_ =	strace $0x9FFFFFFF  }
0xc4: {  	(tm) =	ssettm $0x7FFFFFFF  }
0xc5: {  	_ =	shalt  }
tec
execute0_lowered:
.L_overlay_start_1:
0x0: {  	(tag) =	ssettag $0x1  }
0x1: {  	s1 =	rddreg [dreg:$0x0]  }
0x2: {  	s5 =	rddreg [dreg:$0x1];
	s0 =	srdreg.scid  }
0x3: {  	s3 =	rddreg [dreg:$0x2];
	s26 =	stileid.u32;
	s4 =	simm.s32 $0x0  }
0x4: {  	s10 =	simm.s32 $0x1;
	s15 =	simm.s32 $0x3;
	s6 =	sand.u32 $0x1, s0  }
0x5: {  	s16 =	simm.s32 $0x2;
	s17 =	simm.s32 $0x8000;
	s7 =	sshll.u32 s6, $0x4  }
0x6: {  	s18 =	simm.s32 $0x6;
	s8 =	sand.u32 $0x7, s26;
	s7 =	sor.u32 s26, s7  }
0x7: {  	s19 =	simm.s32 $0x0;
	p1 =	sne.s32 s8, $0x0;
	p0 =	seq.s32 s7, $0x0  }
0x8: {  	[smem:$0x7FF] =	sst s4;
	s11 =	ssub.s32 $0x2, s6;
	p0 =	por !p1, !p0  }
0x9: {  	_ =	strace $0x80000047;
	s29 =	sshrl.u32 s11, $0x1;
	p0 =	por !p0, !p0  }
0xa: {  	s9 =	sshll.u32 s7, $0x4;
	s7 =	sshrl.u32 s7, $0x3;
	s10 =	simm.s32 @!p0 $0x0  }
0xb: {  	s30 =	sshll.u32 s8, $0xF;
	s13 =	ssub.s32 s11, s29;
	s28 =	ssub.s32 s7, s10  }
.Ltmp0:
0xc: {  	s7 =	sshll.u32 s26, $0xF;
	s6 =	sshll.u32 s28, $0x17;
	(pc) =	sbr.rel .LBB2_1-.Ltmp0, $4  }
0xd: {  	s9 =	sadd.s32 s9, s5;
	s5 =	sadd.s32 $0xA00, s5;
	s31 =	sor.u32 s6, s7  }
0xe: {  	s8 =	sadd.s32 $0x800, s9;
	s9 =	sor.u32 s30, s6;
	s11 =	sor.u32 $0x40000, s31  }
0xf: {  	s13 =	smax.u32 s13, $0x1;
	s12 =	sshrl.u32 s9, $0x3;
	s14 =	sshrl.u32 s11, $0x3  }
0x10: {  	s10 =	simm.s32 $0x1;
	s11 =	sadd.s32 s1, s12;
	s12 =	sadd.s32 s1, s14  }
.LBB2_17:
0x11: {  	[sflag:s10] =	ssyncadd.s32 $0xFFFF8000  }
.LBB2_18:
0x12: {  	s19 =	sadd.s32 $0x1, s19  }
0x13: {  	p0 =	sne.s32 s19, s13  }
.Ltmp1:
0x14: {  	_ = 	snop;
	(pc) =	sbr.rel @!p0 .LBB2_19-.Ltmp1, $1  }
0x15: {  	_ =	sdelay $0x3  }
.LBB2_1:
0x16: {  	[tilespmem:s4], [sflag:$0x2] =	stream.linear.gather [hbm4b:s5+s4], $0x8000, $0x38;
	[tilespmem:$0x18080] =	vst v63  }
0x17: {  	s0 =	simm.s32 $0x18000  }
0x18: {  	[tilespmem:s0], [sflag:$0x3] =	stream.linear.gather [hbm4b:s8+s4], $0x80, $0x38;
	[tilespmem:$0x18080] =	vst v63  }
0x19: {  	_ =	swait.ge [sflag:s15], $0x80  }
0x1a: {  	[sflag:s15] =	ssyncset.done $0x0  }
0x1b: {  	[sflag:s15] =	ssyncadd.s32 $0xFFFFFF80  }
0x1c: {  	_ =	swait.ge [sflag:s16], $0x8000  }
0x1d: {  	[sflag:s16] =	ssyncset.done $0x0  }
0x1e: {  	[sflag:s16] =	ssyncadd.s32 $0xFFFF8000  }
0x1f: {  	v0 =	vld [tilespmem:$0x18000];
	_ =	sdelay $0x4  }
0x20: {  	(v2sf) =	vpush v0, $0x0  }
0x21: {  	(v2sf) =	vpush v0, $0x1;
	_ =	sdelay $0xd  }
0x22: {  	s22 =	spop (v2sf)  }
0x23: {  	s21 =	spop (v2sf)  }
0x24: {  	s20 =	simm.s32 $0x1;
	p0 =	sgt.s32 s21, $0x0  }
0x25: {  	s20 =	simm.s32 @!p0 $0x0  }
0x26: {  	s23 =	sadd.s32 s20, s22  }
0x27: {  	p0 =	sgt.s32 s23, $0x1F  }
.Ltmp2:
0x28: {  	_ = 	snop;
	(pc) =	sbr.rel @p0 .LBB2_5-.Ltmp2, $2  }
0x29: {  	_ =	sdelay $0x2  }
0x2a: {  	s20 =	ssub.s32 $0x20, s23  }
0x2b: {  	p1 =	sne.s32 s20, $0x1  }
.Ltmp3:
0x2c: {  	_ = 	snop;
	(pc) =	sbr.rel @!p1 .LBB2_4-.Ltmp3, $4  }
0x2d: {  	s23 =	sshll.u32 s23, $0x12  }
0x2e: {  	s24 =	sadd.s32 s23, s9  }
0x2f: {  	s25 =	sshrl.u32 s24, $0x3  }
0x30: {  	s23 =	sadd.s32 $0xFFFFFFFF, s20;
	s24 =	sadd.s32 $0x40000, s24;
	s25 =	sadd.s32 s3, s25  }
.LBB2_3:
0x31: {  	[hbm4b:s25+s4] =	stream.linear.scatter [tilespmem:s4], [sflag:$0x1], $0x8000, $0x38;
	[tilespmem:$0x18080] =	vst v63  }
0x32: {  	p1 =	sne.s32 s23, $0x1  }
.Ltmp4:
0x33: {  	s23 =	sadd.s32 $0xFFFFFFFF, s23;
	(pc) =	sbr.rel @p1 .LBB2_3-.Ltmp4, $3  }
0x34: {  	_ =	sdelay $0x1  }
0x35: {  	s25 =	sshrl.u32 s24, $0x3  }
0x36: {  	s24 =	sadd.s32 $0x40000, s24;
	s25 =	sadd.s32 s3, s25  }
.LBB2_4:
0x37: {  	[hbm4b:s25+s4] =	stream.linear.scatter [tilespmem:s4], [sflag:$0x1], $0x8000, $0x38;
	[tilespmem:$0x18080] =	vst v63  }
.LBB2_5:
0x38: {  	p1 =	slt.s32 s22, $0x1  }
.Ltmp5:
0x39: {  	_ = 	snop;
	(pc) =	sbr.rel @p1 .LBB2_9-.Ltmp5, $1  }
0x3a: {  	_ =	sdelay $0x3  }
0x3b: {  	[tilespmem:s17], [sflag:$0x2] =	stream.linear.gather [hbm4b:s11+s4], $0x8000, $0x38;
	[tilespmem:$0x18080] =	vst v63  }
0x3c: {  	p1 =	seq.s32 s22, $0x1;
	s31 =	simm.s32 $0x0  }
0x3d: {  	s25 =	sadd.s32 $0x80000, s9;
	s23 =	simm.s32 @!p1 $0x0;
	s24 =	simm.s32 @!p1 $0x10000  }
0x3e: {  	[tilespmem:s24], [sflag:$0x3] =	stream.linear.gather @!p1 [hbm4b:s12+s23], $0x8000, $0x38;
	[tilespmem:$0x18080] =	vst v63  }
0x3f: {  	s25 =	sadd.s32 $0xFFF80000, s25;
	s23 =	sand.u32 $0x1, s31  }
0x40: {  	s25 =	sshrl.u32 s25, $0x3;
	p2 =	seq.s32 s23, $0x1  }
0x41: {  	s23 =	simm.s32 $0x80000;
	s24 =	simm.s32 @p2 $0x3;
	p3 =	sle.s32 @p2 s22, $0x2  }
0x42: {  	s25 =	sadd.s32 s3, s25;
	_ =	swait.ge @p2 [sflag:s24], $0x8000;
	p3 =	por p3, !p2  }
0x43: {  	s29 =	simm.s32 @p2 $0x0;
	[sflag:s24] =	ssyncset.done @p2 $0x0;
	s26 =	simm.s32 @!p3 $0x5  }
0x44: {  	s28 =	sor.u32 @!p3 s7, s23;
	[sflag:s24] =	ssyncadd.s32 @p2 $0xFFFF8000;
	s24 =	simm.s32 @p2 $0x10000  }
0x45: {  	[hbm4b:s25+s29] =	stream.linear.scatter @p2 [tilespmem:s24], [sflag:$0x5], $0x8000, $0x38;
	[tilespmem:$0x18080] =	vst v63  }
0x46: {  	s30 =	simm.s32 @!p2 $0x2;
	s28 =	sadd.s32 @!p3 s6, s28;
	_ =	swait.ge @!p3 [sflag:s26], $0x8000  }
0x47: {  	s24 =	sshrl.u32 @!p3 s28, $0x3;
	s28 =	simm.s32 @!p3 $0x0;
	[sflag:s26] =	ssyncset.done @!p3 $0x0  }
0x48: {  	s29 =	simm.s32 @!p3 $0x10000;
	s24 =	sadd.s32 @!p3 s1, s24;
	[sflag:s26] =	ssyncadd.s32 @!p3 $0xFFFF8000  }
0x49: {  	[tilespmem:s29], [sflag:$0x3] =	stream.linear.gather @!p3 [hbm4b:s24+s28], $0x8000, $0x38;
	[tilespmem:$0x18080] =	vst v63  }
0x4a: {  	_ =	swait.ge @!p2 [sflag:s30], $0x8000  }
0x4b: {  	s26 =	simm.s32 @!p2 $0x0;
	[sflag:s30] =	ssyncset.done @!p2 $0x0  }
0x4c: {  	p3 =	sle.s32 @!p2 s22, $0x2;
	s28 =	simm.s32 @!p2 $0x8000;
	[sflag:s30] =	ssyncadd.s32 @!p2 $0xFFFF8000  }
0x4d: {  	[hbm4b:s25+s26] =	stream.linear.scatter @!p2 [tilespmem:s28], [sflag:$0x4], $0x8000, $0x38;
	[tilespmem:$0x18080] =	vst v63  }
0x4e: {  	p4 =	por p3, p2;
	p2 =	sne.s32 s22, $0x1  }
.Ltmp6:
0x4f: {  	_ = 	snop;
	(pc) =	sbr.rel @!p2 .LBB2_8-.Ltmp6, $4  }
0x50: {  	_ = 	snop  }
0x51: {  	s29 =	sadd.s32 @!p4 $0x80000, s9  }
0x52: {  	s24 =	simm.s32 $0x1;
	s25 =	simm.s32 @!p4 $0x4;
	s28 =	sshrl.u32 @!p4 s29, $0x3  }
0x53: {  	s26 =	simm.s32 @!p4 $0x8000;
	s29 =	simm.s32 @!p4 $0x0;
	s28 =	sadd.s32 @!p4 s1, s28  }
.LBB2_7:
0x54: {  	_ =	swait.ge @!p4 [sflag:s25], $0x8000  }
0x55: {  	s23 =	sadd.s32 $0x40000, s23;
	s30 =	smov.u32 s24;
	s24 =	sadd.s32 $0x1, s24  }
0x56: {  	p2 =	sne.s32 s22, s24;
	[sflag:s25] =	ssyncset.done @!p4 $0x0  }
0x57: {  	s31 =	sand.u32 $0x1, s30;
	[sflag:s25] =	ssyncadd.s32 @!p4 $0xFFFF8000  }
0x58: {  	[tilespmem:s26], [sflag:$0x2] =	stream.linear.gather @!p4 [hbm4b:s28+s29], $0x8000, $0x38;
	[tilespmem:$0x18080] =	vst v63  }
0x59: {  	p3 =	seq.s32 s31, $0x1;
	s25 =	sadd.s32 $0x2, s30  }
0x5a: {  	p5 =	sge.s32 @p3 s25, s22;
	s26 =	simm.s32 @p3 $0x3;
	p4 =	sge.s32 @!p3 s25, s22  }
0x5b: {  	_ =	swait.ge @p3 [sflag:s26], $0x8000  }
0x5c: {  	s25 =	sadd.s32 s23, s9;
	p5 =	por p5, !p3;
	[sflag:s26] =	ssyncset.done @p3 $0x0  }
0x5d: {  	s25 =	sadd.s32 $0xFFF80000, s25;
	[sflag:s26] =	ssyncadd.s32 @p3 $0xFFFF8000;
	s26 =	simm.s32 @p3 $0x10000  }
0x5e: {  	s25 =	sshrl.u32 s25, $0x3;
	s28 =	simm.s32 @!p5 $0x5;
	s29 =	sor.u32 @!p5 s7, s23  }
0x5f: {  	s30 =	sadd.s32 s3, s25;
	s25 =	simm.s32 @p3 $0x0;
	s29 =	sadd.s32 @!p5 s6, s29  }
0x60: {  	s31 =	simm.s32 @!p5 $0x0;
	s0 =	simm.s32 @!p5 $0x10000;
	s29 =	sshrl.u32 @!p5 s29, $0x3  }
0x61: {  	[hbm4b:s30+s25] =	stream.linear.scatter @p3 [tilespmem:s26], [sflag:$0x5], $0x8000, $0x38;
	[tilespmem:$0x18080] =	vst v63  }
0x62: {  	s25 =	sadd.s32 @!p5 s1, s29;
	s29 =	simm.s32 @!p3 $0x2;
	_ =	swait.ge @!p5 [sflag:s28], $0x8000  }
0x63: {  	p4 =	por p4, p3;
	[sflag:s28] =	ssyncset.done @!p5 $0x0  }
0x64: {  	s2 =	simm.s32 @!p3 $0x0;
	s14 =	simm.s32 @!p3 $0x8000;
	[sflag:s28] =	ssyncadd.s32 @!p5 $0xFFFF8000  }
0x65: {  	[tilespmem:s0], [sflag:$0x3] =	stream.linear.gather @!p5 [hbm4b:s25+s31], $0x8000, $0x38;
	[tilespmem:$0x18080] =	vst v63  }
.Ltmp7:
0x66: {  	_ = 	snop;
	(pc) =	sbr.rel @p2 .LBB2_7-.Ltmp7, $4  }
0x67: {  	s25 =	simm.s32 @!p4 $0x4;
	s0 =	sadd.s32 @!p4 s23, s9;
	_ =	swait.ge @!p3 [sflag:s29], $0x8000  }
0x68: {  	s26 =	simm.s32 @!p4 $0x8000;
	s0 =	sshrl.u32 @!p4 s0, $0x3;
	[sflag:s29] =	ssyncset.done @!p3 $0x0  }
0x69: {  	s28 =	sadd.s32 @!p4 s1, s0;
	[sflag:s29] =	ssyncadd.s32 @!p3 $0xFFFF8000;
	s29 =	simm.s32 @!p4 $0x0  }
0x6a: {  	[hbm4b:s30+s2] =	stream.linear.scatter @!p3 [tilespmem:s14], [sflag:$0x4], $0x8000, $0x38;
	[tilespmem:$0x18080] =	vst v63  }
.LBB2_8:
0x6b: {  	_ =	swait.ge @!p4 [sflag:s25], $0x8000;
	s0 =	sand.u32 @!p1 $0x1, s22  }
0x6c: {  	[sflag:s25] =	ssyncset.done @!p4 $0x0;
	p2 =	seq.s32 @!p1 s0, $0x1  }
0x6d: {  	s0 =	simm.s32 @!p1 $0x5;
	[sflag:s25] =	ssyncadd.s32 @!p4 $0xFFFF8000;
	p2 =	por !p2, p1  }
0x6e: {  	[tilespmem:s26], [sflag:$0x2] =	stream.linear.gather @!p4 [hbm4b:s28+s29], $0x8000, $0x38;
	[tilespmem:$0x18080] =	vst v63  }
0x6f: {  	s0 =	simm.s32 @p2 $0x4  }
0x70: {  	s2 =	sand.u32 $0x1, s22;
	_ =	swait.ge @!p1 [sflag:s0], $0x8000  }
0x71: {  	p2 =	seq.s32 s2, $0x1;
	s2 =	simm.s32 $0x4;
	[sflag:s0] =	ssyncset.done @!p1 $0x0  }
0x72: {  	s2 =	simm.s32 @!p2 $0x5;
	[sflag:s0] =	ssyncadd.s32 @!p1 $0xFFFF8000  }
0x73: {  	_ =	swait.ge [sflag:s2], $0x8000  }
0x74: {  	[sflag:s2] =	ssyncset.done $0x0  }
0x75: {  	[sflag:s2] =	ssyncadd.s32 $0xFFFF8000  }
.LBB2_9:
0x76: {  	p1 =	slt.s32 s21, $0x1  }
.Ltmp8:
0x77: {  	_ = 	snop;
	(pc) =	sbr.rel @p1 .LBB2_14-.Ltmp8, $1  }
0x78: {  	_ =	sdelay $0x3  }
0x79: {  	s0 =	sshll.u32 s22, $0x12  }
0x7a: {  	s0 =	sadd.s32 s0, s9  }
0x7b: {  	p1 =	sgt.u32 s21, $0x1F;
	s22 =	sshrl.u32 s0, $0x3  }
.Ltmp9:
0x7c: {  	s0 =	sadd.s32 s1, s22;
	(pc) =	sbr.rel @p1 .LBB2_13-.Ltmp9, $4  }
0x7d: {  	[tilespmem:s17], [sflag:$0x6] =	stream.linear.gather [hbm4b:s0+s4], $0x8000, $0x38;
	[tilespmem:$0x18080] =	vst v63  }
0x7e: {  	_ =	swait.ge [sflag:s18], $0x8000  }
0x7f: {  	[sflag:s18] =	ssyncset.done $0x0  }
0x80: {  	[sflag:s18] =	ssyncadd.s32 $0xFFFF8000  }
0x81: {  	s23 =	ssub.s32 $0x20, s21;
	s24 =	sshll.u32 s21, $0x7;
	s21 =	sshll.u32 s21, $0xA  }
.LBB2_12:
0x82: {  	v0 =	vld [tilespmem:$0x0];
	_ =	sdelay $0x2  }
0x83: {  	s25 =	sand.u32 $0x380, s24;
	s0 =	sand.u32 $0x7FFFE000, s21  }
0x84: {  	s26 =	sor.u32 s25, s0  }
0x85: {  	[tilespmem:s26+$0x8000] =	vst v0  }
0x86: {  	v0 =	vld [tilespmem:$0x10];
	_ =	sdelay $0x4  }
0x87: {  	[tilespmem:s26+$0x8010] =	vst v0  }
0x88: {  	v0 =	vld [tilespmem:$0x20];
	_ =	sdelay $0x4  }
0x89: {  	[tilespmem:s26+$0x8020] =	vst v0  }
0x8a: {  	v0 =	vld [tilespmem:$0x30];
	_ =	sdelay $0x4  }
0x8b: {  	[tilespmem:s26+$0x8030] =	vst v0  }
0x8c: {  	v0 =	vld [tilespmem:$0x40];
	_ =	sdelay $0x4  }
0x8d: {  	[tilespmem:s26+$0x8040] =	vst v0  }
0x8e: {  	v0 =	vld [tilespmem:$0x50];
	_ =	sdelay $0x4  }
0x8f: {  	[tilespmem:s26+$0x8050] =	vst v0  }
0x90: {  	v0 =	vld [tilespmem:$0x60];
	_ =	sdelay $0x4  }
0x91: {  	[tilespmem:s26+$0x8060] =	vst v0  }
0x92: {  	v0 =	vld [tilespmem:$0x70];
	_ =	sdelay $0x4  }
0x93: {  	[tilespmem:s26+$0x8070] =	vst v0  }
0x94: {  	v0 =	vld [tilespmem:$0x400];
	_ =	sdelay $0x4  }
0x95: {  	[tilespmem:s26+$0x8400] =	vst v0  }
0x96: {  	v0 =	vld [tilespmem:$0x410];
	_ =	sdelay $0x4  }
0x97: {  	[tilespmem:s26+$0x8410] =	vst v0  }
0x98: {  	v0 =	vld [tilespmem:$0x420];
	_ =	sdelay $0x4  }
0x99: {  	[tilespmem:s26+$0x8420] =	vst v0  }
0x9a: {  	v0 =	vld [tilespmem:$0x430];
	_ =	sdelay $0x4  }
0x9b: {  	[tilespmem:s26+$0x8430] =	vst v0  }
0x9c: {  	v0 =	vld [tilespmem:$0x440];
	_ =	sdelay $0x4  }
0x9d: {  	[tilespmem:s26+$0x8440] =	vst v0  }
0x9e: {  	v0 =	vld [tilespmem:$0x450];
	_ =	sdelay $0x4  }
0x9f: {  	[tilespmem:s26+$0x8450] =	vst v0  }
0xa0: {  	v0 =	vld [tilespmem:$0x460];
	_ =	sdelay $0x4  }
0xa1: {  	[tilespmem:s26+$0x8460] =	vst v0  }
0xa2: {  	v0 =	vld [tilespmem:$0x470];
	_ =	sdelay $0x4  }
0xa3: {  	[tilespmem:s26+$0x8470] =	vst v0  }
0xa4: {  	v0 =	vld [tilespmem:$0x800];
	_ =	sdelay $0x4  }
0xa5: {  	[tilespmem:s26+$0x8800] =	vst v0  }
0xa6: {  	v0 =	vld [tilespmem:$0x810];
	_ =	sdelay $0x4  }
0xa7: {  	[tilespmem:s26+$0x8810] =	vst v0  }
0xa8: {  	v0 =	vld [tilespmem:$0x820];
	_ =	sdelay $0x4  }
0xa9: {  	[tilespmem:s26+$0x8820] =	vst v0  }
0xaa: {  	v0 =	vld [tilespmem:$0x830];
	_ =	sdelay $0x4  }
0xab: {  	[tilespmem:s26+$0x8830] =	vst v0  }
0xac: {  	v0 =	vld [tilespmem:$0x840];
	_ =	sdelay $0x4  }
0xad: {  	[tilespmem:s26+$0x8840] =	vst v0  }
0xae: {  	v0 =	vld [tilespmem:$0x850];
	_ =	sdelay $0x4  }
0xaf: {  	[tilespmem:s26+$0x8850] =	vst v0  }
0xb0: {  	v0 =	vld [tilespmem:$0x860];
	_ =	sdelay $0x4  }
0xb1: {  	[tilespmem:s26+$0x8860] =	vst v0  }
0xb2: {  	v0 =	vld [tilespmem:$0x870];
	_ =	sdelay $0x4  }
0xb3: {  	[tilespmem:s26+$0x8870] =	vst v0  }
0xb4: {  	v0 =	vld [tilespmem:$0xC00];
	_ =	sdelay $0x4  }
0xb5: {  	[tilespmem:s26+$0x8C00] =	vst v0  }
0xb6: {  	v0 =	vld [tilespmem:$0xC10];
	_ =	sdelay $0x4  }
0xb7: {  	[tilespmem:s26+$0x8C10] =	vst v0  }
0xb8: {  	v0 =	vld [tilespmem:$0xC20];
	_ =	sdelay $0x4  }
0xb9: {  	[tilespmem:s26+$0x8C20] =	vst v0  }
0xba: {  	v0 =	vld [tilespmem:$0xC30];
	_ =	sdelay $0x4  }
0xbb: {  	[tilespmem:s26+$0x8C30] =	vst v0  }
0xbc: {  	v0 =	vld [tilespmem:$0xC40];
	_ =	sdelay $0x4  }
0xbd: {  	[tilespmem:s26+$0x8C40] =	vst v0  }
0xbe: {  	v0 =	vld [tilespmem:$0xC50];
	_ =	sdelay $0x4  }
0xbf: {  	[tilespmem:s26+$0x8C50] =	vst v0  }
0xc0: {  	v0 =	vld [tilespmem:$0xC60];
	_ =	sdelay $0x4  }
0xc1: {  	[tilespmem:s26+$0x8C60] =	vst v0  }
0xc2: {  	v0 =	vld [tilespmem:$0xC70];
	_ =	sdelay $0x4  }
0xc3: {  	[tilespmem:s26+$0x8C70] =	vst v0  }
0xc4: {  	v0 =	vld [tilespmem:$0x1000];
	_ =	sdelay $0x4  }
0xc5: {  	[tilespmem:s26+$0x9000] =	vst v0  }
0xc6: {  	v0 =	vld [tilespmem:$0x1010];
	_ =	sdelay $0x4  }
0xc7: {  	[tilespmem:s26+$0x9010] =	vst v0  }
0xc8: {  	v0 =	vld [tilespmem:$0x1020];
	_ =	sdelay $0x4  }
0xc9: {  	[tilespmem:s26+$0x9020] =	vst v0  }
0xca: {  	v0 =	vld [tilespmem:$0x1030];
	_ =	sdelay $0x4  }
0xcb: {  	[tilespmem:s26+$0x9030] =	vst v0  }
0xcc: {  	v0 =	vld [tilespmem:$0x1040];
	_ =	sdelay $0x4  }
0xcd: {  	[tilespmem:s26+$0x9040] =	vst v0  }
0xce: {  	v0 =	vld [tilespmem:$0x1050];
	_ =	sdelay $0x4  }
0xcf: {  	[tilespmem:s26+$0x9050] =	vst v0  }
0xd0: {  	v0 =	vld [tilespmem:$0x1060];
	_ =	sdelay $0x4  }
0xd1: {  	[tilespmem:s26+$0x9060] =	vst v0  }
0xd2: {  	v0 =	vld [tilespmem:$0x1070];
	_ =	sdelay $0x4  }
0xd3: {  	[tilespmem:s26+$0x9070] =	vst v0  }
0xd4: {  	v0 =	vld [tilespmem:$0x1400];
	_ =	sdelay $0x4  }
0xd5: {  	[tilespmem:s26+$0x9400] =	vst v0  }
0xd6: {  	v0 =	vld [tilespmem:$0x1410];
	_ =	sdelay $0x4  }
0xd7: {  	[tilespmem:s26+$0x9410] =	vst v0  }
0xd8: {  	v0 =	vld [tilespmem:$0x1420];
	_ =	sdelay $0x4  }
0xd9: {  	[tilespmem:s26+$0x9420] =	vst v0  }
0xda: {  	v0 =	vld [tilespmem:$0x1430];
	_ =	sdelay $0x4  }
0xdb: {  	[tilespmem:s26+$0x9430] =	vst v0  }
0xdc: {  	v0 =	vld [tilespmem:$0x1440];
	_ =	sdelay $0x4  }
0xdd: {  	[tilespmem:s26+$0x9440] =	vst v0  }
0xde: {  	v0 =	vld [tilespmem:$0x1450];
	_ =	sdelay $0x4  }
0xdf: {  	[tilespmem:s26+$0x9450] =	vst v0  }
0xe0: {  	v0 =	vld [tilespmem:$0x1460];
	_ =	sdelay $0x4  }
0xe1: {  	[tilespmem:s26+$0x9460] =	vst v0  }
0xe2: {  	v0 =	vld [tilespmem:$0x1470];
	_ =	sdelay $0x4  }
0xe3: {  	[tilespmem:s26+$0x9470] =	vst v0  }
0xe4: {  	v0 =	vld [tilespmem:$0x1800];
	_ =	sdelay $0x4  }
0xe5: {  	[tilespmem:s26+$0x9800] =	vst v0  }
0xe6: {  	v0 =	vld [tilespmem:$0x1810];
	_ =	sdelay $0x4  }
0xe7: {  	[tilespmem:s26+$0x9810] =	vst v0  }
0xe8: {  	v0 =	vld [tilespmem:$0x1820];
	_ =	sdelay $0x4  }
0xe9: {  	[tilespmem:s26+$0x9820] =	vst v0  }
0xea: {  	v0 =	vld [tilespmem:$0x1830];
	_ =	sdelay $0x4  }
0xeb: {  	[tilespmem:s26+$0x9830] =	vst v0  }
0xec: {  	v0 =	vld [tilespmem:$0x1840];
	_ =	sdelay $0x4  }
0xed: {  	[tilespmem:s26+$0x9840] =	vst v0  }
0xee: {  	v0 =	vld [tilespmem:$0x1850];
	_ =	sdelay $0x4  }
0xef: {  	[tilespmem:s26+$0x9850] =	vst v0  }
0xf0: {  	v0 =	vld [tilespmem:$0x1860];
	_ =	sdelay $0x4  }
0xf1: {  	[tilespmem:s26+$0x9860] =	vst v0  }
0xf2: {  	v0 =	vld [tilespmem:$0x1870];
	_ =	sdelay $0x4  }
0xf3: {  	[tilespmem:s26+$0x9870] =	vst v0  }
0xf4: {  	v0 =	vld [tilespmem:$0x1C00];
	_ =	sdelay $0x2  }
0xf5: {  	s14 =	sadd.s32 s25, s21  }
0xf6: {  	s2 =	sor.u32 $0x1C00, s14  }
0xf7: {  	[tilespmem:s2+$0x8000] =	vst v0  }
0xf8: {  	v0 =	vld [tilespmem:$0x1C10];
	_ =	sdelay $0x3  }
0xf9: {  	s25 =	sor.u32 $0x1C10, s14  }
0xfa: {  	[tilespmem:s25+$0x8000] =	vst v0  }
0xfb: {  	v0 =	vld [tilespmem:$0x1C20];
	_ =	sdelay $0x3  }
0xfc: {  	s26 =	sor.u32 $0x1C20, s14  }
0xfd: {  	[tilespmem:s26+$0x8000] =	vst v0  }
0xfe: {  	v0 =	vld [tilespmem:$0x1C30];
	_ =	sdelay $0x3  }
0xff: {  	s28 =	sor.u32 $0x1C30, s14  }
0x100: {  	[tilespmem:s28+$0x8000] =	vst v0  }
0x101: {  	v0 =	vld [tilespmem:$0x1C40];
	_ =	sdelay $0x3  }
0x102: {  	s29 =	sor.u32 $0x1C40, s14  }
0x103: {  	[tilespmem:s29+$0x8000] =	vst v0  }
0x104: {  	v0 =	vld [tilespmem:$0x1C50];
	_ =	sdelay $0x3  }
0x105: {  	s30 =	sor.u32 $0x1C50, s14  }
0x106: {  	[tilespmem:s30+$0x8000] =	vst v0  }
0x107: {  	v0 =	vld [tilespmem:$0x1C60];
	_ =	sdelay $0x3  }
0x108: {  	s31 =	sor.u32 $0x1C60, s14  }
0x109: {  	[tilespmem:s31+$0x8000] =	vst v0  }
0x10a: {  	p1 =	sne.s32 s23, $0x1;
	v0 =	vld [tilespmem:$0x1C70]  }
.Ltmp10:
0x10b: {  	_ = 	snop;
	(pc) =	sbr.rel @p1 .LBB2_12-.Ltmp10, $3  }
0x10c: {  	_ =	sdelay $0x1  }
0x10d: {  	s0 =	sor.u32 $0x1C70, s14  }
0x10e: {  	s24 =	sadd.s32 $0x80, s24;
	s23 =	sadd.s32 $0xFFFFFFFF, s23;
	s21 =	sadd.s32 $0x400, s21;
	[tilespmem:s0+$0x8000] =	vst v0  }
.LBB2_13:
0x10f: {  	s0 =	sadd.s32 s3, s22  }
0x110: {  	[hbm4b:s0+s4] =	stream.linear.scatter [tilespmem:s17], [sflag:$0x6], $0x8000, $0x38;
	[tilespmem:$0x18080] =	vst v63  }
0x111: {  	_ =	swait.ge [sflag:s18], $0x8000  }
0x112: {  	[sflag:s18] =	ssyncset.done $0x0  }
0x113: {  	[sflag:s18] =	ssyncadd.s32 $0xFFFF8000  }
.LBB2_14:
.Ltmp11:
0x114: {  	(pc) =	sbr.rel @p0 .LBB2_18-.Ltmp11, $1  }
0x115: {  	_ =	sdelay $0x3  }
0x116: {  	p0 =	sne.s32 s20, $0x1  }
.Ltmp12:
0x117: {  	_ = 	snop;
	(pc) =	sbr.rel @!p0 .LBB2_17-.Ltmp12, $3  }
0x118: {  	_ =	sdelay $0x1  }
0x119: {  	_ =	swait.ge [sflag:s10], $0x8000  }
0x11a: {  	s20 =	sadd.s32 $0xFFFFFFFF, s20;
	[sflag:s10] =	ssyncset.done $0x0  }
.LBB2_16:
0x11b: {  	p0 =	sne.s32 s20, $0x1;
	s20 =	sadd.s32 $0xFFFFFFFF, s20;
	[sflag:s10] =	ssyncadd.s32 $0xFFFF8000  }
.Ltmp13:
0x11c: {  	(pc) =	sbr.rel @p0 .LBB2_16-.Ltmp13, $3  }
0x11d: {  	_ =	sdelay $0x1  }
0x11e: {  	_ =	swait.ge [sflag:s10], $0x8000  }
0x11f: {  	[sflag:s10] =	ssyncset.done $0x0  }
.Ltmp14:
0x120: {  	_ = 	snop;
	(pc) =	sbr.rel .LBB2_17-.Ltmp14, $1  }
0x121: {  	_ =	sdelay $0x3  }
.LBB2_19:
0x122: {  	_ =	sfence.sel $0x180000  }
0x123: {  	[bflag:$0x0] =	sbarrier.arrive $0xFFFF  }
0x124: {  	_ =	strace $0x90000047  }
0x125: {  	s0 =	stileid.u32;
	[bflag:$0x2] =	sbarrier.arrive $0xFFFF  }
0x126: {  	p0 =	sne.s32 s0, $0x0;
	s0 =	rddreg [dreg:$0x3]  }
0x127: {  	s0 =	sadd.s32 @!p0 $0x100000, s0  }
0x128: {  	[sflag:s0] =	ssyncadd.tile.s32 @!p0 $0x1;
	_ =	shalt  }
.Lfunc_end2:
_tile_overlayer_lowered:
.L_overlay_start_2:
0x129: {  	(tag) =	ssettag $0x2  }
0x12a: {  	s0 =	rddreg [dreg:$0x0];
	s2 =	stileid.u32  }
0x12b: {  	s1 =	rddreg [dreg:$0x1];
	p0 =	sne.s32 s2, $0x0  }
0x12c: {  	s3 =	rddreg [dreg:$0x2];
	[bflag:$0x3] =	sbarrier.arrive $0xFFFF;
	s2 =	simm.s32 @!p0 $0x1C06  }
0x12d: {  	[timem:s3], [sflag:s2] =	dma.local @!p0 [hbm:s0], s1  }
0x12e: {  	s0 =	simm.s32 @!p0 $0x6  }
0x12f: {  	_ =	swait.ge @!p0 [sflag:s0], s1  }
0x130: {  	s1 =	ssub.s32 @!p0 $0x0, s1;
	[sflag:s0] =	ssyncset.done @!p0 $0x0  }
0x131: {  	[sflag:s0] =	ssyncadd.s32 @!p0 s1  }
0x132: {  	[bflag:$0x3] =	sbarrier.arrive $0xFFFF  }
0x133: {  	_ =	shalt  }

</sc_bundles>
